<compile_context>
chip_gen: v7x
topology: tpu7x:2x2x1
jax: 0.10.2.dev20260603
libtpu: 0.0.44.dev20260713+nightly
codegen_flags: <defaults>
</compile_context>

<pallas_src>
import functools

import jax
import jax.numpy as jnp
from jax import lax
from jax.experimental import pallas as pl
from jax.experimental.pallas import tpu as pltpu
from jax.experimental.pallas import tpu_sc as plsc

TOPK = 8


def _scores_body(x1_ref, x2_ref, wt_ref, s_out_ref):
    h2 = x1_ref.shape[1]
    logits = (jnp.dot(x1_ref[...], wt_ref[0:h2],
                      preferred_element_type=jnp.float32) +
              jnp.dot(x2_ref[...], wt_ref[h2:2 * h2],
                      preferred_element_type=jnp.float32))
    s_out_ref[...] = jax.nn.sigmoid(logits)


def _tc_scores(x, wt, tok0, ctokens):
    tokens, hidden = x.shape
    n_experts = wt.shape[1]
    tb = 1024
    blk0 = tok0 // tb
    return pl.pallas_call(
        _scores_body,
        grid=(ctokens // tb,),
        in_specs=[
            pl.BlockSpec((tb, hidden // 2), lambda i: (blk0 + i, 0)),
            pl.BlockSpec((tb, hidden // 2), lambda i: (blk0 + i, 1)),
            pl.BlockSpec((hidden, n_experts), lambda i: (0, 0)),
        ],
        out_specs=pl.BlockSpec((tb, n_experts), lambda i: (i, 0)),
        out_shape=jax.ShapeDtypeStruct((ctokens, n_experts), jnp.float32),
    )(x, x, wt)


def _sc_topk(scores, router_bias, *, tokens, n_experts):
    info = plsc.get_sparse_core_info()
    nc, ns, nl = info.num_cores, info.num_subcores, info.num_lanes
    nw = nc * ns
    tpw = tokens // nw
    mesh = plsc.VectorSubcoreMesh(core_axis_name="c", subcore_axis_name="s")

    @functools.partial(
        pl.kernel, mesh=mesh,
        out_type=[
            jax.ShapeDtypeStruct((tokens * TOPK,), jnp.float32),
            jax.ShapeDtypeStruct((tokens * TOPK,), jnp.int32),
        ],
        scratch_types=[
            pltpu.VMEM((tpw * n_experts,), jnp.float32),
            pltpu.VMEM((n_experts,), jnp.float32),
            pltpu.VMEM((tpw * TOPK + nl,), jnp.float32),
            pltpu.VMEM((tpw * TOPK + nl,), jnp.int32),
            pltpu.SemaphoreType.DMA,
        ],
        compiler_params=pltpu.CompilerParams(needs_layout_passes=False),
    )
    def k(scores_hbm, bias_hbm, w_hbm, i_hbm, sc_v, bias_v, wout_v, iout_v,
          sem):
        lane = lax.iota(jnp.int32, nl)
        lo_mask = lane < TOPK
        wid = lax.axis_index("s") * nc + lax.axis_index("c")
        base = wid * tpw
        pltpu.sync_copy(scores_hbm.at[pl.ds(base * n_experts,
                                            tpw * n_experts)], sc_v)
        pltpu.sync_copy(bias_hbm, bias_v)

        bias_vregs = [bias_v[pl.ds(j * nl, nl)] for j in range(4)]

        @plsc.parallel_loop(0, tpw, 1, unroll=4)
        def body(t):
            off = t * n_experts
            ks, vs = [], []
            for j in range(4):
                kj = sc_v[pl.ds(off + j * nl, nl)] + bias_vregs[j]
                vj = lane + j * nl
                sk, sv = plsc.sort_key_val(kj, vj, descending=(j % 2 == 0))
                ks.append(sk)
                vs.append(sv)
            k01 = jnp.where(lo_mask, ks[0], ks[1])
            v01 = jnp.where(lo_mask, vs[0], vs[1])
            k23 = jnp.where(lo_mask, ks[2], ks[3])
            v23 = jnp.where(lo_mask, vs[2], vs[3])
            k01, v01 = plsc.sort_key_val(k01, v01, descending=True)
            k23, v23 = plsc.sort_key_val(k23, v23, descending=False)
            kf = jnp.where(lo_mask, k01, k23)
            vf = jnp.where(lo_mask, v01, v23)
            kf, vf = plsc.sort_key_val(kf, vf, descending=True)
            bsel = plsc.load_gather(bias_v, [vf])
            w = jnp.abs(kf - bsel)
            wm = jnp.where(lo_mask, w, 0.0)
            cs = plsc.cumsum(wm)
            l1 = jnp.maximum(lax.rev(cs, (0,)), 1e-12)
            plsc.store_compressed(wout_v.at[pl.ds(t * TOPK, nl)], wm / l1,
                                  mask=lo_mask)
            plsc.store_compressed(iout_v.at[pl.ds(t * TOPK, nl)], vf,
                                  mask=lo_mask)

        pltpu.sync_copy(wout_v.at[pl.ds(0, tpw * TOPK)],
                        w_hbm.at[pl.ds(base * TOPK, tpw * TOPK)])
        pltpu.sync_copy(iout_v.at[pl.ds(0, tpw * TOPK)],
                        i_hbm.at[pl.ds(base * TOPK, tpw * TOPK)])

    return k(scores.reshape(tokens * n_experts), router_bias)


def kernel(x, W, router_bias):
    tokens, hidden = x.shape
    n_experts = W.shape[0]
    wt = W.T
    splits = (tokens // 2, tokens // 2)
    starts = (0, tokens // 2)
    s0 = _tc_scores(x, wt, starts[0], splits[0])
    o0 = _sc_topk(s0, router_bias, tokens=splits[0], n_experts=n_experts)
    s1 = _tc_scores(x, wt, starts[1], splits[1])
    o1 = _sc_topk(s1, router_bias, tokens=splits[1], n_experts=n_experts)
    outs = [o0, o1]
    ws = [w.reshape(ct, TOPK) for (w, _), ct in zip(outs, splits)]
    idxs = [i.reshape(ct, TOPK) for (_, i), ct in zip(outs, splits)]
    return (jnp.concatenate(ws, axis=0), jnp.concatenate(idxs, axis=0))

# --- scband reference (transcript-rebuilt; emitter-appended) ---
"""Pipeline reference for scband-router-with-balance-9277129360119 (READ-ONLY COPY).

The authoritative reference and input builder live on the scoring server;
editing this copy changes nothing except your own understanding.
"""

import jax, jax.numpy as jnp
import numpy as np

TOPK = 8
EXPERTS = 64
HIDDEN = 4096
TOKENS = 16384

def setup_inputs(seed: int = 0) -> dict:
    key = jax.random.key(seed)
    k1, k2 = jax.random.split(key)
    x = jax.random.normal(k1, (TOKENS, HIDDEN), dtype=jnp.float32)
    W = jax.random.normal(k2, (EXPERTS, HIDDEN), dtype=jnp.float32) * 0.02
    router_bias = jnp.zeros((EXPERTS,), dtype=jnp.float32)
    return {"x": x, "W": W, "router_bias": router_bias}

def reference(x, W, router_bias):
    # logits = router_linear(x)  (bias=False)
    logits = x @ W.T
    scores = jax.nn.sigmoid(logits)
    balancing_scores = scores + router_bias
    topk_scores, topk_indices = jax.lax.top_k(balancing_scores, TOPK)
    final_weights = jnp.take_along_axis(scores, topk_indices, axis=-1)
    # F.normalize(final_weights, p=1, dim=-1): x / max(||x||_1, eps), eps=1e-12
    l1 = jnp.maximum(jnp.sum(jnp.abs(final_weights), axis=-1, keepdims=True), 1e-12)
    final_weights = final_weights / l1
    return (final_weights, topk_indices)

if __name__ == "__main__":
    import jax
    _d = setup_inputs()
    print(jax.jit(kernel)(*tuple(_d.values())))

</pallas_src>

<mosaic_0001>
#map = affine_map<(d0, d1) -> (0)>
module attributes {stable_mosaic.version = 14 : i64} {
  func.func @k(%arg0: i32, %arg1: i32, %arg2: memref<524288xf32, #tpu.memory_space<hbm>>, %arg3: memref<64xf32, #tpu.memory_space<hbm>>, %arg4: memref<65536xf32, #tpu.memory_space<hbm>>, %arg5: memref<65536xi32, #tpu.memory_space<hbm>>, %arg6: memref<16384xf32, #tpu.memory_space<vmem>>, %arg7: memref<64xf32, #tpu.memory_space<vmem>>, %arg8: memref<2064xf32, #tpu.memory_space<vmem>>, %arg9: memref<2064xi32, #tpu.memory_space<vmem>>, %arg10: memref<!tpu.dma_semaphore, #tpu.memory_space<semaphore_mem>>) attributes {dimension_semantics = [#tpu.dimension_semantics<core_parallel>, #tpu.dimension_semantics<subcore_parallel>], iteration_bounds = array<i64: 2, 16>, scalar_prefetch = 0 : i64, scratch_operands = 5 : i64, tpu.core_type = #tpu.core_type<sc_vector_subcore>, window_params = [{transform_indices = #map}, {transform_indices = #map}, {transform_indices = #map}, {transform_indices = #map}]} {
    %iota3A = tpu.iota {dimensions = array<i32: 0>} : vector<16xi32>
    %lt3A = arith.constant 8 : i32
    %lt3A_0 = vector.broadcast %lt3A : i32 to vector<16xi32>
    %lt3A_1 = arith.cmpi slt, %iota3A, %lt3A_0 : vector<16xi32>
    %mul3A = arith.constant 2 : i32
    %mul3A_2 = arith.muli %arg1, %mul3A : i32
    %add3A = arith.addi %mul3A_2, %arg0 : i32
    %mul3A_3 = arith.constant 256 : i32
    %mul3A_4 = arith.muli %add3A, %mul3A_3 : i32
    %mul3A_5 = arith.constant 64 : i32
    %mul3A_6 = arith.muli %mul3A_4, %mul3A_5 : i32
    "tpu.region"() ({
      %run_scoped3A = tpu.sem_alloc : memref<!tpu.dma_semaphore, #tpu.memory_space<semaphore_mem>>
      %dma_start3A = tpu.memref_slice %arg2[%mul3A_6] : memref<524288xf32, #tpu.memory_space<hbm>> -> memref<16384xf32, #tpu.memory_space<hbm>>
      %dma_start3A_20 = tpu.memref_slice %arg2[%mul3A_6] : memref<524288xf32, #tpu.memory_space<hbm>> -> memref<16384xf32, #tpu.memory_space<hbm>>
      tpu.enqueue_dma source(%dma_start3A_20 : memref<16384xf32, #tpu.memory_space<hbm>>) target(%arg6 : memref<16384xf32, #tpu.memory_space<vmem>>) target_semaphore(%run_scoped3A : memref<!tpu.dma_semaphore, #tpu.memory_space<semaphore_mem>>)
      %dma_wait3A = tpu.memref_slice %arg2[%mul3A_6] : memref<524288xf32, #tpu.memory_space<hbm>> -> memref<16384xf32, #tpu.memory_space<hbm>>
      %dma_wait3A_21 = tpu.memref_slice %arg2[%mul3A_6] : memref<524288xf32, #tpu.memory_space<hbm>> -> memref<16384xf32, #tpu.memory_space<hbm>>
      tpu.wait_dma2 semaphore(%run_scoped3A : memref<!tpu.dma_semaphore, #tpu.memory_space<semaphore_mem>>) src(%dma_wait3A_21 : memref<16384xf32, #tpu.memory_space<hbm>>) dst(%arg6 : memref<16384xf32, #tpu.memory_space<vmem>>)
      tpu.yield
    }) : () -> ()
    "tpu.region"() ({
      %run_scoped3A = tpu.sem_alloc : memref<!tpu.dma_semaphore, #tpu.memory_space<semaphore_mem>>
      tpu.enqueue_dma source(%arg3 : memref<64xf32, #tpu.memory_space<hbm>>) target(%arg7 : memref<64xf32, #tpu.memory_space<vmem>>) target_semaphore(%run_scoped3A : memref<!tpu.dma_semaphore, #tpu.memory_space<semaphore_mem>>)
      tpu.wait_dma2 semaphore(%run_scoped3A : memref<!tpu.dma_semaphore, #tpu.memory_space<semaphore_mem>>) src(%arg3 : memref<64xf32, #tpu.memory_space<hbm>>) dst(%arg7 : memref<64xf32, #tpu.memory_space<vmem>>)
      tpu.yield
    }) : () -> ()
    %get3A = arith.constant 0 : index
    %get3A_7 = tpu.vector_load %arg7[%get3A] {strides = array<i32>} : memref<64xf32, #tpu.memory_space<vmem>>, vector<16xf32>,
    %get3A_8 = arith.constant 16 : index
    %get3A_9 = tpu.vector_load %arg7[%get3A_8] {strides = array<i32>} : memref<64xf32, #tpu.memory_space<vmem>>, vector<16xf32>,
    %get3A_10 = arith.constant 32 : index
    %get3A_11 = tpu.vector_load %arg7[%get3A_10] {strides = array<i32>} : memref<64xf32, #tpu.memory_space<vmem>>, vector<16xf32>,
    %get3A_12 = arith.constant 48 : index
    %get3A_13 = tpu.vector_load %arg7[%get3A_12] {strides = array<i32>} : memref<64xf32, #tpu.memory_space<vmem>>, vector<16xf32>,
    %parallel_loop3A = arith.constant 0 : i32
    %parallel_loop3A_14 = arith.constant 256 : i32
    %parallel_loop3A_15 = arith.constant 1 : i32
    scf.for %parallel_loop3A_20 = %parallel_loop3A to %parallel_loop3A_14 step %parallel_loop3A_15  : i32 {
      %parallel_loop3A_21 = arith.constant 64 : i32
      %parallel_loop3A_22 = arith.muli %parallel_loop3A_20, %parallel_loop3A_21 : i32
      %parallel_loop3A_23 = arith.constant 0 : i32
      %parallel_loop3A_24 = arith.addi %parallel_loop3A_22, %parallel_loop3A_23 : i32
      %parallel_loop3A_25 = arith.index_cast %parallel_loop3A_24 : i32 to index
      %parallel_loop3A_26 = tpu.vector_load %arg6[%parallel_loop3A_25] {strides = array<i32>} : memref<16384xf32, #tpu.memory_space<vmem>>, vector<16xf32>,
      %parallel_loop3A_27 = arith.addf %parallel_loop3A_26, %get3A_7 : vector<16xf32>
      %parallel_loop3A_28 = arith.constant 0 : i32
      %parallel_loop3A_29 = vector.broadcast %parallel_loop3A_28 : i32 to vector<16xi32>
      %parallel_loop3A_30 = arith.addi %iota3A, %parallel_loop3A_29 : vector<16xi32>
      %parallel_loop3A_31 = arith.constant dense<true> : vector<16xi1>
      %parallel_loop3A_32, %parallel_loop3A_33, %parallel_loop3A_34 = tpu.sort %parallel_loop3A_27, %parallel_loop3A_30 masked %parallel_loop3A_31 {descending = true} : (vector<16xf32>, vector<16xi32>, vector<16xi1>) -> (vector<16xi1>, vector<16xf32>, vector<16xi32>)
      %parallel_loop3A_35 = arith.constant 16 : i32
      %parallel_loop3A_36 = arith.addi %parallel_loop3A_22, %parallel_loop3A_35 : i32
      %parallel_loop3A_37 = arith.index_cast %parallel_loop3A_36 : i32 to index
      %parallel_loop3A_38 = tpu.vector_load %arg6[%parallel_loop3A_37] {strides = array<i32>} : memref<16384xf32, #tpu.memory_space<vmem>>, vector<16xf32>,
      %parallel_loop3A_39 = arith.addf %parallel_loop3A_38, %get3A_9 : vector<16xf32>
      %parallel_loop3A_40 = arith.constant 16 : i32
      %parallel_loop3A_41 = vector.broadcast %parallel_loop3A_40 : i32 to vector<16xi32>
      %parallel_loop3A_42 = arith.addi %iota3A, %parallel_loop3A_41 : vector<16xi32>
      %parallel_loop3A_43 = arith.constant dense<true> : vector<16xi1>
      %parallel_loop3A_44, %parallel_loop3A_45, %parallel_loop3A_46 = tpu.sort %parallel_loop3A_39, %parallel_loop3A_42 masked %parallel_loop3A_43 : (vector<16xf32>, vector<16xi32>, vector<16xi1>) -> (vector<16xi1>, vector<16xf32>, vector<16xi32>)
      %parallel_loop3A_47 = arith.constant 32 : i32
      %parallel_loop3A_48 = arith.addi %parallel_loop3A_22, %parallel_loop3A_47 : i32
      %parallel_loop3A_49 = arith.index_cast %parallel_loop3A_48 : i32 to index
      %parallel_loop3A_50 = tpu.vector_load %arg6[%parallel_loop3A_49] {strides = array<i32>} : memref<16384xf32, #tpu.memory_space<vmem>>, vector<16xf32>,
      %parallel_loop3A_51 = arith.addf %parallel_loop3A_50, %get3A_11 : vector<16xf32>
      %parallel_loop3A_52 = arith.constant 32 : i32
      %parallel_loop3A_53 = vector.broadcast %parallel_loop3A_52 : i32 to vector<16xi32>
      %parallel_loop3A_54 = arith.addi %iota3A, %parallel_loop3A_53 : vector<16xi32>
      %parallel_loop3A_55 = arith.constant dense<true> : vector<16xi1>
      %parallel_loop3A_56, %parallel_loop3A_57, %parallel_loop3A_58 = tpu.sort %parallel_loop3A_51, %parallel_loop3A_54 masked %parallel_loop3A_55 {descending = true} : (vector<16xf32>, vector<16xi32>, vector<16xi1>) -> (vector<16xi1>, vector<16xf32>, vector<16xi32>)
      %parallel_loop3A_59 = arith.constant 48 : i32
      %parallel_loop3A_60 = arith.addi %parallel_loop3A_22, %parallel_loop3A_59 : i32
      %parallel_loop3A_61 = arith.index_cast %parallel_loop3A_60 : i32 to index
      %parallel_loop3A_62 = tpu.vector_load %arg6[%parallel_loop3A_61] {strides = array<i32>} : memref<16384xf32, #tpu.memory_space<vmem>>, vector<16xf32>,
      %parallel_loop3A_63 = arith.addf %parallel_loop3A_62, %get3A_13 : vector<16xf32>
      %parallel_loop3A_64 = arith.constant 48 : i32
      %parallel_loop3A_65 = vector.broadcast %parallel_loop3A_64 : i32 to vector<16xi32>
      %parallel_loop3A_66 = arith.addi %iota3A, %parallel_loop3A_65 : vector<16xi32>
      %parallel_loop3A_67 = arith.constant dense<true> : vector<16xi1>
      %parallel_loop3A_68, %parallel_loop3A_69, %parallel_loop3A_70 = tpu.sort %parallel_loop3A_63, %parallel_loop3A_66 masked %parallel_loop3A_67 : (vector<16xf32>, vector<16xi32>, vector<16xi1>) -> (vector<16xi1>, vector<16xf32>, vector<16xi32>)
      %parallel_loop3A_71 = arith.select %lt3A_1, %parallel_loop3A_33, %parallel_loop3A_45 : vector<16xi1>, vector<16xf32>
      %parallel_loop3A_72 = arith.select %lt3A_1, %parallel_loop3A_34, %parallel_loop3A_46 : vector<16xi1>, vector<16xi32>
      %parallel_loop3A_73 = arith.select %lt3A_1, %parallel_loop3A_57, %parallel_loop3A_69 : vector<16xi1>, vector<16xf32>
      %parallel_loop3A_74 = arith.select %lt3A_1, %parallel_loop3A_58, %parallel_loop3A_70 : vector<16xi1>, vector<16xi32>
      %parallel_loop3A_75 = arith.constant dense<true> : vector<16xi1>
      %parallel_loop3A_76, %parallel_loop3A_77, %parallel_loop3A_78 = tpu.sort %parallel_loop3A_71, %parallel_loop3A_72 masked %parallel_loop3A_75 {descending = true} : (vector<16xf32>, vector<16xi32>, vector<16xi1>) -> (vector<16xi1>, vector<16xf32>, vector<16xi32>)
      %parallel_loop3A_79 = arith.constant dense<true> : vector<16xi1>
      %parallel_loop3A_80, %parallel_loop3A_81, %parallel_loop3A_82 = tpu.sort %parallel_loop3A_73, %parallel_loop3A_74 masked %parallel_loop3A_79 : (vector<16xf32>, vector<16xi32>, vector<16xi1>) -> (vector<16xi1>, vector<16xf32>, vector<16xi32>)
      %parallel_loop3A_83 = arith.select %lt3A_1, %parallel_loop3A_77, %parallel_loop3A_81 : vector<16xi1>, vector<16xf32>
      %parallel_loop3A_84 = arith.select %lt3A_1, %parallel_loop3A_78, %parallel_loop3A_82 : vector<16xi1>, vector<16xi32>
      %parallel_loop3A_85 = arith.constant dense<true> : vector<16xi1>
      %parallel_loop3A_86, %parallel_loop3A_87, %parallel_loop3A_88 = tpu.sort %parallel_loop3A_83, %parallel_loop3A_84 masked %parallel_loop3A_85 {descending = true} : (vector<16xf32>, vector<16xi32>, vector<16xi1>) -> (vector<16xi1>, vector<16xf32>, vector<16xi32>)
      %parallel_loop3A_89 = tpu.vector_load_idx %arg7[%parallel_loop3A_88] : memref<64xf32, #tpu.memory_space<vmem>>[vector<16xi32>], vector<16xf32>,
      %parallel_loop3A_90 = arith.subf %parallel_loop3A_87, %parallel_loop3A_89 : vector<16xf32>
      %parallel_loop3A_91 = math.absf %parallel_loop3A_90 : vector<16xf32>
      %parallel_loop3A_92 = arith.constant 0.000000e+00 : f32
      %parallel_loop3A_93 = vector.broadcast %parallel_loop3A_92 : f32 to vector<16xf32>
      %parallel_loop3A_94 = arith.select %lt3A_1, %parallel_loop3A_91, %parallel_loop3A_93 : vector<16xi1>, vector<16xf32>
      %parallel_loop3A_95 = arith.constant true
      %parallel_loop3A_96 = vector.broadcast %parallel_loop3A_95 : i1 to vector<16xi1>
      %parallel_loop3A_97 = tpu.scan <sum>, %parallel_loop3A_94 masked %parallel_loop3A_96 : vector<16xf32>, vector<16xi1> -> vector<16xf32>
      %parallel_loop3A_98 = arith.constant 15 : i32
      %parallel_loop3A_99 = vector.broadcast %parallel_loop3A_98 : i32 to vector<16xi32>
      %parallel_loop3A_100 = tpu.iota {dimensions = array<i32: 0>} : vector<16xi32>
      %parallel_loop3A_101 = arith.subi %parallel_loop3A_99, %parallel_loop3A_100 : vector<16xi32>
      %parallel_loop3A_102 = tpu.dynamic_gather %parallel_loop3A_97[%parallel_loop3A_101] in [0] : vector<16xf32>, vector<16xi32> -> vector<16xf32>
      %parallel_loop3A_103 = arith.constant 9.99999996E-13 : f32
      %parallel_loop3A_104 = vector.broadcast %parallel_loop3A_103 : f32 to vector<16xf32>
      %parallel_loop3A_105 = arith.maximumf %parallel_loop3A_102, %parallel_loop3A_104 : vector<16xf32>
      %parallel_loop3A_106 = arith.constant 8 : i32
      %parallel_loop3A_107 = arith.muli %parallel_loop3A_20, %parallel_loop3A_106 : i32
      %parallel_loop3A_108 = arith.divf %parallel_loop3A_94, %parallel_loop3A_105 : vector<16xf32>
      %parallel_loop3A_109 = arith.index_cast %parallel_loop3A_107 : i32 to index
      %parallel_loop3A_110 = tpu.vector_load %arg8[%parallel_loop3A_109] masked %lt3A_1 {strides = array<i32>} : memref<2064xf32, #tpu.memory_space<vmem>>, vector<16xf32>, vector<16xi1>
      tpu.vector_store %arg8[%parallel_loop3A_109], %parallel_loop3A_108 masked %lt3A_1 {strides = array<i32>} : memref<2064xf32, #tpu.memory_space<vmem>>, vector<16xf32>, vector<16xi1>
      %parallel_loop3A_111 = arith.constant 8 : i32
      %parallel_loop3A_112 = arith.muli %parallel_loop3A_20, %parallel_loop3A_111 : i32
      %parallel_loop3A_113 = arith.index_cast %parallel_loop3A_112 : i32 to index
      %parallel_loop3A_114 = tpu.vector_load %arg9[%parallel_loop3A_113] masked %lt3A_1 {strides = array<i32>} : memref<2064xi32, #tpu.memory_space<vmem>>, vector<16xi32>, vector<16xi1>
      tpu.vector_store %arg9[%parallel_loop3A_113], %parallel_loop3A_88 masked %lt3A_1 {strides = array<i32>} : memref<2064xi32, #tpu.memory_space<vmem>>, vector<16xi32>, vector<16xi1>
    } {sc.loop_unroll_factor = 4 : i64, sc.parallel_access}
    %mul3A_16 = arith.constant 8 : i32
    %mul3A_17 = arith.muli %mul3A_4, %mul3A_16 : i32
    "tpu.region"() ({
      %run_scoped3A = tpu.sem_alloc : memref<!tpu.dma_semaphore, #tpu.memory_space<semaphore_mem>>
      %dma_start3A = arith.constant 0 : i32
      %dma_start3A_20 = tpu.memref_slice %arg8[%dma_start3A] : memref<2064xf32, #tpu.memory_space<vmem>> -> memref<2048xf32, #tpu.memory_space<vmem>>
      %dma_start3A_21 = tpu.memref_slice %arg4[%mul3A_17] : memref<65536xf32, #tpu.memory_space<hbm>> -> memref<2048xf32, #tpu.memory_space<hbm>>
      %dma_start3A_22 = tpu.memref_slice %arg4[%mul3A_17] : memref<65536xf32, #tpu.memory_space<hbm>> -> memref<2048xf32, #tpu.memory_space<hbm>>
      %dma_start3A_23 = arith.constant 0 : i32
      %dma_start3A_24 = tpu.memref_slice %arg8[%dma_start3A_23] : memref<2064xf32, #tpu.memory_space<vmem>> -> memref<2048xf32, #tpu.memory_space<vmem>>
      tpu.enqueue_dma source(%dma_start3A_24 : memref<2048xf32, #tpu.memory_space<vmem>>) target(%dma_start3A_22 : memref<2048xf32, #tpu.memory_space<hbm>>) target_semaphore(%run_scoped3A : memref<!tpu.dma_semaphore, #tpu.memory_space<semaphore_mem>>)
      %dma_wait3A = arith.constant 0 : i32
      %dma_wait3A_25 = tpu.memref_slice %arg8[%dma_wait3A] : memref<2064xf32, #tpu.memory_space<vmem>> -> memref<2048xf32, #tpu.memory_space<vmem>>
      %dma_wait3A_26 = tpu.memref_slice %arg4[%mul3A_17] : memref<65536xf32, #tpu.memory_space<hbm>> -> memref<2048xf32, #tpu.memory_space<hbm>>
      %dma_wait3A_27 = tpu.memref_slice %arg4[%mul3A_17] : memref<65536xf32, #tpu.memory_space<hbm>> -> memref<2048xf32, #tpu.memory_space<hbm>>
      %dma_wait3A_28 = arith.constant 0 : i32
      %dma_wait3A_29 = tpu.memref_slice %arg8[%dma_wait3A_28] : memref<2064xf32, #tpu.memory_space<vmem>> -> memref<2048xf32, #tpu.memory_space<vmem>>
      tpu.wait_dma2 semaphore(%run_scoped3A : memref<!tpu.dma_semaphore, #tpu.memory_space<semaphore_mem>>) src(%dma_wait3A_29 : memref<2048xf32, #tpu.memory_space<vmem>>) dst(%dma_wait3A_27 : memref<2048xf32, #tpu.memory_space<hbm>>)
      tpu.yield
    }) : () -> ()
    %mul3A_18 = arith.constant 8 : i32
    %mul3A_19 = arith.muli %mul3A_4, %mul3A_18 : i32
    "tpu.region"() ({
      %run_scoped3A = tpu.sem_alloc : memref<!tpu.dma_semaphore, #tpu.memory_space<semaphore_mem>>
      %dma_start3A = arith.constant 0 : i32
      %dma_start3A_20 = tpu.memref_slice %arg9[%dma_start3A] : memref<2064xi32, #tpu.memory_space<vmem>> -> memref<2048xi32, #tpu.memory_space<vmem>>
      %dma_start3A_21 = tpu.memref_slice %arg5[%mul3A_19] : memref<65536xi32, #tpu.memory_space<hbm>> -> memref<2048xi32, #tpu.memory_space<hbm>>
      %dma_start3A_22 = tpu.memref_slice %arg5[%mul3A_19] : memref<65536xi32, #tpu.memory_space<hbm>> -> memref<2048xi32, #tpu.memory_space<hbm>>
      %dma_start3A_23 = arith.constant 0 : i32
      %dma_start3A_24 = tpu.memref_slice %arg9[%dma_start3A_23] : memref<2064xi32, #tpu.memory_space<vmem>> -> memref<2048xi32, #tpu.memory_space<vmem>>
      tpu.enqueue_dma source(%dma_start3A_24 : memref<2048xi32, #tpu.memory_space<vmem>>) target(%dma_start3A_22 : memref<2048xi32, #tpu.memory_space<hbm>>) target_semaphore(%run_scoped3A : memref<!tpu.dma_semaphore, #tpu.memory_space<semaphore_mem>>)
      %dma_wait3A = arith.constant 0 : i32
      %dma_wait3A_25 = tpu.memref_slice %arg9[%dma_wait3A] : memref<2064xi32, #tpu.memory_space<vmem>> -> memref<2048xi32, #tpu.memory_space<vmem>>
      %dma_wait3A_26 = tpu.memref_slice %arg5[%mul3A_19] : memref<65536xi32, #tpu.memory_space<hbm>> -> memref<2048xi32, #tpu.memory_space<hbm>>
      %dma_wait3A_27 = tpu.memref_slice %arg5[%mul3A_19] : memref<65536xi32, #tpu.memory_space<hbm>> -> memref<2048xi32, #tpu.memory_space<hbm>>
      %dma_wait3A_28 = arith.constant 0 : i32
      %dma_wait3A_29 = tpu.memref_slice %arg9[%dma_wait3A_28] : memref<2064xi32, #tpu.memory_space<vmem>> -> memref<2048xi32, #tpu.memory_space<vmem>>
      tpu.wait_dma2 semaphore(%run_scoped3A : memref<!tpu.dma_semaphore, #tpu.memory_space<semaphore_mem>>) src(%dma_wait3A_29 : memref<2048xi32, #tpu.memory_space<vmem>>) dst(%dma_wait3A_27 : memref<2048xi32, #tpu.memory_space<hbm>>)
      tpu.yield
    }) : () -> ()
    return
  }
}

#map = affine_map<(d0, d1) -> (0)>
module attributes {stable_mosaic.version = 14 : i64} {
  func.func @k(%arg0: i32, %arg1: i32, %arg2: memref<524288xf32, #tpu.memory_space<hbm>>, %arg3: memref<64xf32, #tpu.memory_space<hbm>>, %arg4: memref<65536xf32, #tpu.memory_space<hbm>>, %arg5: memref<65536xi32, #tpu.memory_space<hbm>>, %arg6: memref<16384xf32, #tpu.memory_space<vmem>>, %arg7: memref<64xf32, #tpu.memory_space<vmem>>, %arg8: memref<2064xf32, #tpu.memory_space<vmem>>, %arg9: memref<2064xi32, #tpu.memory_space<vmem>>, %arg10: memref<!tpu.dma_semaphore, #tpu.memory_space<semaphore_mem>>) attributes {dimension_semantics = [#tpu.dimension_semantics<core_parallel>, #tpu.dimension_semantics<subcore_parallel>], iteration_bounds = array<i64: 2, 16>, scalar_prefetch = 0 : i64, scratch_operands = 5 : i64, tpu.core_type = #tpu.core_type<sc_vector_subcore>, window_params = [{transform_indices = #map}, {transform_indices = #map}, {transform_indices = #map}, {transform_indices = #map}]} {
    %iota3A = tpu.iota {dimensions = array<i32: 0>} : vector<16xi32>
    %lt3A = arith.constant 8 : i32
    %lt3A_0 = vector.broadcast %lt3A : i32 to vector<16xi32>
    %lt3A_1 = arith.cmpi slt, %iota3A, %lt3A_0 : vector<16xi32>
    %mul3A = arith.constant 2 : i32
    %mul3A_2 = arith.muli %arg1, %mul3A : i32
    %add3A = arith.addi %mul3A_2, %arg0 : i32
    %mul3A_3 = arith.constant 256 : i32
    %mul3A_4 = arith.muli %add3A, %mul3A_3 : i32
    %mul3A_5 = arith.constant 64 : i32
    %mul3A_6 = arith.muli %mul3A_4, %mul3A_5 : i32
    "tpu.region"() ({
      %run_scoped3A = tpu.sem_alloc : memref<!tpu.dma_semaphore, #tpu.memory_space<semaphore_mem>>
      %dma_start3A = tpu.memref_slice %arg2[%mul3A_6] : memref<524288xf32, #tpu.memory_space<hbm>> -> memref<16384xf32, #tpu.memory_space<hbm>>
      %dma_start3A_20 = tpu.memref_slice %arg2[%mul3A_6] : memref<524288xf32, #tpu.memory_space<hbm>> -> memref<16384xf32, #tpu.memory_space<hbm>>
      tpu.enqueue_dma source(%dma_start3A_20 : memref<16384xf32, #tpu.memory_space<hbm>>) target(%arg6 : memref<16384xf32, #tpu.memory_space<vmem>>) target_semaphore(%run_scoped3A : memref<!tpu.dma_semaphore, #tpu.memory_space<semaphore_mem>>)
      %dma_wait3A = tpu.memref_slice %arg2[%mul3A_6] : memref<524288xf32, #tpu.memory_space<hbm>> -> memref<16384xf32, #tpu.memory_space<hbm>>
      %dma_wait3A_21 = tpu.memref_slice %arg2[%mul3A_6] : memref<524288xf32, #tpu.memory_space<hbm>> -> memref<16384xf32, #tpu.memory_space<hbm>>
      tpu.wait_dma2 semaphore(%run_scoped3A : memref<!tpu.dma_semaphore, #tpu.memory_space<semaphore_mem>>) src(%dma_wait3A_21 : memref<16384xf32, #tpu.memory_space<hbm>>) dst(%arg6 : memref<16384xf32, #tpu.memory_space<vmem>>)
      tpu.yield
    }) : () -> ()
    "tpu.region"() ({
      %run_scoped3A = tpu.sem_alloc : memref<!tpu.dma_semaphore, #tpu.memory_space<semaphore_mem>>
      tpu.enqueue_dma source(%arg3 : memref<64xf32, #tpu.memory_space<hbm>>) target(%arg7 : memref<64xf32, #tpu.memory_space<vmem>>) target_semaphore(%run_scoped3A : memref<!tpu.dma_semaphore, #tpu.memory_space<semaphore_mem>>)
      tpu.wait_dma2 semaphore(%run_scoped3A : memref<!tpu.dma_semaphore, #tpu.memory_space<semaphore_mem>>) src(%arg3 : memref<64xf32, #tpu.memory_space<hbm>>) dst(%arg7 : memref<64xf32, #tpu.memory_space<vmem>>)
      tpu.yield
    }) : () -> ()
    %get3A = arith.constant 0 : index
    %get3A_7 = tpu.vector_load %arg7[%get3A] {strides = array<i32>} : memref<64xf32, #tpu.memory_space<vmem>>, vector<16xf32>,
    %get3A_8 = arith.constant 16 : index
    %get3A_9 = tpu.vector_load %arg7[%get3A_8] {strides = array<i32>} : memref<64xf32, #tpu.memory_space<vmem>>, vector<16xf32>,
    %get3A_10 = arith.constant 32 : index
    %get3A_11 = tpu.vector_load %arg7[%get3A_10] {strides = array<i32>} : memref<64xf32, #tpu.memory_space<vmem>>, vector<16xf32>,
    %get3A_12 = arith.constant 48 : index
    %get3A_13 = tpu.vector_load %arg7[%get3A_12] {strides = array<i32>} : memref<64xf32, #tpu.memory_space<vmem>>, vector<16xf32>,
    %parallel_loop3A = arith.constant 0 : i32
    %parallel_loop3A_14 = arith.constant 256 : i32
    %parallel_loop3A_15 = arith.constant 1 : i32
    scf.for %parallel_loop3A_20 = %parallel_loop3A to %parallel_loop3A_14 step %parallel_loop3A_15  : i32 {
      %parallel_loop3A_21 = arith.constant 64 : i32
      %parallel_loop3A_22 = arith.muli %parallel_loop3A_20, %parallel_loop3A_21 : i32
      %parallel_loop3A_23 = arith.constant 0 : i32
      %parallel_loop3A_24 = arith.addi %parallel_loop3A_22, %parallel_loop3A_23 : i32
      %parallel_loop3A_25 = arith.index_cast %parallel_loop3A_24 : i32 to index
      %parallel_loop3A_26 = tpu.vector_load %arg6[%parallel_loop3A_25] {strides = array<i32>} : memref<16384xf32, #tpu.memory_space<vmem>>, vector<16xf32>,
      %parallel_loop3A_27 = arith.addf %parallel_loop3A_26, %get3A_7 : vector<16xf32>
      %parallel_loop3A_28 = arith.constant 0 : i32
      %parallel_loop3A_29 = vector.broadcast %parallel_loop3A_28 : i32 to vector<16xi32>
      %parallel_loop3A_30 = arith.addi %iota3A, %parallel_loop3A_29 : vector<16xi32>
      %parallel_loop3A_31 = arith.constant dense<true> : vector<16xi1>
      %parallel_loop3A_32, %parallel_loop3A_33, %parallel_loop3A_34 = tpu.sort %parallel_loop3A_27, %parallel_loop3A_30 masked %parallel_loop3A_31 {descending = true} : (vector<16xf32>, vector<16xi32>, vector<16xi1>) -> (vector<16xi1>, vector<16xf32>, vector<16xi32>)
      %parallel_loop3A_35 = arith.constant 16 : i32
      %parallel_loop3A_36 = arith.addi %parallel_loop3A_22, %parallel_loop3A_35 : i32
      %parallel_loop3A_37 = arith.index_cast %parallel_loop3A_36 : i32 to index
      %parallel_loop3A_38 = tpu.vector_load %arg6[%parallel_loop3A_37] {strides = array<i32>} : memref<16384xf32, #tpu.memory_space<vmem>>, vector<16xf32>,
      %parallel_loop3A_39 = arith.addf %parallel_loop3A_38, %get3A_9 : vector<16xf32>
      %parallel_loop3A_40 = arith.constant 16 : i32
      %parallel_loop3A_41 = vector.broadcast %parallel_loop3A_40 : i32 to vector<16xi32>
      %parallel_loop3A_42 = arith.addi %iota3A, %parallel_loop3A_41 : vector<16xi32>
      %parallel_loop3A_43 = arith.constant dense<true> : vector<16xi1>
      %parallel_loop3A_44, %parallel_loop3A_45, %parallel_loop3A_46 = tpu.sort %parallel_loop3A_39, %parallel_loop3A_42 masked %parallel_loop3A_43 : (vector<16xf32>, vector<16xi32>, vector<16xi1>) -> (vector<16xi1>, vector<16xf32>, vector<16xi32>)
      %parallel_loop3A_47 = arith.constant 32 : i32
      %parallel_loop3A_48 = arith.addi %parallel_loop3A_22, %parallel_loop3A_47 : i32
      %parallel_loop3A_49 = arith.index_cast %parallel_loop3A_48 : i32 to index
      %parallel_loop3A_50 = tpu.vector_load %arg6[%parallel_loop3A_49] {strides = array<i32>} : memref<16384xf32, #tpu.memory_space<vmem>>, vector<16xf32>,
      %parallel_loop3A_51 = arith.addf %parallel_loop3A_50, %get3A_11 : vector<16xf32>
      %parallel_loop3A_52 = arith.constant 32 : i32
      %parallel_loop3A_53 = vector.broadcast %parallel_loop3A_52 : i32 to vector<16xi32>
      %parallel_loop3A_54 = arith.addi %iota3A, %parallel_loop3A_53 : vector<16xi32>
      %parallel_loop3A_55 = arith.constant dense<true> : vector<16xi1>
      %parallel_loop3A_56, %parallel_loop3A_57, %parallel_loop3A_58 = tpu.sort %parallel_loop3A_51, %parallel_loop3A_54 masked %parallel_loop3A_55 {descending = true} : (vector<16xf32>, vector<16xi32>, vector<16xi1>) -> (vector<16xi1>, vector<16xf32>, vector<16xi32>)
      %parallel_loop3A_59 = arith.constant 48 : i32
      %parallel_loop3A_60 = arith.addi %parallel_loop3A_22, %parallel_loop3A_59 : i32
      %parallel_loop3A_61 = arith.index_cast %parallel_loop3A_60 : i32 to index
      %parallel_loop3A_62 = tpu.vector_load %arg6[%parallel_loop3A_61] {strides = array<i32>} : memref<16384xf32, #tpu.memory_space<vmem>>, vector<16xf32>,
      %parallel_loop3A_63 = arith.addf %parallel_loop3A_62, %get3A_13 : vector<16xf32>
      %parallel_loop3A_64 = arith.constant 48 : i32
      %parallel_loop3A_65 = vector.broadcast %parallel_loop3A_64 : i32 to vector<16xi32>
      %parallel_loop3A_66 = arith.addi %iota3A, %parallel_loop3A_65 : vector<16xi32>
      %parallel_loop3A_67 = arith.constant dense<true> : vector<16xi1>
      %parallel_loop3A_68, %parallel_loop3A_69, %parallel_loop3A_70 = tpu.sort %parallel_loop3A_63, %parallel_loop3A_66 masked %parallel_loop3A_67 : (vector<16xf32>, vector<16xi32>, vector<16xi1>) -> (vector<16xi1>, vector<16xf32>, vector<16xi32>)
      %parallel_loop3A_71 = arith.select %lt3A_1, %parallel_loop3A_33, %parallel_loop3A_45 : vector<16xi1>, vector<16xf32>
      %parallel_loop3A_72 = arith.select %lt3A_1, %parallel_loop3A_34, %parallel_loop3A_46 : vector<16xi1>, vector<16xi32>
      %parallel_loop3A_73 = arith.select %lt3A_1, %parallel_loop3A_57, %parallel_loop3A_69 : vector<16xi1>, vector<16xf32>
      %parallel_loop3A_74 = arith.select %lt3A_1, %parallel_loop3A_58, %parallel_loop3A_70 : vector<16xi1>, vector<16xi32>
      %parallel_loop3A_75 = arith.constant dense<true> : vector<16xi1>
      %parallel_loop3A_76, %parallel_loop3A_77, %parallel_loop3A_78 = tpu.sort %parallel_loop3A_71, %parallel_loop3A_72 masked %parallel_loop3A_75 {descending = true} : (vector<16xf32>, vector<16xi32>, vector<16xi1>) -> (vector<16xi1>, vector<16xf32>, vector<16xi32>)
      %parallel_loop3A_79 = arith.constant dense<true> : vector<16xi1>
      %parallel_loop3A_80, %parallel_loop3A_81, %parallel_loop3A_82 = tpu.sort %parallel_loop3A_73, %parallel_loop3A_74 masked %parallel_loop3A_79 : (vector<16xf32>, vector<16xi32>, vector<16xi1>) -> (vector<16xi1>, vector<16xf32>, vector<16xi32>)
      %parallel_loop3A_83 = arith.select %lt3A_1, %parallel_loop3A_77, %parallel_loop3A_81 : vector<16xi1>, vector<16xf32>
      %parallel_loop3A_84 = arith.select %lt3A_1, %parallel_loop3A_78, %parallel_loop3A_82 : vector<16xi1>, vector<16xi32>
      %parallel_loop3A_85 = arith.constant dense<true> : vector<16xi1>
      %parallel_loop3A_86, %parallel_loop3A_87, %parallel_loop3A_88 = tpu.sort %parallel_loop3A_83, %parallel_loop3A_84 masked %parallel_loop3A_85 {descending = true} : (vector<16xf32>, vector<16xi32>, vector<16xi1>) -> (vector<16xi1>, vector<16xf32>, vector<16xi32>)
      %parallel_loop3A_89 = tpu.vector_load_idx %arg7[%parallel_loop3A_88] : memref<64xf32, #tpu.memory_space<vmem>>[vector<16xi32>], vector<16xf32>,
      %parallel_loop3A_90 = arith.subf %parallel_loop3A_87, %parallel_loop3A_89 : vector<16xf32>
      %parallel_loop3A_91 = math.absf %parallel_loop3A_90 : vector<16xf32>
      %parallel_loop3A_92 = arith.constant 0.000000e+00 : f32
      %parallel_loop3A_93 = vector.broadcast %parallel_loop3A_92 : f32 to vector<16xf32>
      %parallel_loop3A_94 = arith.select %lt3A_1, %parallel_loop3A_91, %parallel_loop3A_93 : vector<16xi1>, vector<16xf32>
      %parallel_loop3A_95 = arith.constant true
      %parallel_loop3A_96 = vector.broadcast %parallel_loop3A_95 : i1 to vector<16xi1>
      %parallel_loop3A_97 = tpu.scan <sum>, %parallel_loop3A_94 masked %parallel_loop3A_96 : vector<16xf32>, vector<16xi1> -> vector<16xf32>
      %parallel_loop3A_98 = arith.constant 15 : i32
      %parallel_loop3A_99 = vector.broadcast %parallel_loop3A_98 : i32 to vector<16xi32>
      %parallel_loop3A_100 = tpu.iota {dimensions = array<i32: 0>} : vector<16xi32>
      %parallel_loop3A_101 = arith.subi %parallel_loop3A_99, %parallel_loop3A_100 : vector<16xi32>
      %parallel_loop3A_102 = tpu.dynamic_gather %parallel_loop3A_97[%parallel_loop3A_101] in [0] : vector<16xf32>, vector<16xi32> -> vector<16xf32>
      %parallel_loop3A_103 = arith.constant 9.99999996E-13 : f32
      %parallel_loop3A_104 = vector.broadcast %parallel_loop3A_103 : f32 to vector<16xf32>
      %parallel_loop3A_105 = arith.maximumf %parallel_loop3A_102, %parallel_loop3A_104 : vector<16xf32>
      %parallel_loop3A_106 = arith.constant 8 : i32
      %parallel_loop3A_107 = arith.muli %parallel_loop3A_20, %parallel_loop3A_106 : i32
      %parallel_loop3A_108 = arith.divf %parallel_loop3A_94, %parallel_loop3A_105 : vector<16xf32>
      %parallel_loop3A_109 = arith.index_cast %parallel_loop3A_107 : i32 to index
      %parallel_loop3A_110 = tpu.vector_load %arg8[%parallel_loop3A_109] masked %lt3A_1 {strides = array<i32>} : memref<2064xf32, #tpu.memory_space<vmem>>, vector<16xf32>, vector<16xi1>
      tpu.vector_store %arg8[%parallel_loop3A_109], %parallel_loop3A_108 masked %lt3A_1 {strides = array<i32>} : memref<2064xf32, #tpu.memory_space<vmem>>, vector<16xf32>, vector<16xi1>
      %parallel_loop3A_111 = arith.constant 8 : i32
      %parallel_loop3A_112 = arith.muli %parallel_loop3A_20, %parallel_loop3A_111 : i32
      %parallel_loop3A_113 = arith.index_cast %parallel_loop3A_112 : i32 to index
      %parallel_loop3A_114 = tpu.vector_load %arg9[%parallel_loop3A_113] masked %lt3A_1 {strides = array<i32>} : memref<2064xi32, #tpu.memory_space<vmem>>, vector<16xi32>, vector<16xi1>
      tpu.vector_store %arg9[%parallel_loop3A_113], %parallel_loop3A_88 masked %lt3A_1 {strides = array<i32>} : memref<2064xi32, #tpu.memory_space<vmem>>, vector<16xi32>, vector<16xi1>
    } {sc.loop_unroll_factor = 4 : i64, sc.parallel_access}
    %mul3A_16 = arith.constant 8 : i32
    %mul3A_17 = arith.muli %mul3A_4, %mul3A_16 : i32
    "tpu.region"() ({
      %run_scoped3A = tpu.sem_alloc : memref<!tpu.dma_semaphore, #tpu.memory_space<semaphore_mem>>
      %dma_start3A = arith.constant 0 : i32
      %dma_start3A_20 = tpu.memref_slice %arg8[%dma_start3A] : memref<2064xf32, #tpu.memory_space<vmem>> -> memref<2048xf32, #tpu.memory_space<vmem>>
      %dma_start3A_21 = tpu.memref_slice %arg4[%mul3A_17] : memref<65536xf32, #tpu.memory_space<hbm>> -> memref<2048xf32, #tpu.memory_space<hbm>>
      %dma_start3A_22 = tpu.memref_slice %arg4[%mul3A_17] : memref<65536xf32, #tpu.memory_space<hbm>> -> memref<2048xf32, #tpu.memory_space<hbm>>
      %dma_start3A_23 = arith.constant 0 : i32
      %dma_start3A_24 = tpu.memref_slice %arg8[%dma_start3A_23] : memref<2064xf32, #tpu.memory_space<vmem>> -> memref<2048xf32, #tpu.memory_space<vmem>>
      tpu.enqueue_dma source(%dma_start3A_24 : memref<2048xf32, #tpu.memory_space<vmem>>) target(%dma_start3A_22 : memref<2048xf32, #tpu.memory_space<hbm>>) target_semaphore(%run_scoped3A : memref<!tpu.dma_semaphore, #tpu.memory_space<semaphore_mem>>)
      %dma_wait3A = arith.constant 0 : i32
      %dma_wait3A_25 = tpu.memref_slice %arg8[%dma_wait3A] : memref<2064xf32, #tpu.memory_space<vmem>> -> memref<2048xf32, #tpu.memory_space<vmem>>
      %dma_wait3A_26 = tpu.memref_slice %arg4[%mul3A_17] : memref<65536xf32, #tpu.memory_space<hbm>> -> memref<2048xf32, #tpu.memory_space<hbm>>
      %dma_wait3A_27 = tpu.memref_slice %arg4[%mul3A_17] : memref<65536xf32, #tpu.memory_space<hbm>> -> memref<2048xf32, #tpu.memory_space<hbm>>
      %dma_wait3A_28 = arith.constant 0 : i32
      %dma_wait3A_29 = tpu.memref_slice %arg8[%dma_wait3A_28] : memref<2064xf32, #tpu.memory_space<vmem>> -> memref<2048xf32, #tpu.memory_space<vmem>>
      tpu.wait_dma2 semaphore(%run_scoped3A : memref<!tpu.dma_semaphore, #tpu.memory_space<semaphore_mem>>) src(%dma_wait3A_29 : memref<2048xf32, #tpu.memory_space<vmem>>) dst(%dma_wait3A_27 : memref<2048xf32, #tpu.memory_space<hbm>>)
      tpu.yield
    }) : () -> ()
    %mul3A_18 = arith.constant 8 : i32
    %mul3A_19 = arith.muli %mul3A_4, %mul3A_18 : i32
    "tpu.region"() ({
      %run_scoped3A = tpu.sem_alloc : memref<!tpu.dma_semaphore, #tpu.memory_space<semaphore_mem>>
      %dma_start3A = arith.constant 0 : i32
      %dma_start3A_20 = tpu.memref_slice %arg9[%dma_start3A] : memref<2064xi32, #tpu.memory_space<vmem>> -> memref<2048xi32, #tpu.memory_space<vmem>>
      %dma_start3A_21 = tpu.memref_slice %arg5[%mul3A_19] : memref<65536xi32, #tpu.memory_space<hbm>> -> memref<2048xi32, #tpu.memory_space<hbm>>
      %dma_start3A_22 = tpu.memref_slice %arg5[%mul3A_19] : memref<65536xi32, #tpu.memory_space<hbm>> -> memref<2048xi32, #tpu.memory_space<hbm>>
      %dma_start3A_23 = arith.constant 0 : i32
      %dma_start3A_24 = tpu.memref_slice %arg9[%dma_start3A_23] : memref<2064xi32, #tpu.memory_space<vmem>> -> memref<2048xi32, #tpu.memory_space<vmem>>
      tpu.enqueue_dma source(%dma_start3A_24 : memref<2048xi32, #tpu.memory_space<vmem>>) target(%dma_start3A_22 : memref<2048xi32, #tpu.memory_space<hbm>>) target_semaphore(%run_scoped3A : memref<!tpu.dma_semaphore, #tpu.memory_space<semaphore_mem>>)
      %dma_wait3A = arith.constant 0 : i32
      %dma_wait3A_25 = tpu.memref_slice %arg9[%dma_wait3A] : memref<2064xi32, #tpu.memory_space<vmem>> -> memref<2048xi32, #tpu.memory_space<vmem>>
      %dma_wait3A_26 = tpu.memref_slice %arg5[%mul3A_19] : memref<65536xi32, #tpu.memory_space<hbm>> -> memref<2048xi32, #tpu.memory_space<hbm>>
      %dma_wait3A_27 = tpu.memref_slice %arg5[%mul3A_19] : memref<65536xi32, #tpu.memory_space<hbm>> -> memref<2048xi32, #tpu.memory_space<hbm>>
      %dma_wait3A_28 = arith.constant 0 : i32
      %dma_wait3A_29 = tpu.memref_slice %arg9[%dma_wait3A_28] : memref<2064xi32, #tpu.memory_space<vmem>> -> memref<2048xi32, #tpu.memory_space<vmem>>
      tpu.wait_dma2 semaphore(%run_scoped3A : memref<!tpu.dma_semaphore, #tpu.memory_space<semaphore_mem>>) src(%dma_wait3A_29 : memref<2048xi32, #tpu.memory_space<vmem>>) dst(%dma_wait3A_27 : memref<2048xi32, #tpu.memory_space<hbm>>)
      tpu.yield
    }) : () -> ()
    return
  }
}

module attributes {stable_mosaic.version = 14 : i64} {
  func.func @_scores_body(%arg0: i32, %arg1: memref<1024x2048xf32, #tpu.memory_space<vmem>>, %arg2: memref<1024x2048xf32, #tpu.memory_space<vmem>>, %arg3: memref<4096x64xf32, #tpu.memory_space<vmem>>, %arg4: memref<1024x64xf32, #tpu.memory_space<vmem>>) attributes {dimension_semantics = [#tpu.dimension_semantics<arbitrary>], iteration_bounds = array<i64: 8>, scalar_prefetch = 0 : i64, scratch_operands = 0 : i64, tpu.core_type = #tpu.core_type<tc>, window_params = [{transform_indices = @transform_0, window_bounds = array<i64: 1024, 2048>}, {transform_indices = @transform_1, window_bounds = array<i64: 1024, 2048>}, {pipeline_mode = #tpu.pipeline_mode<synchronous>, transform_indices = @transform_2, window_bounds = array<i64: 4096, 64>}, {transform_indices = @transform_3, window_bounds = array<i64: 1024, 64>}]} {
    %get3A = arith.constant 0 : index
    %get3A_0 = arith.constant 0 : index
    %get3A_1 = vector.load %arg1[%get3A, %get3A_0] : memref<1024x2048xf32, #tpu.memory_space<vmem>>, vector<1024x2048xf32>
    %get3A_2 = arith.constant 0 : index
    %get3A_3 = arith.constant 0 : index
    %get3A_4 = vector.load %arg3[%get3A_2, %get3A_3] : memref<4096x64xf32, #tpu.memory_space<vmem>>, vector<2048x64xf32>
    %dot_general3A = arith.constant dense<0.000000e+00> : vector<1024x64xf32>
    %dot_general3A_5 = tpu.matmul %get3A_1, %get3A_4, %dot_general3A {dimension_numbers = #tpu.dot_dimension_numbers<[1], [0], [0], [1], [0, 0, 1, 1], [], []>, transpose_lhs_hint = false} : vector<1024x2048xf32>, vector<2048x64xf32>, vector<1024x64xf32> -> vector<1024x64xf32>
    %get3A_6 = arith.constant 0 : index
    %get3A_7 = arith.constant 0 : index
    %get3A_8 = vector.load %arg2[%get3A_6, %get3A_7] : memref<1024x2048xf32, #tpu.memory_space<vmem>>, vector<1024x2048xf32>
    %get3A_9 = arith.constant 2048 : index
    %get3A_10 = arith.constant 0 : index
    %get3A_11 = vector.load %arg3[%get3A_9, %get3A_10] : memref<4096x64xf32, #tpu.memory_space<vmem>>, vector<2048x64xf32>
    %dot_general3A_12 = arith.constant dense<0.000000e+00> : vector<1024x64xf32>
    %dot_general3A_13 = tpu.matmul %get3A_8, %get3A_11, %dot_general3A_12 {dimension_numbers = #tpu.dot_dimension_numbers<[1], [0], [0], [1], [0, 0, 1, 1], [], []>, transpose_lhs_hint = false} : vector<1024x2048xf32>, vector<2048x64xf32>, vector<1024x64xf32> -> vector<1024x64xf32>
    %add3A = arith.addf %dot_general3A_5, %dot_general3A_13 : vector<1024x64xf32>
    %logistic3A = arith.negf %add3A : vector<1024x64xf32>
    %logistic3A_14 = math.exp %logistic3A : vector<1024x64xf32>
    %logistic3A_15 = arith.constant 1.000000e+00 : f32
    %logistic3A_16 = vector.broadcast %logistic3A_15 : f32 to vector<1024x64xf32>
    %logistic3A_17 = arith.addf %logistic3A_16, %logistic3A_14 : vector<1024x64xf32>
    %logistic3A_18 = arith.divf %logistic3A_16, %logistic3A_17 : vector<1024x64xf32>
    %swap3A = arith.constant 0 : index
    %swap3A_19 = arith.constant 0 : index
    %swap3A_20 = vector.load %arg4[%swap3A, %swap3A_19] : memref<1024x64xf32, #tpu.memory_space<vmem>>, vector<1024x64xf32>
    tpu.vector_store %arg4[%swap3A, %swap3A_19], %logistic3A_18 {strides = array<i32>} : memref<1024x64xf32, #tpu.memory_space<vmem>>, vector<1024x64xf32>,
    return
  }
  func.func @transform_0(%arg0: i32) -> (i32, i32) {
    %add3A = arith.constant 8 : i32
    %add3A_0 = arith.addi %add3A, %arg0 : i32
    %c0_i32 = arith.constant 0 : i32
    %c0_i32_1 = arith.constant 0 : i32
    return %add3A_0, %c0_i32 : i32, i32
  }
  func.func @transform_1(%arg0: i32) -> (i32, i32) {
    %add3A = arith.constant 8 : i32
    %add3A_0 = arith.addi %add3A, %arg0 : i32
    %c1_i32 = arith.constant 1 : i32
    %c0_i32 = arith.constant 0 : i32
    return %add3A_0, %c1_i32 : i32, i32
  }
  func.func @transform_2(%arg0: i32) -> (i32, i32) {
    %c0_i32 = arith.constant 0 : i32
    %c0_i32_0 = arith.constant 0 : i32
    %c0_i32_1 = arith.constant 0 : i32
    return %c0_i32, %c0_i32_0 : i32, i32
  }
  func.func @transform_3(%arg0: i32) -> (i32, i32) {
    %c0_i32 = arith.constant 0 : i32
    %c0_i32_0 = arith.constant 0 : i32
    return %arg0, %c0_i32 : i32, i32
  }
}

module attributes {stable_mosaic.version = 14 : i64} {
  func.func @_scores_body(%arg0: i32, %arg1: memref<1024x2048xf32, #tpu.memory_space<vmem>>, %arg2: memref<1024x2048xf32, #tpu.memory_space<vmem>>, %arg3: memref<4096x64xf32, #tpu.memory_space<vmem>>, %arg4: memref<1024x64xf32, #tpu.memory_space<vmem>>) attributes {dimension_semantics = [#tpu.dimension_semantics<arbitrary>], iteration_bounds = array<i64: 8>, scalar_prefetch = 0 : i64, scratch_operands = 0 : i64, tpu.core_type = #tpu.core_type<tc>, window_params = [{transform_indices = @transform_0, window_bounds = array<i64: 1024, 2048>}, {transform_indices = @transform_1, window_bounds = array<i64: 1024, 2048>}, {pipeline_mode = #tpu.pipeline_mode<synchronous>, transform_indices = @transform_2, window_bounds = array<i64: 4096, 64>}, {transform_indices = @transform_3, window_bounds = array<i64: 1024, 64>}]} {
    %get3A = arith.constant 0 : index
    %get3A_0 = arith.constant 0 : index
    %get3A_1 = vector.load %arg1[%get3A, %get3A_0] : memref<1024x2048xf32, #tpu.memory_space<vmem>>, vector<1024x2048xf32>
    %get3A_2 = arith.constant 0 : index
    %get3A_3 = arith.constant 0 : index
    %get3A_4 = vector.load %arg3[%get3A_2, %get3A_3] : memref<4096x64xf32, #tpu.memory_space<vmem>>, vector<2048x64xf32>
    %dot_general3A = arith.constant dense<0.000000e+00> : vector<1024x64xf32>
    %dot_general3A_5 = tpu.matmul %get3A_1, %get3A_4, %dot_general3A {dimension_numbers = #tpu.dot_dimension_numbers<[1], [0], [0], [1], [0, 0, 1, 1], [], []>, transpose_lhs_hint = false} : vector<1024x2048xf32>, vector<2048x64xf32>, vector<1024x64xf32> -> vector<1024x64xf32>
    %get3A_6 = arith.constant 0 : index
    %get3A_7 = arith.constant 0 : index
    %get3A_8 = vector.load %arg2[%get3A_6, %get3A_7] : memref<1024x2048xf32, #tpu.memory_space<vmem>>, vector<1024x2048xf32>
    %get3A_9 = arith.constant 2048 : index
    %get3A_10 = arith.constant 0 : index
    %get3A_11 = vector.load %arg3[%get3A_9, %get3A_10] : memref<4096x64xf32, #tpu.memory_space<vmem>>, vector<2048x64xf32>
    %dot_general3A_12 = arith.constant dense<0.000000e+00> : vector<1024x64xf32>
    %dot_general3A_13 = tpu.matmul %get3A_8, %get3A_11, %dot_general3A_12 {dimension_numbers = #tpu.dot_dimension_numbers<[1], [0], [0], [1], [0, 0, 1, 1], [], []>, transpose_lhs_hint = false} : vector<1024x2048xf32>, vector<2048x64xf32>, vector<1024x64xf32> -> vector<1024x64xf32>
    %add3A = arith.addf %dot_general3A_5, %dot_general3A_13 : vector<1024x64xf32>
    %logistic3A = arith.negf %add3A : vector<1024x64xf32>
    %logistic3A_14 = math.exp %logistic3A : vector<1024x64xf32>
    %logistic3A_15 = arith.constant 1.000000e+00 : f32
    %logistic3A_16 = vector.broadcast %logistic3A_15 : f32 to vector<1024x64xf32>
    %logistic3A_17 = arith.addf %logistic3A_16, %logistic3A_14 : vector<1024x64xf32>
    %logistic3A_18 = arith.divf %logistic3A_16, %logistic3A_17 : vector<1024x64xf32>
    %swap3A = arith.constant 0 : index
    %swap3A_19 = arith.constant 0 : index
    %swap3A_20 = vector.load %arg4[%swap3A, %swap3A_19] : memref<1024x64xf32, #tpu.memory_space<vmem>>, vector<1024x64xf32>
    tpu.vector_store %arg4[%swap3A, %swap3A_19], %logistic3A_18 {strides = array<i32>} : memref<1024x64xf32, #tpu.memory_space<vmem>>, vector<1024x64xf32>,
    return
  }
  func.func @transform_0(%arg0: i32) -> (i32, i32) {
    %add3A = arith.constant 0 : i32
    %add3A_0 = arith.addi %add3A, %arg0 : i32
    %c0_i32 = arith.constant 0 : i32
    %c0_i32_1 = arith.constant 0 : i32
    return %add3A_0, %c0_i32 : i32, i32
  }
  func.func @transform_1(%arg0: i32) -> (i32, i32) {
    %add3A = arith.constant 0 : i32
    %add3A_0 = arith.addi %add3A, %arg0 : i32
    %c1_i32 = arith.constant 1 : i32
    %c0_i32 = arith.constant 0 : i32
    return %add3A_0, %c1_i32 : i32, i32
  }
  func.func @transform_2(%arg0: i32) -> (i32, i32) {
    %c0_i32 = arith.constant 0 : i32
    %c0_i32_0 = arith.constant 0 : i32
    %c0_i32_1 = arith.constant 0 : i32
    return %c0_i32, %c0_i32_0 : i32, i32
  }
  func.func @transform_3(%arg0: i32) -> (i32, i32) {
    %c0_i32 = arith.constant 0 : i32
    %c0_i32_0 = arith.constant 0 : i32
    return %arg0, %c0_i32 : i32, i32
  }
}

</mosaic_0001>

<sc_bundles>
// kernel: kernel.6.cloned.1.call-start
scs
__scs_entry_jumppad:
0x0: {  	(pc) =	sbr.rel $0x88, $3  }
0x1: {  	(tag) =	ssettag $0x0;
	lr =	simm.s32 $0x1  }
0x2: {  	[smem:$0x3F9E] =	sst lr;
	_ =	strace $0xD0000000  }
0x3: {  	_ = 	snop  }
0x4: {  	_ = 	snop  }
0x5: {  	_ = 	snop  }
0x6: {  	_ = 	snop  }
0x7: {  	_ = 	snop  }
__scs_overlays_trampoline_lowered:
0x8: {  	[smem:$0x3FAD] =	sst s0  }
0x9: {  	[smem:$0x3FAE] =	sst s1  }
0xa: {  	[smem:$0x3FAF] =	sst s2  }
0xb: {  	[smem:$0x3FB0] =	sst s3  }
0xc: {  	[smem:$0x3FB1] =	sst s4  }
0xd: {  	[smem:$0x3FB2] =	sst s5  }
0xe: {  	[smem:$0x3FB3] =	sst s6  }
0xf: {  	[smem:$0x3FB4] =	sst s7  }
0x10: {  	[smem:$0x3FB5] =	sst s8  }
0x11: {  	[smem:$0x3FB6] =	sst s9;
	s0 =	simm.s32 @!p0 $0x0  }
0x12: {  	s1 =	sld [smem:$0x3F9C];
	s0 =	simm.s32 @p0 $0x1  }
0x13: {  	[smem:$0x3FB7] =	sst s0;
	s0 =	simm.s32 @!p1 $0x0  }
0x14: {  	s2 =	sld [smem:$0x3F9B];
	s0 =	simm.s32 @p1 $0x1  }
0x15: {  	[smem:$0x3FB8] =	sst s0;
	s0 =	simm.s32 @!p2 $0x0  }
0x16: {  	s3 =	sld [smem:$0x3FDB];
	s0 =	simm.s32 @p2 $0x1  }
0x17: {  	s4 =	simm.s32 $0x1BF5;
	[smem:$0x3FBA] =	sst s0  }
0x18: {  	s0 =	sld [smem:$0x3F9D];
	_ =	swait.ge [sflag:s4], $0x0  }
0x19: {  	s7 =	sld [smem:$0x3F9E]  }
0x1a: {  	s8 =	sadd.s32 $0xFFFFE003, lr  }
0x1b: {  	s9 =	sadd.s32 $0xFFFFFEF7, lr;
	s5 =	simm.s32 $0xFFFFFFFF;
	p2 =	slt.u32 s8, $0xFFFFF086  }
0x1c: {  	p1 =	slt.u32 s9, $0xF7A;
	s5 =	simm.s32 @!p2 $0x0  }
0x1d: {  	s5 =	simm.s32 @p1 $0x1;
	p0 =	seq.s32 s7, s2  }
0x1e: {  	s7 =	smul.u32 @!p0 $0xF7A, s2;
	p2 =	seq.s32 @!p0 s5, $0x0  }
0x1f: {  	s9 =	smul.u32 $0xF7A, s1;
	s8 =	simm.s32 @!p0 $0x1BF5;
	p2 =	por !p2, p0  }
0x20: {  	[sflag:s8] =	ssyncset.s32 @!p0 $0xFFFFF086;
	s6 =	sadd.s32 @!p0 s3, s7;
	s7 =	simm.s32 @!p0 $0x108  }
0x21: {  	s3 =	sadd.s32 s3, s9;
	s6 =	sadd.s32 @!p0 $0x88, s6;
	s7 =	simm.s32 @p2 $0x1082  }
0x22: {  	[simem:s7], [sflag:s8] =	dma.local @!p0 [hbm:s6], $0xF7A  }
0x23: {  	s9 =	sor.u32 $0xD0000000, s2;
	s6 =	simm.s32 $0x108;
	_ =	swait.ge @!p0 [sflag:s8], $0x0  }
0x24: {  	s3 =	sadd.s32 $0x88, s3;
	s6 =	simm.s32 @!p1 $0x1082;
	[sflag:s4] =	ssyncset.s32 $0xFFFFF086  }
0x25: {  	[simem:s6], [sflag:s4] =	dma.local [hbm:s3], $0xF7A  }
0x26: {  	[smem:$0x3F9E] =	sst s1;
	(tag) =	ssettag s2;
	_ =	strace s9  }
0x27: {  	s1 =	sld [smem:$0x3FAE]  }
0x28: {  	s2 =	sld [smem:$0x3FAF]  }
0x29: {  	s4 =	sld [smem:$0x3FB1]  }
0x2a: {  	p0 =	seq.s32 s5, $0x0;
	s5 =	sld [smem:$0x3FB2]  }
0x2b: {  	s6 =	sld [smem:$0x3FB3]  }
0x2c: {  	s7 =	sld [smem:$0x3FB4]  }
0x2d: {  	s3 =	simm.s32 $0x108;
	s8 =	sld [smem:$0x3FB5]  }
0x2e: {  	s3 =	simm.s32 @!p0 $0x1082;
	s9 =	sld [smem:$0x3FB6]  }
0x2f: {  	lr =	sadd.s32 s0, s3;
	s0 =	sld [smem:$0x3FAD]  }
0x30: {  	s3 =	sld [smem:$0x3FB0]  }
0x31: {  	[smem:$0x3FB9] =	sst s10  }
0x32: {  	s10 =	sld [smem:$0x3FB7];
	_ =	sdelay $0x3  }
0x33: {  	p0 =	seq.s32 s10, $0x1;
	s10 =	sld [smem:$0x3FB9];
	_ =	sdelay $0x3  }
0x34: {  	[smem:$0x3FB9] =	sst s10  }
0x35: {  	s10 =	sld [smem:$0x3FB8];
	_ =	sdelay $0x3  }
0x36: {  	p1 =	seq.s32 s10, $0x1;
	s10 =	sld [smem:$0x3FB9];
	_ =	sdelay $0x3  }
0x37: {  	[smem:$0x3FB9] =	sst s10  }
0x38: {  	s10 =	sld [smem:$0x3FBA]  }
0x39: {  	_ = 	snop;
	(pc) =	sbr.ind lr, $3  }
0x3a: {  	_ = 	snop  }
0x3b: {  	_ = 	snop  }
0x3c: {  	p2 =	seq.s32 s10, $0x1;
	s10 =	sld [smem:$0x3FB9]  }
0x3d: {  	_ =	shalt  }
0x3e: {  	_ =	shalt  }
0x3f: {  	_ =	shalt  }
0x40: {  	_ =	shalt  }
0x41: {  	_ =	shalt  }
0x42: {  	_ =	shalt  }
0x43: {  	_ =	shalt  }
0x44: {  	_ =	shalt  }
0x45: {  	_ =	shalt  }
0x46: {  	_ =	shalt  }
0x47: {  	_ =	shalt  }
0x48: {  	_ =	shalt  }
0x49: {  	_ =	shalt  }
0x4a: {  	_ =	shalt  }
0x4b: {  	_ =	shalt  }
0x4c: {  	_ =	shalt  }
0x4d: {  	_ =	shalt  }
0x4e: {  	_ =	shalt  }
0x4f: {  	_ =	shalt  }
0x50: {  	_ =	shalt  }
0x51: {  	_ =	shalt  }
0x52: {  	_ =	shalt  }
0x53: {  	_ =	shalt  }
0x54: {  	_ =	shalt  }
0x55: {  	_ =	shalt  }
0x56: {  	_ =	shalt  }
0x57: {  	_ =	shalt  }
0x58: {  	_ =	shalt  }
0x59: {  	_ =	shalt  }
0x5a: {  	_ =	shalt  }
0x5b: {  	_ =	shalt  }
0x5c: {  	_ =	shalt  }
0x5d: {  	_ =	shalt  }
0x5e: {  	_ =	shalt  }
0x5f: {  	_ =	shalt  }
0x60: {  	_ =	shalt  }
0x61: {  	_ =	shalt  }
0x62: {  	_ =	shalt  }
0x63: {  	_ =	shalt  }
0x64: {  	_ =	shalt  }
0x65: {  	_ =	shalt  }
0x66: {  	_ =	shalt  }
0x67: {  	_ =	shalt  }
0x68: {  	_ =	shalt  }
0x69: {  	_ =	shalt  }
0x6a: {  	_ =	shalt  }
0x6b: {  	_ =	shalt  }
0x6c: {  	_ =	shalt  }
0x6d: {  	_ =	shalt  }
0x6e: {  	_ =	shalt  }
0x6f: {  	_ =	shalt  }
0x70: {  	_ =	shalt  }
0x71: {  	_ =	shalt  }
0x72: {  	_ =	shalt  }
0x73: {  	_ =	shalt  }
0x74: {  	_ =	shalt  }
0x75: {  	_ =	shalt  }
0x76: {  	_ =	shalt  }
0x77: {  	_ =	shalt  }
0x78: {  	_ =	shalt  }
0x79: {  	_ =	shalt  }
0x7a: {  	_ =	shalt  }
0x7b: {  	_ =	shalt  }
0x7c: {  	_ =	shalt  }
0x7d: {  	_ =	shalt  }
0x7e: {  	_ =	shalt  }
0x7f: {  	_ =	shalt  }
0x80: {  	_ =	shalt  }
0x81: {  	_ =	shalt  }
0x82: {  	_ =	shalt  }
0x83: {  	_ =	shalt  }
0x84: {  	_ =	shalt  }
0x85: {  	_ =	shalt  }
0x86: {  	_ =	shalt  }
0x87: {  	_ =	shalt  }
.Lfunc_end0:
.L_simem_size_0:
called_computation_lowered:
.L_overlay_start_0:
0x88: {  	s2 =	sld [smem:$0x3FD9]  }
0x89: {  	s3 =	sld [smem:$0x3FFE];
	_ =	sdelay $0x1  }
0x8a: {  	s1 =	srdreg.scid  }
0x8b: {  	s0 =	sand.u32 $0x1, s1  }
0x8c: {  	s17 =	sshll.u32 s0, $0xA;
	s2 =	sadd.s32 s3, s2  }
0x8d: {  	s2 =	sadd.s32 s2, s17  }
0x8e: {  	[smem:$0x3FC5] =	sst s2  }
0x8f: {  	_ = 	snop  }
0x90: {  	s2 =	sld [smem:$0x3FC7];
	(tm) =	ssettm $0x1  }
0x91: {  	s18 =	sld [smem:$0x3FFB];
	_ =	sdelay $0x3  }
0x92: {  	_ =	strace s18  }
0x93: {  	s3 =	sld [smem:$0x3FFC];
	_ =	sdelay $0x3  }
0x94: {  	_ =	strace s3  }
0x95: {  	s3 =	sld [smem:$0x3FFD];
	_ =	sdelay $0x3  }
0x96: {  	_ =	strace s3  }
0x97: {  	_ =	strace $0x8FFFFFFF  }
0x98: {  	s19 =	sld [smem:$0x3FDB];
	_ =	sdelay $0x1  }
0x99: {  	s4 =	simm.s32 $_scs_section_size  }
0x9a: {  	s5 =	simm.s32 $_size__tile_overlayer_lowered;
	s6 =	simm.s32 $_tile_overlayer_lowered  }
0x9b: {  	s22 =	simm.s32 $0x1BFF;
	s21 =	sshll.u32 s6, $0x1;
	s3 =	sadd.s32 s4, s19  }
0x9c: {  	s7 =	simm.s32 $0x0;
	s20 =	sshll.u32 s5, $0x1;
	s5 =	sadd.s32 s21, s3  }
0x9d: {  	[timem:s7], [sflag:s22] =	dma.local [hbm:s5], s20  }
0x9e: {  	_ =	swait.ge [sflag:s22], s20  }
0x9f: {  	s4 =	ssub.s32 $0x0, s20;
	[sflag:s22] =	ssyncset.done $0x0  }
0xa0: {  	[sflag:s22] =	ssyncadd.s32 s4;
	_ =	sdelay $0x1  }
0xa1: {  	s23 =	simm.s32 $0x1B8B  }
0xa2: {  	_ =	swait.ge [sflag:s23], $0x1  }
0xa3: {  	[sflag:s23] =	ssyncset.done $0x0  }
0xa4: {  	s25 =	simm.s32 $0x1B8E;
	s24 =	sld [smem:$0x3FFE];
	[sflag:s23] =	ssyncadd.s32 $0xFFFFFFFF  }
0xa5: {  	s26 =	simm.s32 $execute0_lowered;
	[smem:$0x3FD2] =	sst s25  }
0xa6: {  	s5 =	sshll.u32 s26, $0x1;
	_ =	strace $0x80000046;
	[dreg:$0x1] =	wrdreg $0xFFFFFFFF  }
0xa7: {  	s28 =	simm.s32 $_size_execute0_lowered;
	s3 =	sadd.s32 s3, s5;
	[dreg:$0x0] =	wrdreg $0x0  }
0xa8: {  	s5 =	sshll.u32 s28, $0x1;
	[dreg:$0x2] =	wrdreg s3  }
0xa9: {  	[dreg:$0x3] =	wrdreg s5  }
0xaa: {  	[dreg:$0x4] =	wrdreg $0xC0  }
0xab: {  	_ =	task [dreg:s7], $0x5FFFF  }
0xac: {  	[dreg:$0x1] =	wrdreg $0xFFFFFFFF  }
0xad: {  	[dreg:$0x0] =	wrdreg $0x60  }
0xae: {  	[dreg:$0x2] =	wrdreg s24  }
0xaf: {  	[dreg:$0x3] =	wrdreg s2  }
0xb0: {  	[dreg:$0x4] =	wrdreg $0x9  }
0xb1: {  	_ =	task.clear_ibuf [dreg:s7], $0x5FFFF;
	_ =	strace $0x90000046  }
0xb2: {  	s29 =	simm.s32 $0x9;
	_ =	strace $0x80000048  }
0xb3: {  	_ =	swait.ge [sflag:s29], $0x1  }
0xb4: {  	[sflag:s29] =	ssyncadd.s32 $0xFFFFFFFF  }
0xb5: {  	_ =	strace $0x90000048  }
0xb6: {  	_ =	sfence  }
0xb7: {  	s30 =	sld [smem:$0x0];
	_ =	sdelay $0x2  }
0xb8: {  	s31 =	sshll.u32 s1, $0xD;
	s1 =	sshrl.u32 s1, $0x2  }
0xb9: {  	s3 =	sand.u32 $0x4000, s31;
	s1 =	sadd.s32 s1, s30  }
0xba: {  	s0 =	sor.u32 s3, s0;
	s1 =	sshll.u32 s1, $0x11  }
0xbb: {  	s0 =	sor.u32 s1, s0  }
0xbc: {  	s0 =	sadd.s32 $0x8F2B, s0  }
0xbd: {  	[sflag:s0] =	ssyncadd.remote.s32 $0x1  }
0xbe: {  	_ =	sfence.sel $0xFFFF  }
0xbf: {  	[dreg:$0x0] =	wrdreg $0xFFFFFFFF;
	(pc) =	sbr.abs _section_cstart, $3  }
0xc0: {  	[dreg:$0x1] =	wrdreg $0xFFFFFFFF  }
0xc1: {  	_ =	task.clear_ibuf [dreg:s7], $0x2FFFF;
	_ =	strace $0x9FFFFFFF  }
0xc2: {  	(tm) =	ssettm $0x7FFFFFFF  }
0xc3: {  	_ =	shalt  }
tec
execute0_lowered:
.L_overlay_start_1:
0x0: {  	(tag) =	ssettag $0x1  }
0x1: {  	s0 =	rddreg [dreg:$0x0]  }
0x2: {  	s3 =	simm.s32 $0x0;
	s1 =	srdreg.scid;
	s2 =	stileid.u32  }
0x3: {  	s8 =	simm.s32 $0x1;
	s1 =	sand.u32 $0x1, s1;
	s2 =	sshll.u32 s2, $0x1  }
0x4: {  	s9 =	simm.s32 $0x4000;
	[smem:$0x7FF] =	sst s3;
	s2 =	sor.u32 s1, s2  }
0x5: {  	s12 =	simm.s32 $0x0;
	_ =	strace $0x80000047;
	s4 =	sshll.u32 s2, $0xB  }
0x6: {  	v0 =	vlaneseq.u32;
	s1 =	ssub.s32 $0x2, s1;
	s2 =	sshll.u32 s2, $0x8;
	s4 =	sadd.s32 s4, s0  }
0x7: {  	v4 =	vmul.u32 $0xFFFFFFFF, v0;
	s5 =	sshrl.u32 s1, $0x1;
	s0 =	sadd.s32 s2, s0;
	s30 =	sadd.s32 $0x1400, s4  }
0x8: {  	vm0 =	vmmov $0xff;
	v1 =	vor.u32 $0x10, v0;
	s1 =	ssub.s32 s1, s5;
	s31 =	sadd.s32 $0x11400, s0;
	[dreg:$0x3] =	wrdreg s30  }
0x9: {  	v2 =	vor.u32 $0x20, v0;
	v3 =	vor.u32 $0x30, v0;
	v4 =	vadd.s32 $0xF, v4;
	s6 =	sadd.s32 $0x13400, s0;
	s7 =	smax.u32 s1, $0x1;
	[dreg:$0x4] =	wrdreg s31  }
.LBB2_1:
0xa: {  	s0 =	rddreg [dreg:$0x3]  }
0xb: {  	[tilespmem:s3], [sflag:$0x1] =	stream.linear.gather [hbm4b:s0+s3], $0x4000, $0x38;
	[tilespmem:$0x5180] =	vst v63  }
0xc: {  	_ =	swait.ge [sflag:s8], $0x4000  }
0xd: {  	[sflag:s8] =	ssyncset.done $0x0  }
0xe: {  	[sflag:s8] =	ssyncadd.s32 $0xFFFFC000  }
0xf: {  	s17 =	rddreg [dreg:$0x1]  }
0x10: {  	[tilespmem:s9], [sflag:$0x1] =	stream.linear.gather [hbm4b:s17+s3], $0x80, $0x38;
	[tilespmem:$0x5180] =	vst v63  }
0x11: {  	_ =	swait.ge [sflag:s8], $0x80  }
0x12: {  	[sflag:s8] =	ssyncset.done $0x0  }
0x13: {  	[sflag:s8] =	ssyncadd.s32 $0xFFFFFF80  }
0x14: {  	v8 =	vld [tilespmem:$0x4000]  }
0x15: {  	v5 =	vld [tilespmem:$0x4010]  }
0x16: {  	v6 =	vld [tilespmem:$0x4020]  }
0x17: {  	s0 =	simm.s32 $0x80;
	v7 =	vld [tilespmem:$0x4030]  }
0x18: {  	v9 =	vld [tilespmem:s0+$0xFFFFFF80]  }
0x19: {  	v10 =	vld [tilespmem:s0+$0xFFFFFF90]  }
0x1a: {  	v11 =	vld [tilespmem:s0+$0xFFFFFFA0]  }
0x1b: {  	v12 =	vld [tilespmem:s0+$0xFFFFFFB0];
	_ =	sdelay $0x1  }
0x1c: {  	v9 =	vadd.f32 v9, v8  }
0x1d: {  	v10 =	vadd.f32 v10, v5  }
0x1e: {  	(xrf1) =	vsort.dscd.msk.f32 $0xffff, v9, v0;
	v9 =	vadd.f32 v11, v6  }
0x1f: {  	v11 =	vadd.f32 v12, v7;
	(xrf1) =	vsort.ascd.msk.f32 $0xffff, v10, v1  }
0x20: {  	(xrf1) =	vsort.dscd.msk.f32 $0xffff, v9, v2  }
0x21: {  	(xrf1) =	vsort.ascd.msk.f32 $0xffff, v11, v3;
	_ =	sdelay $0xa  }
0x22: {  	v9, v10, _ =	vpop (xrf1)  }
0x23: {  	v11, v12, _ =	vpop (xrf1)  }
0x24: {  	v13, v14, _ =	vpop (xrf1)  }
0x25: {  	v9 =	vsel vm0, v9, v11;
	v10 =	vsel vm0, v10, v12;
	v15, v16, _ =	vpop (xrf1)  }
0x26: {  	(xrf1) =	vsort.dscd.msk.f32 $0xffff, v9, v10;
	v11 =	vsel vm0, v13, v15;
	v12 =	vsel vm0, v14, v16  }
0x27: {  	(xrf1) =	vsort.ascd.msk.f32 $0xffff, v11, v12;
	_ =	sdelay $0xc  }
0x28: {  	v9, v10, _ =	vpop (xrf1)  }
0x29: {  	v11, v12, _ =	vpop (xrf1)  }
0x2a: {  	v9 =	vsel vm0, v9, v11;
	v10 =	vsel vm0, v10, v12  }
0x2b: {  	(xrf1) =	vsort.dscd.msk.f32 $0xffff, v9, v10;
	_ =	sdelay $0x6  }
0x2c: {  	s26 =	simm.s32 $0x180  }
0x2d: {  	v9 =	vld [tilespmem:s26+$0xFFFFFF80]  }
0x2e: {  	v10 =	vld [tilespmem:s26+$0xFFFFFF90]  }
0x2f: {  	v11 =	vld [tilespmem:s26+$0xFFFFFFA0]  }
0x30: {  	v12 =	vld [tilespmem:s26+$0xFFFFFFB0];
	_ =	sdelay $0x1  }
0x31: {  	v9 =	vadd.f32 v9, v8  }
0x32: {  	v10 =	vadd.f32 v10, v5;
	v13, v14, _ =	vpop (xrf1)  }
0x33: {  	(xrf1) =	vsort.dscd.msk.f32 $0xffff, v9, v0;
	v9 =	vadd.f32 v11, v6  }
0x34: {  	v11 =	vadd.f32 v12, v7;
	(xrf1) =	vsort.ascd.msk.f32 $0xffff, v10, v1  }
0x35: {  	(xrf1) =	vsort.dscd.msk.f32 $0xffff, v9, v2  }
0x36: {  	(xrf1) =	vsort.ascd.msk.f32 $0xffff, v11, v3;
	v9 =	vld.idx.msk [tilespmem:v14+s9+$0x0], $0xffff;
	_ =	sdelay $0x4  }
0x37: {  	v9 =	vsub.f32 v13, v9;
	_ =	sdelay $0x1  }
0x38: {  	v9 =	vand.u32 $0x7FFFFFFF, v9  }
0x39: {  	v9 =	vnsel vm0, $0x0, v9  }
0x3a: {  	(xrf2) =	vadd.scan.msk.f32 $0xffff, v9;
	_ =	sdelay $0x1  }
0x3b: {  	v10, v11, _ =	vpop (xrf1)  }
0x3c: {  	v12, v13, _ =	vpop (xrf1)  }
0x3d: {  	v15, v16, _ =	vpop (xrf1)  }
0x3e: {  	v10 =	vsel vm0, v10, v12;
	v11 =	vsel vm0, v11, v13;
	v17, v18, _ =	vpop (xrf1)  }
0x3f: {  	(xrf1) =	vsort.dscd.msk.f32 $0xffff, v10, v11;
	v12 =	vsel vm0, v15, v17;
	v13 =	vsel vm0, v16, v18  }
0x40: {  	(xrf1) =	vsort.ascd.msk.f32 $0xffff, v12, v13;
	_ =	sdelay $0x2  }
0x41: {  	v10, _, _ =	vpop (xrf2)  }
0x42: {  	v10 =	vperm.xlane v10, v4;
	_ =	sdelay $0x1  }
0x43: {  	v10 =	vmax.f32 v10, $9.999999960e-13  }
0x44: {  	(erf) = vrcp.f32 v10;
	_ =	sdelay $0x5  }
0x45: {  	v10, v11, _ =	vpop (xrf1)  }
0x46: {  	v12, v13, _ =	vpop (xrf1)  }
0x47: {  	s24 =	simm.s32 $0x280;
	v10 =	vsel vm0, v10, v12;
	v11 =	vsel vm0, v11, v13  }
0x48: {  	(xrf1) =	vsort.dscd.msk.f32 $0xffff, v10, v11;
	v10 =	vld [tilespmem:s24+$0xFFFFFF80];
	v12 =	vpop (erf)  }
0x49: {  	v11 =	vld [tilespmem:s24+$0xFFFFFF90];
	v9 =	vmul.f32 v9, v12  }
0x4a: {  	s13 =	simm.s32 $0x4090;
	v12 =	vld [tilespmem:s24+$0xFFFFFFA0]  }
0x4b: {  	s14 =	simm.s32 $0x4910;
	[tilespmem:s13+$0xFFFFFFF0] =	vst.msk $0xff, v9;
	v9 =	vld [tilespmem:s24+$0xFFFFFFB0]  }
0x4c: {  	s1 =	simm.s32 $0x40;
	[tilespmem:s14+$0xFFFFFFF0] =	vst.msk $0xff, v14  }
0x4d: {  	s2 =	sor.u32 $0x50, s1;
	v10 =	vadd.f32 v10, v8;
	v13 =	vld [tilespmem:s0+$0xFFFFFFC0]  }
0x4e: {  	s18 =	sor.u32 $0x60, s1;
	v11 =	vadd.f32 v11, v5;
	v14 =	vld [tilespmem:s2+$0x0]  }
0x4f: {  	s1 =	sor.u32 $0x70, s1;
	(xrf1) =	vsort.dscd.msk.f32 $0xffff, v10, v0;
	v15 =	vld [tilespmem:s18+$0x0];
	v10 =	vadd.f32 v12, v6  }
0x50: {  	(xrf1) =	vsort.ascd.msk.f32 $0xffff, v11, v1;
	v12 =	vld [tilespmem:s1+$0x0];
	v9 =	vadd.f32 v9, v7  }
0x51: {  	(xrf1) =	vsort.dscd.msk.f32 $0xffff, v10, v2  }
0x52: {  	v10 =	vadd.f32 v13, v8;
	(xrf1) =	vsort.ascd.msk.f32 $0xffff, v9, v3  }
0x53: {  	v9 =	vadd.f32 v14, v5  }
0x54: {  	(xrf1) =	vsort.dscd.msk.f32 $0xffff, v10, v0;
	v10 =	vadd.f32 v15, v6  }
0x55: {  	(xrf1) =	vsort.ascd.msk.f32 $0xffff, v9, v1;
	v9 =	vadd.f32 v12, v7  }
0x56: {  	v11, v12, _ =	vpop (xrf1);
	(xrf1) =	vsort.dscd.msk.f32 $0xffff, v10, v2  }
0x57: {  	(xrf1) =	vsort.ascd.msk.f32 $0xffff, v9, v3;
	_ =	sdelay $0x2  }
0x58: {  	v9 =	vld.idx.msk [tilespmem:v12+s9+$0x0], $0xffff;
	_ =	sdelay $0x2  }
0x59: {  	v10, v13, _ =	vpop (xrf1)  }
0x5a: {  	v14, v15, _ =	vpop (xrf1)  }
0x5b: {  	v9 =	vsub.f32 v11, v9;
	v11, v16, _ =	vpop (xrf1)  }
0x5c: {  	v10 =	vsel vm0, v10, v14;
	v13 =	vsel vm0, v13, v15;
	v17, v18, _ =	vpop (xrf1)  }
0x5d: {  	(xrf1) =	vsort.dscd.msk.f32 $0xffff, v10, v13;
	v9 =	vand.u32 $0x7FFFFFFF, v9;
	v11 =	vsel vm0, v11, v17;
	v14 =	vsel vm0, v16, v18  }
0x5e: {  	v9 =	vnsel vm0, $0x0, v9;
	v19, v20, _ =	vpop (xrf1);
	(xrf1) =	vsort.ascd.msk.f32 $0xffff, v11, v14  }
0x5f: {  	(xrf2) =	vadd.scan.msk.f32 $0xffff, v9;
	v21, v22, _ =	vpop (xrf1)  }
0x60: {  	v10, v13, _ =	vpop (xrf1)  }
0x61: {  	v11 =	vsel vm0, v19, v21;
	v14 =	vsel vm0, v20, v22;
	v15, v16, _ =	vpop (xrf1)  }
0x62: {  	(xrf1) =	vsort.dscd.msk.f32 $0xffff, v11, v14;
	v10 =	vsel vm0, v10, v15;
	v13 =	vsel vm0, v13, v16  }
0x63: {  	(xrf1) =	vsort.ascd.msk.f32 $0xffff, v10, v13;
	_ =	sdelay $0x5  }
0x64: {  	v10, _, _ =	vpop (xrf2)  }
0x65: {  	v10 =	vperm.xlane v10, v4  }
0x66: {  	v11, v13, _ =	vpop (xrf1)  }
0x67: {  	v10 =	vmax.f32 v10, $9.999999960e-13;
	v14, v15, _ =	vpop (xrf1)  }
0x68: {  	(erf) = vrcp.f32 v10;
	v10 =	vsel vm0, v11, v14;
	v11 =	vsel vm0, v13, v15;
	_ =	sdelay $0x2  }
0x69: {  	v13, v14, _ =	vpop (xrf1)  }
0x6a: {  	(xrf1) =	vsort.dscd.msk.f32 $0xffff, v10, v11;
	v10, v11, _ =	vpop (xrf1)  }
0x6b: {  	v10 =	vsel vm0, v13, v10;
	v11 =	vsel vm0, v14, v11  }
0x6c: {  	(xrf1) =	vsort.dscd.msk.f32 $0xffff, v10, v11;
	_ =	sdelay $0x5  }
0x6d: {  	s22 =	simm.s32 $0x380;
	v10 =	vpop (erf)  }
0x6e: {  	v11 =	vld [tilespmem:s22+$0xFFFFFF80];
	v9 =	vmul.f32 v9, v10  }
0x6f: {  	s15 =	simm.s32 $0x40B0;
	v10 =	vld [tilespmem:s22+$0xFFFFFF90]  }
0x70: {  	s16 =	simm.s32 $0x4930;
	v13 =	vld [tilespmem:s22+$0xFFFFFFA0];
	[tilespmem:s15+$0xFFFFFFF0] =	vst.msk $0xff, v9  }
0x71: {  	s19 =	simm.s32 $0x140;
	v9 =	vld [tilespmem:s22+$0xFFFFFFB0];
	[tilespmem:s16+$0xFFFFFFF0] =	vst.msk $0xff, v12  }
0x72: {  	s20 =	sor.u32 $0x50, s19;
	v12 =	vld [tilespmem:s26+$0xFFFFFFC0]  }
0x73: {  	s21 =	sor.u32 $0x60, s19;
	v11 =	vadd.f32 v11, v8;
	v14 =	vld [tilespmem:s20+$0x0];
	v15, v16, _ =	vpop (xrf1)  }
0x74: {  	v17 =	vld [tilespmem:s21+$0x0];
	v10 =	vadd.f32 v10, v5  }
0x75: {  	s1 =	sor.u32 $0x70, s19;
	(xrf1) =	vsort.dscd.msk.f32 $0xffff, v11, v0;
	v11 =	vadd.f32 v13, v6;
	v13, v18, _ =	vpop (xrf1)  }
0x76: {  	v9 =	vadd.f32 v9, v7;
	(xrf1) =	vsort.ascd.msk.f32 $0xffff, v10, v1;
	v10 =	vld [tilespmem:s1+$0x0]  }
0x77: {  	(xrf1) =	vsort.dscd.msk.f32 $0xffff, v11, v2;
	v11 =	vadd.f32 v12, v8;
	v12 =	vld.idx.msk [tilespmem:v16+s9+$0x0], $0xffff  }
0x78: {  	(xrf1) =	vsort.ascd.msk.f32 $0xffff, v9, v3;
	v9 =	vadd.f32 v14, v5  }
0x79: {  	(xrf1) =	vsort.dscd.msk.f32 $0xffff, v11, v0;
	v11 =	vadd.f32 v17, v6;
	v14 =	vld.idx.msk [tilespmem:v18+s9+$0x0], $0xffff  }
0x7a: {  	(xrf1) =	vsort.ascd.msk.f32 $0xffff, v9, v1  }
0x7b: {  	v9 =	vadd.f32 v10, v7;
	(xrf1) =	vsort.dscd.msk.f32 $0xffff, v11, v2  }
0x7c: {  	v10 =	vsub.f32 v15, v12  }
0x7d: {  	(xrf1) =	vsort.ascd.msk.f32 $0xffff, v9, v3  }
0x7e: {  	v9 =	vand.u32 $0x7FFFFFFF, v10;
	v10 =	vsub.f32 v13, v14  }
0x7f: {  	v9 =	vnsel vm0, $0x0, v9  }
0x80: {  	(xrf2) =	vadd.scan.msk.f32 $0xffff, v9;
	v10 =	vand.u32 $0x7FFFFFFF, v10  }
0x81: {  	v10 =	vnsel vm0, $0x0, v10  }
0x82: {  	(xrf2) =	vadd.scan.msk.f32 $0xffff, v10  }
0x83: {  	v11, v12, _ =	vpop (xrf1)  }
0x84: {  	v13, v14, _ =	vpop (xrf1)  }
0x85: {  	v15, v17, _ =	vpop (xrf1)  }
0x86: {  	v11 =	vsel vm0, v11, v13;
	v12 =	vsel vm0, v12, v14;
	v19, v20, _ =	vpop (xrf1)  }
0x87: {  	v21, v22, _ =	vpop (xrf1);
	(xrf1) =	vsort.dscd.msk.f32 $0xffff, v11, v12;
	v11 =	vsel vm0, v15, v19;
	v12 =	vsel vm0, v17, v20  }
0x88: {  	v13, v14, _ =	vpop (xrf1);
	(xrf1) =	vsort.ascd.msk.f32 $0xffff, v11, v12  }
0x89: {  	v15, v17, _ =	vpop (xrf1)  }
0x8a: {  	v11, _, _ =	vpop (xrf2)  }
0x8b: {  	v13 =	vsel vm0, v21, v13;
	v14 =	vsel vm0, v22, v14;
	v12, v19, _ =	vpop (xrf1);
	v11 =	vperm.xlane v11, v4  }
0x8c: {  	(xrf1) =	vsort.dscd.msk.f32 $0xffff, v13, v14;
	v12 =	vsel vm0, v15, v12;
	v17 =	vsel vm0, v17, v19;
	v15, _, _ =	vpop (xrf2)  }
0x8d: {  	(xrf1) =	vsort.ascd.msk.f32 $0xffff, v12, v17;
	v11 =	vmax.f32 v11, $9.999999960e-13;
	v13 =	vperm.xlane v15, v4  }
0x8e: {  	(erf) = vrcp.f32 v11  }
0x8f: {  	v11 =	vmax.f32 v13, $9.999999960e-13  }
0x90: {  	(erf) = vrcp.f32 v11;
	_ =	sdelay $0x4  }
0x91: {  	v11, v12, _ =	vpop (xrf1)  }
0x92: {  	v14, v15, _ =	vpop (xrf1)  }
0x93: {  	s21 =	simm.s32 $0x480;
	v13 =	vpop (erf)  }
0x94: {  	v12 =	vsel vm0, v12, v15;
	v9 =	vmul.f32 v9, v13;
	v13 =	vld [tilespmem:s21+$0xFFFFFF80]  }
0x95: {  	s17 =	simm.s32 $0x40D0;
	v11 =	vsel vm0, v11, v14;
	v14 =	vld [tilespmem:s21+$0xFFFFFF90];
	v17 =	vpop (erf)  }
0x96: {  	s18 =	simm.s32 $0x4950;
	[tilespmem:s17+$0xFFFFFFF0] =	vst.msk $0xff, v9;
	v9 =	vmul.f32 v10, v17;
	v10, v15, _ =	vpop (xrf1)  }
0x97: {  	(xrf1) =	vsort.dscd.msk.f32 $0xffff, v11, v12;
	v11 =	vld [tilespmem:s21+$0xFFFFFFA0];
	[tilespmem:s18+$0xFFFFFFF0] =	vst.msk $0xff, v16;
	v12, v16, _ =	vpop (xrf1)  }
0x98: {  	v17 =	vld [tilespmem:s21+$0xFFFFFFB0];
	[tilespmem:s13+$0xFFFFFFF8] =	vst.msk $0xff, v9;
	v9 =	vsel vm0, v10, v12;
	v10 =	vsel vm0, v15, v16  }
0x99: {  	v12 =	vld [tilespmem:s24+$0xFFFFFFC0];
	[tilespmem:s14+$0xFFFFFFF8] =	vst.msk $0xff, v18;
	(xrf1) =	vsort.dscd.msk.f32 $0xffff, v9, v10;
	v9 =	vadd.f32 v13, v8  }
0x9a: {  	v13 =	vadd.f32 v14, v5;
	v10 =	vld [tilespmem:s0+$0x0]  }
0x9b: {  	(xrf1) =	vsort.dscd.msk.f32 $0xffff, v9, v0  }
0x9c: {  	v9 =	vadd.f32 v11, v6;
	(xrf1) =	vsort.ascd.msk.f32 $0xffff, v13, v1;
	v13 =	vld [tilespmem:s0+$0x30]  }
0x9d: {  	v14 =	vld [tilespmem:s0+$0x10];
	v15 =	vadd.f32 v17, v7  }
0x9e: {  	v11 =	vld [tilespmem:s0+$0x20];
	(xrf1) =	vsort.dscd.msk.f32 $0xffff, v9, v2;
	v9 =	vadd.f32 v12, v8  }
0x9f: {  	(xrf1) =	vsort.ascd.msk.f32 $0xffff, v15, v3;
	v10 =	vadd.f32 v10, v8  }
0xa0: {  	(xrf1) =	vsort.dscd.msk.f32 $0xffff, v9, v0  }
0xa1: {  	(xrf1) =	vsort.dscd.msk.f32 $0xffff, v10, v0;
	v10 =	vadd.f32 v13, v7  }
0xa2: {  	v9 =	vadd.f32 v14, v5  }
0xa3: {  	v11 =	vadd.f32 v11, v6  }
0xa4: {  	s23 =	simm.s32 $0x240;
	(xrf1) =	vsort.ascd.msk.f32 $0xffff, v9, v1  }
0xa5: {  	s25 =	sor.u32 $0x50, s23;
	(xrf1) =	vsort.dscd.msk.f32 $0xffff, v11, v2  }
0xa6: {  	s4 =	sor.u32 $0x60, s23;
	v11 =	vld [tilespmem:s25+$0x0];
	(xrf1) =	vsort.ascd.msk.f32 $0xffff, v10, v3;
	v9, v10, _ =	vpop (xrf1)  }
0xa7: {  	v12 =	vld [tilespmem:s4+$0x0]  }
0xa8: {  	s1 =	sor.u32 $0x70, s23;
	v13, v14, _ =	vpop (xrf1)  }
0xa9: {  	v15 =	vld [tilespmem:s1+$0x0]  }
0xaa: {  	v16 =	vld.idx.msk [tilespmem:v10+s9+$0x0], $0xffff  }
0xab: {  	v11 =	vadd.f32 v11, v5  }
0xac: {  	v12 =	vadd.f32 v12, v6;
	v17, v18, _ =	vpop (xrf1);
	v23 =	vld.idx.msk [tilespmem:v14+s9+$0x0], $0xffff  }
0xad: {  	v19, v20, _ =	vpop (xrf1);
	(xrf1) =	vsort.ascd.msk.f32 $0xffff, v11, v1  }
0xae: {  	v15 =	vadd.f32 v15, v7;
	v21, v22, _ =	vpop (xrf1);
	(xrf1) =	vsort.dscd.msk.f32 $0xffff, v12, v2  }
0xaf: {  	v11, v24, _ =	vpop (xrf1);
	v9 =	vsub.f32 v9, v16  }
0xb0: {  	(xrf1) =	vsort.ascd.msk.f32 $0xffff, v15, v3;
	v12, v16, _ =	vpop (xrf1)  }
0xb1: {  	v25, v26, _ =	vpop (xrf1);
	v13 =	vsub.f32 v13, v23;
	v9 =	vand.u32 $0x7FFFFFFF, v9  }
0xb2: {  	v15, v27, _ =	vpop (xrf1);
	v9 =	vnsel vm0, $0x0, v9  }
0xb3: {  	v23, v28, _ =	vpop (xrf1);
	v15 =	vsel vm0, v25, v15;
	v35 =	vsel vm0, v26, v27;
	v13 =	vand.u32 $0x7FFFFFFF, v13;
	(xrf2) =	vadd.scan.msk.f32 $0xffff, v9  }
0xb4: {  	v26, v27, _ =	vpop (xrf1);
	(xrf1) =	vsort.dscd.msk.f32 $0xffff, v15, v35;
	v13 =	vnsel vm0, $0x0, v13  }
0xb5: {  	v15 =	vsel vm0, v23, v26;
	v23 =	vsel vm0, v28, v27;
	(xrf2) =	vadd.scan.msk.f32 $0xffff, v13  }
0xb6: {  	(xrf1) =	vsort.ascd.msk.f32 $0xffff, v15, v23;
	_ =	sdelay $0x2  }
0xb7: {  	v15 =	vsel vm0, v17, v19;
	v17 =	vsel vm0, v18, v20  }
0xb8: {  	v11 =	vsel vm0, v21, v11  }
0xb9: {  	(xrf1) =	vsort.dscd.msk.f32 $0xffff, v15, v17;
	v15 =	vsel vm0, v22, v24;
	v18, v19, _ =	vpop (xrf1)  }
0xba: {  	v17, v20, _ =	vpop (xrf1)  }
0xbb: {  	(xrf1) =	vsort.ascd.msk.f32 $0xffff, v11, v15;
	v11, _, _ =	vpop (xrf2)  }
0xbc: {  	v15, v21, _ =	vpop (xrf1);
	v11 =	vperm.xlane v11, v4  }
0xbd: {  	v15 =	vsel vm0, v17, v15  }
0xbe: {  	v12 =	vsel vm0, v12, v18;
	v16 =	vsel vm0, v16, v19;
	v17, _, _ =	vpop (xrf2);
	v11 =	vmax.f32 v11, $9.999999960e-13  }
0xbf: {  	(xrf1) =	vsort.dscd.msk.f32 $0xffff, v12, v16;
	v18 =	vsel vm0, v20, v21;
	v12 =	vperm.xlane v17, v4;
	(erf) = vrcp.f32 v11  }
0xc0: {  	(xrf1) =	vsort.ascd.msk.f32 $0xffff, v15, v18  }
0xc1: {  	v12 =	vmax.f32 v12, $9.999999960e-13;
	v11, v15, _ =	vpop (xrf1)  }
0xc2: {  	(erf) = vrcp.f32 v12;
	v16, v17, _ =	vpop (xrf1)  }
0xc3: {  	v12 =	vsel vm0, v15, v17  }
0xc4: {  	v11 =	vsel vm0, v11, v16  }
0xc5: {  	(xrf1) =	vsort.dscd.msk.f32 $0xffff, v11, v12;
	_ =	sdelay $0x1  }
0xc6: {  	v11, v12, _ =	vpop (xrf1)  }
0xc7: {  	v15 =	vpop (erf)  }
0xc8: {  	v16, v17, _ =	vpop (xrf1)  }
0xc9: {  	s23 =	simm.s32 $0x580;
	v9 =	vmul.f32 v9, v15;
	v12 =	vsel vm0, v12, v17  }
0xca: {  	s20 =	simm.s32 $0x40F0;
	v15 =	vld [tilespmem:s23+$0xFFFFFF80];
	v18 =	vpop (erf)  }
0xcb: {  	s19 =	simm.s32 $0x4970;
	v11 =	vsel vm0, v11, v16;
	v16 =	vld [tilespmem:s23+$0xFFFFFF90];
	[tilespmem:s20+$0xFFFFFFF0] =	vst.msk $0xff, v9;
	v9 =	vmul.f32 v13, v18  }
0xcc: {  	(xrf1) =	vsort.dscd.msk.f32 $0xffff, v11, v12;
	v11 =	vld [tilespmem:s23+$0xFFFFFFA0];
	v13, v17, _ =	vpop (xrf1);
	[tilespmem:s19+$0xFFFFFFF0] =	vst.msk $0xff, v10  }
0xcd: {  	v18 =	vld [tilespmem:s23+$0xFFFFFFB0];
	v10, v12, _ =	vpop (xrf1);
	[tilespmem:s15+$0xFFFFFFF8] =	vst.msk $0xff, v9  }
0xce: {  	v9 =	vsel vm0, v13, v10;
	v10 =	vsel vm0, v17, v12;
	v12 =	vld [tilespmem:s22+$0xFFFFFFC0];
	[tilespmem:s16+$0xFFFFFFF8] =	vst.msk $0xff, v14  }
0xcf: {  	(xrf1) =	vsort.dscd.msk.f32 $0xffff, v9, v10;
	v9 =	vadd.f32 v15, v8;
	v10 =	vld [tilespmem:s26+$0x0]  }
0xd0: {  	v13 =	vadd.f32 v16, v5;
	v14 =	vld [tilespmem:s26+$0x10]  }
0xd1: {  	v16 =	vld [tilespmem:s26+$0x20];
	(xrf1) =	vsort.dscd.msk.f32 $0xffff, v9, v0;
	v9 =	vadd.f32 v11, v6  }
0xd2: {  	v17 =	vadd.f32 v18, v7;
	v11, v15, _ =	vpop (xrf1);
	(xrf1) =	vsort.ascd.msk.f32 $0xffff, v13, v1;
	v13 =	vld [tilespmem:s26+$0x30]  }
0xd3: {  	(xrf1) =	vsort.dscd.msk.f32 $0xffff, v9, v2;
	v9 =	vadd.f32 v12, v8  }
0xd4: {  	(xrf1) =	vsort.ascd.msk.f32 $0xffff, v17, v3;
	v10 =	vadd.f32 v10, v8  }
0xd5: {  	s5 =	simm.s32 $0x340;
	(xrf1) =	vsort.dscd.msk.f32 $0xffff, v9, v0;
	v9 =	vadd.f32 v14, v5  }
0xd6: {  	s10 =	sor.u32 $0x50, s5;
	v16 =	vadd.f32 v16, v6;
	v12 =	vld.idx.msk [tilespmem:v15+s9+$0x0], $0xffff;
	(xrf1) =	vsort.dscd.msk.f32 $0xffff, v10, v0  }
0xd7: {  	s11 =	sor.u32 $0x60, s5;
	v14 =	vld [tilespmem:s10+$0x0];
	v10 =	vadd.f32 v13, v7;
	(xrf1) =	vsort.ascd.msk.f32 $0xffff, v9, v1  }
0xd8: {  	s1 =	sor.u32 $0x70, s5;
	v9 =	vld [tilespmem:s11+$0x0];
	(xrf1) =	vsort.dscd.msk.f32 $0xffff, v16, v2  }
0xd9: {  	(xrf1) =	vsort.ascd.msk.f32 $0xffff, v10, v3;
	v10 =	vld [tilespmem:s1+$0x0];
	_ =	sdelay $0x1  }
0xda: {  	v13, v16, _ =	vpop (xrf1);
	v11 =	vsub.f32 v11, v12  }
0xdb: {  	v12 =	vadd.f32 v14, v5  }
0xdc: {  	v9 =	vadd.f32 v9, v6;
	v11 =	vand.u32 $0x7FFFFFFF, v11  }
0xdd: {  	v14, v17, _ =	vpop (xrf1);
	(xrf1) =	vsort.ascd.msk.f32 $0xffff, v12, v1;
	v11 =	vnsel vm0, $0x0, v11;
	v10 =	vadd.f32 v10, v7  }
0xde: {  	v12 =	vld.idx.msk [tilespmem:v16+s9+$0x0], $0xffff;
	(xrf2) =	vadd.scan.msk.f32 $0xffff, v11  }
0xdf: {  	v18, v19, _ =	vpop (xrf1)  }
0xe0: {  	(xrf1) =	vsort.dscd.msk.f32 $0xffff, v9, v2;
	v9, v20, _ =	vpop (xrf1)  }
0xe1: {  	(xrf1) =	vsort.ascd.msk.f32 $0xffff, v10, v3;
	v22 =	vld.idx.msk [tilespmem:v17+s9+$0x0], $0xffff;
	v10, v21, _ =	vpop (xrf1)  }
0xe2: {  	v23, v36, _ =	vpop (xrf1)  }
0xe3: {  	v12 =	vsub.f32 v13, v12;
	v13, v37, _ =	vpop (xrf1)  }
0xe4: {  	v38, v39, _ =	vpop (xrf1)  }
0xe5: {  	v12 =	vand.u32 $0x7FFFFFFF, v12;
	v40, v29, _ =	vpop (xrf1)  }
0xe6: {  	v12 =	vnsel vm0, $0x0, v12;
	v14 =	vsub.f32 v14, v22;
	v22, v30, _ =	vpop (xrf1)  }
0xe7: {  	(xrf2) =	vadd.scan.msk.f32 $0xffff, v12;
	v26 =	vsel vm0, v38, v40;
	v27 =	vsel vm0, v39, v29;
	v41, v42, _ =	vpop (xrf1)  }
0xe8: {  	(xrf1) =	vsort.dscd.msk.f32 $0xffff, v26, v27;
	v14 =	vand.u32 $0x7FFFFFFF, v14;
	v22 =	vsel vm0, v22, v41;
	v43 =	vsel vm0, v30, v42;
	v44, _, _ =	vpop (xrf2)  }
0xe9: {  	v14 =	vnsel vm0, $0x0, v14;
	(xrf1) =	vsort.ascd.msk.f32 $0xffff, v22, v43;
	v22 =	vperm.xlane v44, v4  }
0xea: {  	v9 =	vsel vm0, v18, v9;
	v18 =	vsel vm0, v19, v20;
	(xrf2) =	vadd.scan.msk.f32 $0xffff, v14  }
0xeb: {  	v22 =	vmax.f32 v22, $9.999999960e-13  }
0xec: {  	v19 =	vsel vm0, v21, v36;
	(erf) = vrcp.f32 v22  }
0xed: {  	v45, v46, _ =	vpop (xrf1)  }
0xee: {  	v10 =	vsel vm0, v10, v23;
	(xrf1) =	vsort.dscd.msk.f32 $0xffff, v9, v18;
	v9, v18, _ =	vpop (xrf1)  }
0xef: {  	(xrf1) =	vsort.ascd.msk.f32 $0xffff, v10, v19;
	v19, v20, _ =	vpop (xrf1)  }
0xf0: {  	v9 =	vsel vm0, v9, v19  }
0xf1: {  	v10 =	vsel vm0, v13, v45;
	v13 =	vsel vm0, v37, v46  }
0xf2: {  	(xrf1) =	vsort.dscd.msk.f32 $0xffff, v10, v13;
	v18 =	vsel vm0, v18, v20  }
0xf3: {  	(xrf1) =	vsort.ascd.msk.f32 $0xffff, v9, v18;
	v9, _, _ =	vpop (xrf2)  }
0xf4: {  	v9 =	vperm.xlane v9, v4;
	v10, _, _ =	vpop (xrf2)  }
0xf5: {  	v13 =	vpop (erf)  }
0xf6: {  	v9 =	vmax.f32 v9, $9.999999960e-13;
	v10 =	vperm.xlane v10, v4  }
0xf7: {  	(erf) = vrcp.f32 v9;
	v9 =	vmul.f32 v11, v13;
	v11, v13, _ =	vpop (xrf1)  }
0xf8: {  	v10 =	vmax.f32 v10, $9.999999960e-13;
	v18, v19, _ =	vpop (xrf1)  }
0xf9: {  	(erf) = vrcp.f32 v10;
	v10 =	vsel vm0, v13, v19;
	_ =	sdelay $0x1  }
0xfa: {  	[tilespmem:s13+$0x0] =	vst.msk $0xff, v9;
	v9 =	vsel vm0, v11, v18  }
0xfb: {  	(xrf1) =	vsort.dscd.msk.f32 $0xffff, v9, v10;
	v10, v11, _ =	vpop (xrf1)  }
0xfc: {  	[tilespmem:s14+$0x0] =	vst.msk $0xff, v15;
	v15, v18, _ =	vpop (xrf1)  }
0xfd: {  	s25 =	simm.s32 $0xC0;
	v11 =	vsel vm0, v11, v18  }
0xfe: {  	s2 =	sor.u32 $0x50, s25;
	v9 =	vld [tilespmem:s0+$0x40];
	v10 =	vsel vm0, v10, v15  }
0xff: {  	v13 =	vld [tilespmem:s2+$0x0]  }
0x100: {  	s4 =	sor.u32 $0x60, s25;
	v15, v18, _ =	vpop (xrf1)  }
0x101: {  	s5 =	sor.u32 $0x70, s25;
	v19 =	vld [tilespmem:s4+$0x0];
	(xrf1) =	vsort.dscd.msk.f32 $0xffff, v10, v11;
	v10, v11, _ =	vpop (xrf1)  }
0x102: {  	s25 =	simm.s32 $0x680;
	v20 =	vld [tilespmem:s5+$0x0];
	v21 =	vpop (erf);
	v10 =	vsel vm0, v15, v10;
	v11 =	vsel vm0, v18, v11  }
0x103: {  	v9 =	vadd.f32 v9, v8;
	v12 =	vmul.f32 v12, v21;
	(xrf1) =	vsort.dscd.msk.f32 $0xffff, v10, v11;
	v11 =	vld [tilespmem:s25+$0xFFFFFF80]  }
0x104: {  	s1 =	simm.s32 $0x4110;
	v10 =	vadd.f32 v13, v5;
	v13 =	vpop (erf)  }
0x105: {  	s31 =	simm.s32 $0x4990;
	[tilespmem:s1+$0xFFFFFFF0] =	vst.msk $0xff, v12;
	(xrf1) =	vsort.dscd.msk.f32 $0xffff, v9, v0;
	v9 =	vld [tilespmem:s25+$0xFFFFFF90];
	v12 =	vmul.f32 v14, v13  }
0x106: {  	[tilespmem:s31+$0xFFFFFFF0] =	vst.msk $0xff, v16;
	v15 =	vadd.f32 v19, v6;
	(xrf1) =	vsort.ascd.msk.f32 $0xffff, v10, v1;
	v10 =	vld [tilespmem:s25+$0xFFFFFFA0]  }
0x107: {  	v13 =	vadd.f32 v20, v7;
	v14 =	vld [tilespmem:s25+$0xFFFFFFB0];
	[tilespmem:s17+$0xFFFFFFF8] =	vst.msk $0xff, v12  }
0x108: {  	(xrf1) =	vsort.dscd.msk.f32 $0xffff, v15, v2;
	v12 =	vld [tilespmem:s21+$0xFFFFFFC0];
	[tilespmem:s18+$0xFFFFFFF8] =	vst.msk $0xff, v17;
	v11 =	vadd.f32 v11, v8  }
0x109: {  	(xrf1) =	vsort.ascd.msk.f32 $0xffff, v13, v3;
	v13 =	vld [tilespmem:s24+$0x0]  }
0x10a: {  	v9 =	vadd.f32 v9, v5;
	(xrf1) =	vsort.dscd.msk.f32 $0xffff, v11, v0;
	v11 =	vld [tilespmem:s24+$0x20]  }
0x10b: {  	v15 =	vld [tilespmem:s24+$0x10];
	v10 =	vadd.f32 v10, v6  }
0x10c: {  	(xrf1) =	vsort.ascd.msk.f32 $0xffff, v9, v1;
	v9 =	vld [tilespmem:s24+$0x30]  }
0x10d: {  	v16, v17, _ =	vpop (xrf1);
	(xrf1) =	vsort.dscd.msk.f32 $0xffff, v10, v2;
	v10 =	vadd.f32 v12, v8  }
0x10e: {  	s10 =	simm.s32 $0x440;
	v14 =	vadd.f32 v14, v7  }
0x10f: {  	s11 =	sor.u32 $0x50, s10;
	v13 =	vadd.f32 v13, v8;
	v19 =	vadd.f32 v11, v6  }
0x110: {  	v12 =	vld [tilespmem:s11+$0x0];
	(xrf1) =	vsort.ascd.msk.f32 $0xffff, v14, v3;
	v14 =	vadd.f32 v15, v5  }
0x111: {  	v15 =	vld.idx.msk [tilespmem:v17+s9+$0x0], $0xffff;
	(xrf1) =	vsort.dscd.msk.f32 $0xffff, v10, v0;
	v9 =	vadd.f32 v9, v7  }
0x112: {  	(xrf1) =	vsort.dscd.msk.f32 $0xffff, v13, v0;
	v18, v10, _ =	vpop (xrf1)  }
0x113: {  	(xrf1) =	vsort.ascd.msk.f32 $0xffff, v14, v1;
	v13, v11, _ =	vpop (xrf1)  }
0x114: {  	(xrf1) =	vsort.dscd.msk.f32 $0xffff, v19, v2;
	v14, v19, _ =	vpop (xrf1)  }
0x115: {  	v12 =	vadd.f32 v12, v5;
	(xrf1) =	vsort.ascd.msk.f32 $0xffff, v9, v3;
	v9, v20, _ =	vpop (xrf1)  }
0x116: {  	v15 =	vsub.f32 v16, v15;
	v16, v21, _ =	vpop (xrf1)  }
0x117: {  	s4 =	sor.u32 $0x60, s10;
	(xrf1) =	vsort.ascd.msk.f32 $0xffff, v12, v1;
	v9 =	vsel vm0, v14, v9;
	v12 =	vsel vm0, v19, v20;
	v14 =	vld.idx.msk [tilespmem:v10+s9+$0x0], $0xffff;
	v19, v20, _ =	vpop (xrf1)  }
0x118: {  	(xrf1) =	vsort.dscd.msk.f32 $0xffff, v9, v12;
	v12 =	vsel vm0, v16, v19;
	v16 =	vld [tilespmem:s4+$0x0]  }
0x119: {  	v9 =	vand.u32 $0x7FFFFFFF, v15;
	v15 =	vsel vm0, v21, v20  }
0x11a: {  	v9 =	vnsel vm0, $0x0, v9  }
0x11b: {  	s0 =	sor.u32 $0x70, s10;
	(xrf2) =	vadd.scan.msk.f32 $0xffff, v9  }
0x11c: {  	(xrf1) =	vsort.ascd.msk.f32 $0xffff, v12, v15;
	v12 =	vld [tilespmem:s0+$0x0];
	v15, v19, _ =	vpop (xrf1)  }
0x11d: {  	v14 =	vsub.f32 v18, v14;
	v20, v21, _ =	vpop (xrf1);
	v16 =	vadd.f32 v16, v6  }
0x11e: {  	v22, v23, _ =	vpop (xrf1)  }
0x11f: {  	v47 =	vld.idx.msk [tilespmem:v11+s9+$0x0], $0xffff;
	v14 =	vand.u32 $0x7FFFFFFF, v14;
	v18, v48, _ =	vpop (xrf1)  }
0x120: {  	v49, v50, _ =	vpop (xrf1)  }
0x121: {  	v51 =	vadd.f32 v12, v7;
	v12 =	vnsel vm0, $0x0, v14;
	(xrf1) =	vsort.dscd.msk.f32 $0xffff, v16, v2;
	v16, v52, _ =	vpop (xrf1)  }
0x122: {  	(xrf2) =	vadd.scan.msk.f32 $0xffff, v12;
	v14, v53, _ =	vpop (xrf1)  }
0x123: {  	(xrf1) =	vsort.ascd.msk.f32 $0xffff, v51, v3;
	v55, v54, _ =	vpop (xrf1)  }
0x124: {  	v13 =	vsub.f32 v13, v47;
	v14 =	vsel vm0, v16, v14;
	v16 =	vsel vm0, v52, v53;
	v29, v30, _ =	vpop (xrf1)  }
0x125: {  	v56, _, _ =	vpop (xrf2);
	(xrf1) =	vsort.dscd.msk.f32 $0xffff, v14, v16;
	v14 =	vsel vm0, v55, v29;
	v16 =	vsel vm0, v54, v30  }
0x126: {  	v19 =	vsel vm0, v19, v21;
	(xrf1) =	vsort.ascd.msk.f32 $0xffff, v14, v16;
	v14 =	vperm.xlane v56, v4  }
0x127: {  	v13 =	vand.u32 $0x7FFFFFFF, v13;
	v15 =	vsel vm0, v15, v20  }
0x128: {  	v13 =	vnsel vm0, $0x0, v13;
	v58, v57, _ =	vpop (xrf1);
	v14 =	vmax.f32 v14, $9.999999960e-13  }
0x129: {  	(xrf2) =	vadd.scan.msk.f32 $0xffff, v13;
	v16, v59, _ =	vpop (xrf1);
	(erf) = vrcp.f32 v14  }
0x12a: {  	v18 =	vsel vm0, v22, v18;
	v20 =	vsel vm0, v23, v48;
	(xrf1) =	vsort.dscd.msk.f32 $0xffff, v15, v19;
	v15, v19, _ =	vpop (xrf1)  }
0x12b: {  	(xrf1) =	vsort.ascd.msk.f32 $0xffff, v18, v20;
	v14 =	vsel vm0, v16, v15;
	v15 =	vsel vm0, v59, v19  }
0x12c: {  	v16, _, _ =	vpop (xrf2);
	(xrf1) =	vsort.dscd.msk.f32 $0xffff, v14, v15;
	v14 =	vsel vm0, v49, v58;
	v15 =	vsel vm0, v50, v57  }
0x12d: {  	(xrf1) =	vsort.dscd.msk.f32 $0xffff, v14, v15;
	v14 =	vperm.xlane v16, v4;
	_ =	sdelay $0x1  }
0x12e: {  	v14 =	vmax.f32 v14, $9.999999960e-13  }
0x12f: {  	v15, v16, _ =	vpop (xrf1)  }
0x130: {  	v18, v19, _ =	vpop (xrf1)  }
0x131: {  	(erf) = vrcp.f32 v14;
	v18 =	vsel vm0, v15, v18;
	v19 =	vsel vm0, v16, v19;
	v14 =	vpop (erf)  }
0x132: {  	v21, v22, _ =	vpop (xrf1);
	(xrf1) =	vsort.ascd.msk.f32 $0xffff, v18, v19  }
0x133: {  	v9 =	vmul.f32 v9, v14;
	_ =	sdelay $0x1  }
0x134: {  	v20, _, _ =	vpop (xrf2);
	[tilespmem:s15+$0x0] =	vst.msk $0xff, v9  }
0x135: {  	[tilespmem:s16+$0x0] =	vst.msk $0xff, v17;
	v17 =	vperm.xlane v20, v4;
	_ =	sdelay $0x1  }
0x136: {  	v23, v60, _ =	vpop (xrf1);
	v18 =	vmax.f32 v17, $9.999999960e-13  }
0x137: {  	v21 =	vsel vm0, v21, v23;
	v22 =	vsel vm0, v22, v60;
	(erf) = vrcp.f32 v18  }
0x138: {  	(xrf1) =	vsort.dscd.msk.f32 $0xffff, v21, v22  }
0x139: {  	s11 =	simm.s32 $0x1C0;
	v61, v62, _ =	vpop (xrf1)  }
0x13a: {  	s30 =	simm.s32 $0x18;
	s5 =	sor.u32 $0x50, s11;
	v20, v63, _ =	vpop (xrf1);
	v14 =	vld [tilespmem:s26+$0x40]  }
0x13b: {  	s28 =	simm.s32 $0x4990;
	s29 =	simm.s32 $0x4C0;
	s4 =	sor.u32 $0x60, s11;
	v16 =	vld [tilespmem:s5+$0x0];
	v19 =	vpop (erf)  }
0x13c: {  	s2 =	simm.s32 $0x2C0;
	s10 =	simm.s32 $0x4C0;
	s5 =	sor.u32 $0x70, s11;
	v17 =	vld [tilespmem:s4+$0x0];
	v15, v9, _ =	vpop (xrf1)  }
0x13d: {  	s0 =	simm.s32 $0x3C0;
	s11 =	simm.s32 $0x780;
	v22 =	vsel vm0, v61, v20;
	v23 =	vsel vm0, v62, v63;
	s26 =	simm.s32 $0x4110;
	v18 =	vld [tilespmem:s5+$0x0];
	v21, v20, _ =	vpop (xrf1)  }
.LBB2_2:
0x13e: {  	v24 =	vld [tilespmem:s11+$0xFFFFFF80];
	(xrf1) =	vsort.dscd.msk.f32 $0xffff, v22, v23;
	v12 =	vmul.f32 v12, v19;
	v19, v22, _ =	vpop (xrf1)  }
0x13f: {  	v23 =	vld [tilespmem:s11+$0xFFFFFF90];
	v21 =	vsel vm0, v21, v19;
	v20 =	vsel vm0, v20, v22;
	v14 =	vadd.f32 v14, v8  }
0x140: {  	s1 =	sadd.s32 $0x20, s1;
	(xrf1) =	vsort.dscd.msk.f32 $0xffff, v21, v20;
	v19 =	vpop (erf);
	v16 =	vadd.f32 v16, v5;
	v20 =	vld.idx.msk [tilespmem:v9+s9+$0x0], $0xffff  }
0x141: {  	s31 =	sadd.s32 $0x20, s31;
	v21 =	vld [tilespmem:s11+$0xFFFFFFA0];
	[tilespmem:s1+$0xFFFFFFF0] =	vst.msk $0xff, v12;
	v12 =	vmul.f32 v13, v19;
	v13 =	vadd.f32 v17, v6;
	(xrf1) =	vsort.dscd.msk.f32 $0xffff, v14, v0  }
0x142: {  	v17 =	vld [tilespmem:s11+$0xFFFFFFB0];
	[tilespmem:s31+$0xFFFFFFF0] =	vst.msk $0xff, v10;
	v10 =	vadd.f32 v18, v7;
	(xrf1) =	vsort.ascd.msk.f32 $0xffff, v16, v1  }
0x143: {  	v19 =	vadd.f32 v24, v8;
	[tilespmem:s20+$0xFFFFFFF8] =	vst.msk $0xff, v12;
	(xrf1) =	vsort.dscd.msk.f32 $0xffff, v13, v2  }
0x144: {  	v12 =	vld [tilespmem:s23+$0xFFFFFFC0];
	[tilespmem:s19+$0xFFFFFFF8] =	vst.msk $0xff, v11;
	(xrf1) =	vsort.ascd.msk.f32 $0xffff, v10, v3  }
0x145: {  	v10 =	vadd.f32 v23, v5;
	(xrf1) =	vsort.dscd.msk.f32 $0xffff, v19, v0;
	v11 =	vld [tilespmem:s22+$0x0]  }
0x146: {  	s10 =	sadd.s32 $0x100, s10;
	v15 =	vsub.f32 v15, v20;
	v13 =	vadd.f32 v21, v6;
	v16 =	vld [tilespmem:s22+$0x10];
	v18, v14, _ =	vpop (xrf1)  }
0x147: {  	s4 =	sadd.s32 $0xFFFFFF80, s10;
	v17 =	vadd.f32 v17, v7;
	(xrf1) =	vsort.ascd.msk.f32 $0xffff, v10, v1;
	v19 =	vld [tilespmem:s22+$0x20]  }
0x148: {  	s5 =	sor.u32 $0x50, s4;
	v10 =	vand.u32 $0x7FFFFFFF, v15;
	(xrf1) =	vsort.dscd.msk.f32 $0xffff, v13, v2;
	v13 =	vld [tilespmem:s22+$0x30]  }
0x149: {  	(xrf1) =	vsort.ascd.msk.f32 $0xffff, v17, v3;
	v12 =	vadd.f32 v12, v8;
	v15 =	vld [tilespmem:s5+$0x0];
	v17 =	vnsel vm0, $0x0, v10  }
0x14a: {  	v21 =	vadd.f32 v11, v8;
	(xrf2) =	vadd.scan.msk.f32 $0xffff, v17  }
0x14b: {  	(xrf1) =	vsort.dscd.msk.f32 $0xffff, v12, v0;
	v12 =	vadd.f32 v16, v5;
	v16 =	vld.idx.msk [tilespmem:v14+s9+$0x0], $0xffff  }
0x14c: {  	v20, v10, _ =	vpop (xrf1);
	v19 =	vadd.f32 v19, v6;
	(xrf1) =	vsort.dscd.msk.f32 $0xffff, v21, v0  }
0x14d: {  	v22 =	vadd.f32 v13, v7;
	(xrf1) =	vsort.ascd.msk.f32 $0xffff, v12, v1  }
0x14e: {  	s5 =	sor.u32 $0x60, s4;
	v24 =	vadd.f32 v15, v5;
	v15, v11, _ =	vpop (xrf1);
	(xrf1) =	vsort.dscd.msk.f32 $0xffff, v19, v2  }
0x14f: {  	s4 =	sor.u32 $0x70, s4;
	v19 =	vld [tilespmem:s5+$0x0];
	(xrf1) =	vsort.ascd.msk.f32 $0xffff, v22, v3;
	v13, v21, _ =	vpop (xrf1)  }
0x150: {  	v22 =	vld [tilespmem:s4+$0x0];
	(xrf1) =	vsort.ascd.msk.f32 $0xffff, v24, v1;
	v12, v23, _ =	vpop (xrf1)  }
0x151: {  	v16 =	vsub.f32 v18, v16;
	v12 =	vsel vm0, v13, v12;
	v13 =	vsel vm0, v21, v23;
	v18, v21, _ =	vpop (xrf1)  }
0x152: {  	v24, v25, _ =	vpop (xrf1)  }
0x153: {  	v23 =	vld.idx.msk [tilespmem:v10+s9+$0x0], $0xffff;
	(xrf1) =	vsort.dscd.msk.f32 $0xffff, v12, v13;
	v13 =	vsel vm0, v18, v24;
	v24 =	vsel vm0, v21, v25  }
0x154: {  	v28 =	vand.u32 $0x7FFFFFFF, v16;
	v26, v27, _ =	vpop (xrf1)  }
0x155: {  	v18 =	vadd.f32 v19, v6;
	v19 =	vnsel vm0, $0x0, v28;
	(xrf1) =	vsort.ascd.msk.f32 $0xffff, v13, v24;
	v12, _, _ =	vpop (xrf2)  }
0x156: {  	v16, v21, _ =	vpop (xrf1);
	v13 =	vadd.f32 v22, v7;
	(xrf2) =	vadd.scan.msk.f32 $0xffff, v19;
	v12 =	vperm.xlane v12, v4  }
0x157: {  	v22, v24, _ =	vpop (xrf1);
	(xrf1) =	vsort.dscd.msk.f32 $0xffff, v18, v2;
	v18 =	vld.idx.msk [tilespmem:v11+s9+$0x0], $0xffff  }
0x158: {  	v12 =	vmax.f32 v12, $9.999999960e-13;
	v25, v28, _ =	vpop (xrf1);
	(xrf1) =	vsort.ascd.msk.f32 $0xffff, v13, v3  }
0x159: {  	v33 =	vsub.f32 v20, v23;
	(erf) = vrcp.f32 v12  }
0x15a: {  	v20, v23, _ =	vpop (xrf1)  }
0x15b: {  	v12 =	vand.u32 $0x7FFFFFFF, v33;
	v13, v29, _ =	vpop (xrf1)  }
0x15c: {  	v32, v31, _ =	vpop (xrf1)  }
0x15d: {  	v12 =	vnsel vm0, $0x0, v12;
	v34 =	vsub.f32 v15, v18;
	v18 =	vsel vm0, v29, v31  }
0x15e: {  	(xrf2) =	vadd.scan.msk.f32 $0xffff, v12;
	v13 =	vsel vm0, v13, v32;
	v29, v30, _ =	vpop (xrf1)  }
0x15f: {  	v31, v32, _ =	vpop (xrf1);
	(xrf1) =	vsort.dscd.msk.f32 $0xffff, v13, v18  }
0x160: {  	v13 =	vand.u32 $0x7FFFFFFF, v34;
	v31 =	vsel vm0, v29, v31;
	v32 =	vsel vm0, v30, v32;
	v18, v33, _ =	vpop (xrf1)  }
0x161: {  	v13 =	vnsel vm0, $0x0, v13;
	(xrf1) =	vsort.ascd.msk.f32 $0xffff, v31, v32;
	v15, _, _ =	vpop (xrf2)  }
0x162: {  	(xrf2) =	vadd.scan.msk.f32 $0xffff, v13;
	v15 =	vperm.xlane v15, v4;
	v29, v30, _ =	vpop (xrf1)  }
0x163: {  	v31 =	vsel vm0, v26, v16;
	v26 =	vsel vm0, v27, v21;
	v27 =	vsel vm0, v22, v25;
	v25 =	vpop (erf)  }
0x164: {  	v24 =	vsel vm0, v24, v28;
	(xrf1) =	vsort.dscd.msk.f32 $0xffff, v31, v26;
	v15 =	vmax.f32 v15, $9.999999960e-13;
	v16, v21, _ =	vpop (xrf1);
	v25 =	vmul.f32 v17, v25  }
0x165: {  	(xrf1) =	vsort.ascd.msk.f32 $0xffff, v27, v24;
	(erf) = vrcp.f32 v15;
	v15 =	vsel vm0, v29, v16;
	v16 =	vsel vm0, v30, v21  }
0x166: {  	v21, v22, _ =	vpop (xrf1);
	(xrf1) =	vsort.dscd.msk.f32 $0xffff, v15, v16;
	[tilespmem:s13+$0x8] =	vst.msk $0xff, v25;
	s13 =	smov.u32 s15;
	s15 =	smov.u32 s17;
	s17 =	smov.u32 s20  }
0x167: {  	v15 =	vsel vm0, v20, v18;
	v16 =	vsel vm0, v23, v33;
	s20 =	smov.u32 s26;
	s26 =	smov.u32 s1;
	v17, v18, _ =	vpop (xrf1);
	[tilespmem:s14+$0x8] =	vst.msk $0xff, v9;
	s14 =	smov.u32 s16  }
0x168: {  	s16 =	smov.u32 s18;
	s18 =	smov.u32 s19;
	s19 =	smov.u32 s28;
	v9, _, _ =	vpop (xrf2);
	v17 =	vsel vm0, v21, v17;
	v18 =	vsel vm0, v22, v18;
	(xrf1) =	vsort.dscd.msk.f32 $0xffff, v15, v16  }
0x169: {  	s28 =	smov.u32 s31;
	v20 =	vperm.xlane v9, v4;
	(xrf1) =	vsort.ascd.msk.f32 $0xffff, v17, v18;
	_ =	sdelay $0x1  }
0x16a: {  	v17 =	vmax.f32 v20, $9.999999960e-13  }
0x16b: {  	(erf) = vrcp.f32 v17;
	v9, _, _ =	vpop (xrf2)  }
0x16c: {  	s30 =	sadd.s32 $0x4, s30;
	v9 =	vperm.xlane v9, v4;
	v15, v16, _ =	vpop (xrf1)  }
0x16d: {  	p0 =	slt.u32 s30, $0xFC;
	v17 =	vpop (erf)  }
0x16e: {  	v9 =	vmax.f32 v9, $9.999999960e-13;
	v18, v20, _ =	vpop (xrf1);
	v17 =	vmul.f32 v19, v17  }
0x16f: {  	(erf) = vrcp.f32 v9;
	v9 =	vsel vm0, v15, v18;
	v15 =	vsel vm0, v16, v20  }
0x170: {  	(xrf1) =	vsort.dscd.msk.f32 $0xffff, v9, v15;
	[tilespmem:s15+$0x0] =	vst.msk $0xff, v17  }
.Ltmp0:
0x171: {  	v18, v20, _ =	vpop (xrf1);
	[tilespmem:s16+$0x0] =	vst.msk $0xff, v14;
	(pc) =	sbr.rel @p0 .LBB2_2-.Ltmp0, $4  }
0x172: {  	s4 =	sor.u32 $0x50, s2;
	v21, v23, _ =	vpop (xrf1);
	v14 =	vld [tilespmem:s24+$0x40];
	s24 =	smov.u32 s22;
	s22 =	smov.u32 s21  }
0x173: {  	s21 =	smov.u32 s23;
	s23 =	smov.u32 s25;
	v16 =	vld [tilespmem:s4+$0x0];
	s4 =	sor.u32 $0x60, s2;
	v15, v9, _ =	vpop (xrf1)  }
0x174: {  	v19 =	vpop (erf);
	v17 =	vld [tilespmem:s4+$0x0];
	s4 =	sor.u32 $0x70, s2;
	s2 =	smov.u32 s0;
	s0 =	smov.u32 s29  }
0x175: {  	s25 =	smov.u32 s11;
	s11 =	sadd.s32 $0x100, s11;
	v22 =	vsel vm0, v18, v21;
	v23 =	vsel vm0, v20, v23;
	s29 =	smov.u32 s10;
	v21, v20, _ =	vpop (xrf1);
	v18 =	vld [tilespmem:s4+$0x0]  }
0x176: {  	_ =	sdelay $0x1  }
0x177: {  	(xrf1) =	vsort.dscd.msk.f32 $0xffff, v22, v23;
	v22, v23, _ =	vpop (xrf1);
	v12 =	vmul.f32 v12, v19  }
0x178: {  	v21 =	vsel vm0, v21, v22;
	v20 =	vsel vm0, v20, v23;
	v14 =	vadd.f32 v14, v8  }
0x179: {  	s30 =	sadd.s32 $0x20, s1;
	v51 =	vld.idx.msk [tilespmem:v9+s9+$0x0], $0xffff;
	(xrf1) =	vsort.dscd.msk.f32 $0xffff, v21, v20;
	v50 =	vpop (erf)  }
0x17a: {  	s31 =	sadd.s32 $0x20, s31;
	v16 =	vadd.f32 v16, v5;
	[tilespmem:s30+$0xFFFFFFF0] =	vst.msk $0xff, v12;
	(xrf1) =	vsort.dscd.msk.f32 $0xffff, v14, v0;
	v52 =	vmul.f32 v13, v50  }
0x17b: {  	v17 =	vadd.f32 v17, v6;
	[tilespmem:s31+$0xFFFFFFF0] =	vst.msk $0xff, v10  }
0x17c: {  	v53 =	vadd.f32 v18, v7;
	(xrf1) =	vsort.ascd.msk.f32 $0xffff, v16, v1;
	[tilespmem:s20+$0xFFFFFFF8] =	vst.msk $0xff, v52  }
0x17d: {  	v10 =	vld [tilespmem:s23+$0xFFFFFFC0];
	(xrf1) =	vsort.dscd.msk.f32 $0xffff, v17, v2;
	[tilespmem:s19+$0xFFFFFFF8] =	vst.msk $0xff, v11  }
0x17e: {  	(xrf1) =	vsort.ascd.msk.f32 $0xffff, v53, v3;
	v11 =	vld [tilespmem:s22+$0x0]  }
0x17f: {  	v54 =	vsub.f32 v15, v51;
	v12 =	vld [tilespmem:s22+$0x10]  }
0x180: {  	s1 =	sadd.s32 $0x100, s10;
	v56 =	vld [tilespmem:s22+$0x20];
	v55, v15, _ =	vpop (xrf1)  }
0x181: {  	s4 =	sadd.s32 $0xFFFFFF80, s1;
	v57 =	vld [tilespmem:s22+$0x30];
	v13 =	vand.u32 $0x7FFFFFFF, v54  }
0x182: {  	s5 =	sor.u32 $0x50, s4;
	v58 =	vadd.f32 v10, v8;
	v10 =	vnsel vm0, $0x0, v13  }
0x183: {  	v59 =	vld [tilespmem:s5+$0x0];
	(xrf2) =	vadd.scan.msk.f32 $0xffff, v10;
	v11 =	vadd.f32 v11, v8  }
0x184: {  	(xrf1) =	vsort.dscd.msk.f32 $0xffff, v58, v0;
	v12 =	vadd.f32 v12, v5;
	v60 =	vld.idx.msk [tilespmem:v15+s9+$0x0], $0xffff  }
0x185: {  	v16 =	vadd.f32 v56, v6;
	v61, v20, _ =	vpop (xrf1);
	(xrf1) =	vsort.dscd.msk.f32 $0xffff, v11, v0  }
0x186: {  	s11 =	sor.u32 $0x60, s4;
	v62 =	vadd.f32 v57, v7;
	(xrf1) =	vsort.ascd.msk.f32 $0xffff, v12, v1  }
0x187: {  	v28 =	vld [tilespmem:s11+$0x0];
	v63, v17, _ =	vpop (xrf1);
	(xrf1) =	vsort.dscd.msk.f32 $0xffff, v16, v2  }
0x188: {  	s4 =	sor.u32 $0x70, s4;
	v29, v22, _ =	vpop (xrf1);
	(xrf1) =	vsort.ascd.msk.f32 $0xffff, v62, v3  }
0x189: {  	v30 =	vld [tilespmem:s4+$0x0];
	v13 =	vadd.f32 v59, v5;
	v14 =	vsub.f32 v55, v60  }
0x18a: {  	v31, v24, _ =	vpop (xrf1)  }
0x18b: {  	(xrf1) =	vsort.ascd.msk.f32 $0xffff, v13, v1;
	v32, v25, _ =	vpop (xrf1);
	v33 =	vsel vm0, v29, v31;
	v34 =	vsel vm0, v22, v24;
	v37 =	vand.u32 $0x7FFFFFFF, v14  }
0x18c: {  	v16 =	vadd.f32 v28, v6;
	v36, v35, _ =	vpop (xrf1);
	(xrf1) =	vsort.dscd.msk.f32 $0xffff, v33, v34;
	v13 =	vnsel vm0, $0x0, v37  }
0x18d: {  	v40 =	vld.idx.msk [tilespmem:v20+s9+$0x0], $0xffff;
	v38 =	vsel vm0, v32, v36;
	v39 =	vsel vm0, v25, v35;
	(xrf2) =	vadd.scan.msk.f32 $0xffff, v13  }
0x18e: {  	v11 =	vadd.f32 v30, v7;
	(xrf1) =	vsort.ascd.msk.f32 $0xffff, v38, v39  }
0x18f: {  	(xrf1) =	vsort.dscd.msk.f32 $0xffff, v16, v2  }
0x190: {  	v41 =	vld.idx.msk [tilespmem:v17+s9+$0x0], $0xffff;
	(xrf1) =	vsort.ascd.msk.f32 $0xffff, v11, v3  }
0x191: {  	v42, _, _ =	vpop (xrf2)  }
0x192: {  	v14 =	vsub.f32 v61, v40;
	v43, v44, _ =	vpop (xrf1)  }
0x193: {  	v45, v46, _ =	vpop (xrf1)  }
0x194: {  	v16 =	vperm.xlane v42, v4;
	v14 =	vand.u32 $0x7FFFFFFF, v14;
	v48, v47, _ =	vpop (xrf1)  }
0x195: {  	v11 =	vsub.f32 v63, v41;
	v14 =	vnsel vm0, $0x0, v14;
	v50, v49, _ =	vpop (xrf1)  }
0x196: {  	v16 =	vmax.f32 v16, $9.999999960e-13;
	(xrf2) =	vadd.scan.msk.f32 $0xffff, v14;
	v21 =	vsel vm0, v45, v48;
	v22 =	vsel vm0, v46, v47;
	v51, v52, _ =	vpop (xrf1)  }
0x197: {  	v11 =	vand.u32 $0x7FFFFFFF, v11;
	(xrf1) =	vsort.dscd.msk.f32 $0xffff, v21, v22;
	v54, _, _ =	vpop (xrf2);
	v12 =	vsel vm0, v50, v51;
	v53 =	vsel vm0, v49, v52  }
0x198: {  	(erf) = vrcp.f32 v16;
	v55 =	vnsel vm0, $0x0, v11;
	v56 =	vperm.xlane v54, v4;
	(xrf1) =	vsort.ascd.msk.f32 $0xffff, v12, v53  }
0x199: {  	(xrf2) =	vadd.scan.msk.f32 $0xffff, v55  }
0x19a: {  	v11 =	vmax.f32 v56, $9.999999960e-13;
	v12, v21, _ =	vpop (xrf1)  }
0x19b: {  	(erf) = vrcp.f32 v11;
	v58, v57, _ =	vpop (xrf1)  }
0x19c: {  	v24, v25, _ =	vpop (xrf1)  }
0x19d: {  	v59 =	vsel vm0, v58, v24;
	v60 =	vsel vm0, v57, v25;
	v62, v61, _ =	vpop (xrf1)  }
0x19e: {  	v63 =	vsel vm0, v43, v12;
	v21 =	vsel vm0, v44, v21;
	(xrf1) =	vsort.dscd.msk.f32 $0xffff, v59, v60;
	v22, v25, _ =	vpop (xrf1)  }
0x19f: {  	v18 =	vsel vm0, v62, v22;
	v19 =	vsel vm0, v61, v25;
	(xrf1) =	vsort.dscd.msk.f32 $0xffff, v63, v21  }
0x1a0: {  	(xrf1) =	vsort.ascd.msk.f32 $0xffff, v18, v19  }
0x1a1: {  	v11 =	vpop (erf)  }
0x1a2: {  	v26, _, _ =	vpop (xrf2)  }
0x1a3: {  	v12 =	vperm.xlane v26, v4;
	v27, _, _ =	vpop (xrf2)  }
0x1a4: {  	v28 =	vpop (erf)  }
0x1a5: {  	v12 =	vmax.f32 v12, $9.999999960e-13;
	v18 =	vperm.xlane v27, v4;
	v30, v29, _ =	vpop (xrf1)  }
0x1a6: {  	(erf) = vrcp.f32 v12;
	v13 =	vmul.f32 v13, v28;
	v32, v31, _ =	vpop (xrf1)  }
0x1a7: {  	v18 =	vmax.f32 v18, $9.999999960e-13;
	v12 =	vsel vm0, v30, v32;
	v33 =	vsel vm0, v29, v31  }
0x1a8: {  	(erf) = vrcp.f32 v18;
	[tilespmem:s17+$0x0] =	vst.msk $0xff, v13;
	(xrf1) =	vsort.dscd.msk.f32 $0xffff, v12, v33  }
0x1a9: {  	[tilespmem:s18+$0x0] =	vst.msk $0xff, v15  }
0x1aa: {  	v34 =	vld [tilespmem:s24+$0x40];
	s24 =	sor.u32 $0x50, s2  }
0x1ab: {  	s5 =	sor.u32 $0x60, s2;
	v15 =	vld [tilespmem:s24+$0x0]  }
0x1ac: {  	s10 =	sor.u32 $0x70, s2;
	v36 =	vld [tilespmem:s5+$0x0];
	v35, v12, _ =	vpop (xrf1)  }
0x1ad: {  	v39 =	vld [tilespmem:s10+$0x0];
	v37, v38, _ =	vpop (xrf1)  }
0x1ae: {  	v41, v40, _ =	vpop (xrf1)  }
0x1af: {  	v42 =	vpop (erf);
	v13 =	vadd.f32 v34, v8;
	v21 =	vsel vm0, v37, v41;
	v22 =	vsel vm0, v38, v40  }
0x1b0: {  	v14 =	vmul.f32 v14, v42;
	v15 =	vadd.f32 v15, v5;
	(xrf1) =	vsort.dscd.msk.f32 $0xffff, v21, v22  }
0x1b1: {  	s24 =	sadd.s32 $0x20, s30;
	v19 =	vadd.f32 v36, v6;
	v43 =	vpop (erf);
	(xrf1) =	vsort.dscd.msk.f32 $0xffff, v13, v0  }
0x1b2: {  	s2 =	sadd.s32 $0x20, s31;
	s10 =	sadd.s32 $0x100, s1;
	v44 =	vadd.f32 v39, v7;
	[tilespmem:s24+$0xFFFFFFF0] =	vst.msk $0xff, v14;
	v13 =	vmul.f32 v55, v43;
	(xrf1) =	vsort.ascd.msk.f32 $0xffff, v15, v1  }
0x1b3: {  	s4 =	sadd.s32 $0xFFFFFF80, s10;
	v45 =	vld.idx.msk [tilespmem:v12+s9+$0x0], $0xffff;
	[tilespmem:s2+$0xFFFFFFF0] =	vst.msk $0xff, v20;
	(xrf1) =	vsort.dscd.msk.f32 $0xffff, v19, v2  }
0x1b4: {  	s11 =	sor.u32 $0x50, s4;
	v46 =	vld [tilespmem:s25+$0xFFFFFFC0];
	[tilespmem:s26+$0xFFFFFFF8] =	vst.msk $0xff, v13;
	(xrf1) =	vsort.ascd.msk.f32 $0xffff, v44, v3  }
0x1b5: {  	v53 =	vld [tilespmem:s11+$0x0];
	[tilespmem:s28+$0xFFFFFFF8] =	vst.msk $0xff, v17  }
0x1b6: {  	v47 =	vld [tilespmem:s21+$0x0];
	v49, v19, _ =	vpop (xrf1)  }
0x1b7: {  	v48 =	vld [tilespmem:s21+$0x10]  }
0x1b8: {  	v15 =	vsub.f32 v35, v45;
	v50 =	vld [tilespmem:s21+$0x20]  }
0x1b9: {  	v51 =	vld [tilespmem:s21+$0x30];
	v52 =	vadd.f32 v46, v8  }
0x1ba: {  	v15 =	vand.u32 $0x7FFFFFFF, v15;
	v54 =	vld.idx.msk [tilespmem:v19+s9+$0x0], $0xffff  }
0x1bb: {  	v13 =	vnsel vm0, $0x0, v15;
	(xrf1) =	vsort.dscd.msk.f32 $0xffff, v52, v0;
	v14 =	vadd.f32 v47, v8  }
0x1bc: {  	(xrf2) =	vadd.scan.msk.f32 $0xffff, v13;
	v16 =	vadd.f32 v48, v5  }
0x1bd: {  	s11 =	sor.u32 $0x60, s4;
	v18 =	vadd.f32 v50, v6;
	(xrf1) =	vsort.dscd.msk.f32 $0xffff, v14, v0  }
0x1be: {  	s4 =	sor.u32 $0x70, s4;
	v56 =	vld [tilespmem:s11+$0x0];
	v20 =	vadd.f32 v51, v7;
	(xrf1) =	vsort.ascd.msk.f32 $0xffff, v16, v1;
	v55, v21, _ =	vpop (xrf1)  }
0x1bf: {  	v59 =	vld [tilespmem:s4+$0x0];
	v22 =	vadd.f32 v53, v5;
	(xrf1) =	vsort.dscd.msk.f32 $0xffff, v18, v2;
	v58, v57, _ =	vpop (xrf1);
	v15 =	vsub.f32 v49, v54  }
0x1c0: {  	(xrf1) =	vsort.ascd.msk.f32 $0xffff, v20, v3;
	v60, v26, _ =	vpop (xrf1)  }
0x1c1: {  	(xrf1) =	vsort.ascd.msk.f32 $0xffff, v22, v1;
	v62, v61, _ =	vpop (xrf1);
	v16 =	vsel vm0, v58, v60;
	v63 =	vsel vm0, v57, v26;
	v15 =	vand.u32 $0x7FFFFFFF, v15  }
0x1c2: {  	v28, v29, _ =	vpop (xrf1);
	(xrf1) =	vsort.dscd.msk.f32 $0xffff, v16, v63;
	v20 =	vnsel vm0, $0x0, v15  }
0x1c3: {  	v32 =	vadd.f32 v56, v6;
	v30 =	vsel vm0, v62, v28;
	v31 =	vsel vm0, v61, v29;
	(xrf2) =	vadd.scan.msk.f32 $0xffff, v20  }
0x1c4: {  	v33 =	vadd.f32 v59, v7;
	(xrf1) =	vsort.ascd.msk.f32 $0xffff, v30, v31  }
0x1c5: {  	(xrf1) =	vsort.dscd.msk.f32 $0xffff, v32, v2  }
0x1c6: {  	(xrf1) =	vsort.ascd.msk.f32 $0xffff, v33, v3;
	_ =	sdelay $0x1  }
0x1c7: {  	v35 =	vld.idx.msk [tilespmem:v21+s9+$0x0], $0xffff  }
0x1c8: {  	v34, _, _ =	vpop (xrf2)  }
0x1c9: {  	v36, v37, _ =	vpop (xrf1)  }
0x1ca: {  	v38, v39, _ =	vpop (xrf1)  }
0x1cb: {  	v40, v41, _ =	vpop (xrf1)  }
0x1cc: {  	v14 =	vsub.f32 v55, v35;
	v42, v27, _ =	vpop (xrf1)  }
0x1cd: {  	v43, v28, _ =	vpop (xrf1)  }
0x1ce: {  	v14 =	vand.u32 $0x7FFFFFFF, v14;
	v22 =	vsel vm0, v38, v40;
	v23 =	vsel vm0, v39, v41;
	v47, _, _ =	vpop (xrf2)  }
0x1cf: {  	v48 =	vnsel vm0, $0x0, v14;
	(xrf1) =	vsort.dscd.msk.f32 $0xffff, v22, v23;
	v44, v45, _ =	vpop (xrf1)  }
0x1d0: {  	(xrf2) =	vadd.scan.msk.f32 $0xffff, v48;
	v16 =	vsel vm0, v42, v43;
	v46 =	vsel vm0, v27, v28;
	v49, v50, _ =	vpop (xrf1)  }
0x1d1: {  	v15 =	vperm.xlane v34, v4;
	(xrf1) =	vsort.ascd.msk.f32 $0xffff, v16, v46;
	v51, v27, _ =	vpop (xrf1)  }
0x1d2: {  	v23 =	vperm.xlane v47, v4;
	v14 =	vsel vm0, v49, v51;
	v16 =	vsel vm0, v50, v27;
	v52, v53, _ =	vpop (xrf1)  }
0x1d3: {  	v15 =	vmax.f32 v15, $9.999999960e-13;
	v54 =	vsel vm0, v36, v44;
	v55 =	vsel vm0, v37, v45;
	(xrf1) =	vsort.dscd.msk.f32 $0xffff, v14, v16;
	v56, v57, _ =	vpop (xrf1)  }
0x1d4: {  	(erf) = vrcp.f32 v15;
	v58 =	vsel vm0, v52, v56;
	v59 =	vsel vm0, v53, v57;
	(xrf1) =	vsort.dscd.msk.f32 $0xffff, v54, v55  }
0x1d5: {  	(xrf1) =	vsort.ascd.msk.f32 $0xffff, v58, v59  }
0x1d6: {  	v60 =	vmax.f32 v23, $9.999999960e-13  }
0x1d7: {  	(erf) = vrcp.f32 v60;
	_ =	sdelay $0x2  }
0x1d8: {  	v61, _, _ =	vpop (xrf2)  }
0x1d9: {  	v62 =	vperm.xlane v61, v4;
	_ =	sdelay $0x1  }
0x1da: {  	v14 =	vpop (erf);
	v15 =	vmax.f32 v62, $9.999999960e-13  }
0x1db: {  	v63, v24, _ =	vpop (xrf1)  }
0x1dc: {  	(erf) = vrcp.f32 v15;
	v27, v25, _ =	vpop (xrf1)  }
0x1dd: {  	v28 =	vpop (erf);
	v29 =	vsel vm0, v63, v27;
	v30 =	vsel vm0, v24, v25  }
0x1de: {  	(xrf1) =	vsort.dscd.msk.f32 $0xffff, v29, v30;
	v16, v15, _ =	vpop (xrf1)  }
0x1df: {  	v32, v31, _ =	vpop (xrf1)  }
0x1e0: {  	v20 =	vmul.f32 v20, v28;
	v33, v34, _ =	vpop (xrf1)  }
0x1e1: {  	v17 =	vsel vm0, v32, v33;
	v18 =	vsel vm0, v31, v34  }
0x1e2: {  	[tilespmem:s20+$0x0] =	vst.msk $0xff, v20;
	(xrf1) =	vsort.dscd.msk.f32 $0xffff, v17, v18  }
0x1e3: {  	[tilespmem:s19+$0x0] =	vst.msk $0xff, v19  }
0x1e4: {  	s5 =	sor.u32 $0x60, s0;
	v35 =	vld [tilespmem:s22+$0x40]  }
0x1e5: {  	s22 =	sor.u32 $0x50, s0;
	v20 =	vld [tilespmem:s5+$0x0];
	v37 =	vpop (erf)  }
0x1e6: {  	v36 =	vld [tilespmem:s22+$0x0];
	v19 =	vmul.f32 v48, v37  }
0x1e7: {  	s11 =	sor.u32 $0x70, s0;
	v38 =	vld.idx.msk [tilespmem:v15+s9+$0x0], $0xffff  }
0x1e8: {  	v39 =	vld [tilespmem:s11+$0x0];
	[tilespmem:s30+$0xFFFFFFF8] =	vst.msk $0xff, v19  }
0x1e9: {  	[tilespmem:s31+$0xFFFFFFF8] =	vst.msk $0xff, v21  }
0x1ea: {  	v17 =	vadd.f32 v35, v8;
	v19 =	vld [tilespmem:s23+$0x0]  }
0x1eb: {  	v18 =	vadd.f32 v36, v5;
	v21 =	vld [tilespmem:s23+$0x10]  }
0x1ec: {  	v20 =	vadd.f32 v20, v6;
	(xrf1) =	vsort.dscd.msk.f32 $0xffff, v17, v0;
	v41 =	vld [tilespmem:s23+$0x20];
	v16 =	vsub.f32 v16, v38;
	v40, v24, _ =	vpop (xrf1)  }
0x1ed: {  	v23 =	vadd.f32 v39, v7;
	(xrf1) =	vsort.ascd.msk.f32 $0xffff, v18, v1;
	v42 =	vld [tilespmem:s23+$0x30]  }
0x1ee: {  	(xrf1) =	vsort.dscd.msk.f32 $0xffff, v20, v2;
	v16 =	vand.u32 $0x7FFFFFFF, v16  }
0x1ef: {  	(xrf1) =	vsort.ascd.msk.f32 $0xffff, v23, v3;
	v16 =	vnsel vm0, $0x0, v16;
	v19 =	vadd.f32 v19, v8  }
0x1f0: {  	v43 =	vadd.f32 v21, v5;
	(xrf2) =	vadd.scan.msk.f32 $0xffff, v16;
	v44 =	vld.idx.msk [tilespmem:v24+s9+$0x0], $0xffff;
	v45, v25, _ =	vpop (xrf1)  }
0x1f1: {  	v22 =	vadd.f32 v41, v6;
	(xrf1) =	vsort.dscd.msk.f32 $0xffff, v19, v0  }
0x1f2: {  	v18 =	vadd.f32 v42, v7;
	(xrf1) =	vsort.ascd.msk.f32 $0xffff, v43, v1  }
0x1f3: {  	(xrf1) =	vsort.dscd.msk.f32 $0xffff, v22, v2  }
0x1f4: {  	(xrf1) =	vsort.ascd.msk.f32 $0xffff, v18, v3;
	v46 =	vld.idx.msk [tilespmem:v25+s9+$0x0], $0xffff  }
0x1f5: {  	v17 =	vsub.f32 v40, v44;
	_ =	sdelay $0x1  }
0x1f6: {  	v17 =	vand.u32 $0x7FFFFFFF, v17  }
0x1f7: {  	v47 =	vnsel vm0, $0x0, v17  }
0x1f8: {  	(xrf2) =	vadd.scan.msk.f32 $0xffff, v47;
	v48 =	vsub.f32 v45, v46  }
0x1f9: {  	v50, v49, _ =	vpop (xrf1)  }
0x1fa: {  	v52, v51, _ =	vpop (xrf1);
	v17 =	vand.u32 $0x7FFFFFFF, v48  }
0x1fb: {  	v54, v53, _ =	vpop (xrf1);
	v20 =	vsel vm0, v49, v51;
	v55 =	vnsel vm0, $0x0, v17  }
0x1fc: {  	v18 =	vsel vm0, v50, v52;
	v56, _, _ =	vpop (xrf2);
	(xrf2) =	vadd.scan.msk.f32 $0xffff, v55  }
0x1fd: {  	v57, v29, _ =	vpop (xrf1)  }
0x1fe: {  	(xrf1) =	vsort.dscd.msk.f32 $0xffff, v18, v20;
	v23 =	vsel vm0, v54, v57;
	v26 =	vsel vm0, v53, v29;
	v58, v59, _ =	vpop (xrf1)  }
0x1ff: {  	(xrf1) =	vsort.ascd.msk.f32 $0xffff, v23, v26;
	v18, v20, _ =	vpop (xrf1)  }
0x200: {  	v60, v61, _ =	vpop (xrf1)  }
0x201: {  	v18 =	vsel vm0, v58, v18;
	v20 =	vsel vm0, v59, v20;
	v62, v63, _ =	vpop (xrf1)  }
0x202: {  	v17 =	vperm.xlane v56, v4;
	(xrf1) =	vsort.dscd.msk.f32 $0xffff, v18, v20;
	v26, _, _ =	vpop (xrf2)  }
0x203: {  	v30 =	vsel vm0, v60, v62;
	v31 =	vsel vm0, v61, v63;
	v18 =	vperm.xlane v26, v4  }
0x204: {  	v17 =	vmax.f32 v17, $9.999999960e-13;
	(xrf1) =	vsort.ascd.msk.f32 $0xffff, v30, v31  }
0x205: {  	(erf) = vrcp.f32 v17;
	v32 =	vmax.f32 v18, $9.999999960e-13  }
0x206: {  	(erf) = vrcp.f32 v32;
	v33, _, _ =	vpop (xrf2)  }
0x207: {  	v17 =	vperm.xlane v33, v4;
	_ =	sdelay $0x1  }
0x208: {  	v17 =	vmax.f32 v17, $9.999999960e-13  }
0x209: {  	(erf) = vrcp.f32 v17;
	_ =	sdelay $0x1  }
0x20a: {  	v35, v34, _ =	vpop (xrf1)  }
0x20b: {  	v37, v23, _ =	vpop (xrf1)  }
0x20c: {  	v20 =	vsel vm0, v34, v23;
	v17 =	vpop (erf)  }
0x20d: {  	v18 =	vsel vm0, v35, v37;
	v36 =	vpop (erf)  }
0x20e: {  	v19 =	vmul.f32 v47, v36  }
0x20f: {  	v38, v39, _ =	vpop (xrf1)  }
0x210: {  	(xrf1) =	vsort.dscd.msk.f32 $0xffff, v18, v20;
	v18, v20, _ =	vpop (xrf1);
	[tilespmem:s26+$0x0] =	vst.msk $0xff, v19  }
0x211: {  	v18 =	vsel vm0, v38, v18;
	v20 =	vsel vm0, v39, v20;
	[tilespmem:s28+$0x0] =	vst.msk $0xff, v24;
	v40 =	vpop (erf)  }
0x212: {  	(xrf1) =	vsort.dscd.msk.f32 $0xffff, v18, v20;
	v41 =	vld [tilespmem:s21+$0x40];
	s21 =	sor.u32 $0x50, s29;
	v19 =	vmul.f32 v55, v40  }
0x213: {  	s22 =	sor.u32 $0x60, s29;
	v42 =	vld [tilespmem:s21+$0x0]  }
0x214: {  	s4 =	sor.u32 $0x70, s29;
	v43 =	vld [tilespmem:s22+$0x0];
	[tilespmem:s24+$0xFFFFFFF8] =	vst.msk $0xff, v19  }
0x215: {  	v44 =	vld [tilespmem:s4+$0x0];
	[tilespmem:s2+$0xFFFFFFF8] =	vst.msk $0xff, v25  }
0x216: {  	v45 =	vld [tilespmem:s25+$0x0]  }
0x217: {  	v21 =	vadd.f32 v41, v8;
	v46 =	vld [tilespmem:s25+$0x10]  }
0x218: {  	v18 =	vadd.f32 v42, v5;
	v47 =	vld [tilespmem:s25+$0x20]  }
0x219: {  	v20 =	vadd.f32 v43, v6;
	v48 =	vld [tilespmem:s25+$0x30];
	(xrf1) =	vsort.dscd.msk.f32 $0xffff, v21, v0  }
0x21a: {  	v19 =	vadd.f32 v44, v7;
	(xrf1) =	vsort.ascd.msk.f32 $0xffff, v18, v1  }
0x21b: {  	(xrf1) =	vsort.dscd.msk.f32 $0xffff, v20, v2;
	v49 =	vadd.f32 v45, v8  }
0x21c: {  	(xrf1) =	vsort.ascd.msk.f32 $0xffff, v19, v3;
	v50 =	vadd.f32 v46, v5  }
0x21d: {  	v51 =	vadd.f32 v47, v6;
	(xrf1) =	vsort.dscd.msk.f32 $0xffff, v49, v0  }
0x21e: {  	v22, v18, _ =	vpop (xrf1);
	v21 =	vadd.f32 v48, v7;
	(xrf1) =	vsort.ascd.msk.f32 $0xffff, v50, v1  }
0x21f: {  	(xrf1) =	vsort.dscd.msk.f32 $0xffff, v51, v2  }
0x220: {  	v52, v53, _ =	vpop (xrf1);
	(xrf1) =	vsort.ascd.msk.f32 $0xffff, v21, v3;
	_ =	sdelay $0x1  }
0x221: {  	v54 =	vld.idx.msk [tilespmem:v18+s9+$0x0], $0xffff;
	_ =	sdelay $0x1  }
0x222: {  	v55 =	vld.idx.msk [tilespmem:v53+s9+$0x0], $0xffff;
	_ =	sdelay $0x2  }
0x223: {  	v19 =	vsub.f32 v22, v54;
	v57, v56, _ =	vpop (xrf1)  }
0x224: {  	v59, v58, _ =	vpop (xrf1)  }
0x225: {  	v20 =	vsub.f32 v52, v55;
	v19 =	vand.u32 $0x7FFFFFFF, v19;
	v61, v60, _ =	vpop (xrf1)  }
0x226: {  	v19 =	vnsel vm0, $0x0, v19;
	v22 =	vsel vm0, v57, v59;
	v63, v62, _ =	vpop (xrf1)  }
0x227: {  	v24 =	vsel vm0, v56, v58;
	v20 =	vand.u32 $0x7FFFFFFF, v20;
	(xrf2) =	vadd.scan.msk.f32 $0xffff, v19;
	v30, v31, _ =	vpop (xrf1)  }
0x228: {  	(xrf1) =	vsort.dscd.msk.f32 $0xffff, v22, v24;
	v20 =	vnsel vm0, $0x0, v20;
	v34, v35, _ =	vpop (xrf1)  }
0x229: {  	v32 =	vsel vm0, v61, v63;
	v33 =	vsel vm0, v60, v62;
	(xrf2) =	vadd.scan.msk.f32 $0xffff, v20;
	v22, v23, _ =	vpop (xrf1)  }
0x22a: {  	(xrf1) =	vsort.ascd.msk.f32 $0xffff, v32, v33;
	v24 =	vsel vm0, v30, v34;
	v36 =	vsel vm0, v31, v35;
	v26, v27, _ =	vpop (xrf1)  }
0x22b: {  	(xrf1) =	vsort.dscd.msk.f32 $0xffff, v24, v36;
	v22 =	vsel vm0, v22, v26;
	v23 =	vsel vm0, v23, v27  }
0x22c: {  	(xrf1) =	vsort.ascd.msk.f32 $0xffff, v22, v23;
	_ =	sdelay $0x8  }
0x22d: {  	v37, _, _ =	vpop (xrf2)  }
0x22e: {  	v38, _, _ =	vpop (xrf2)  }
0x22f: {  	v24, v25, _ =	vpop (xrf1)  }
0x230: {  	v39, v40, _ =	vpop (xrf1)  }
0x231: {  	v22 =	vperm.xlane v37, v4;
	v28, v29, _ =	vpop (xrf1)  }
0x232: {  	v23 =	vperm.xlane v38, v4;
	v24 =	vsel vm0, v24, v39;
	v25 =	vsel vm0, v25, v40;
	v41, v42, _ =	vpop (xrf1)  }
0x233: {  	v22 =	vmax.f32 v22, $9.999999960e-13;
	(xrf1) =	vsort.dscd.msk.f32 $0xffff, v24, v25;
	v43 =	vsel vm0, v28, v41;
	v44 =	vsel vm0, v29, v42  }
0x234: {  	(erf) = vrcp.f32 v22;
	v45 =	vmax.f32 v23, $9.999999960e-13;
	(xrf1) =	vsort.dscd.msk.f32 $0xffff, v43, v44  }
0x235: {  	(erf) = vrcp.f32 v45;
	_ =	sdelay $0x7  }
0x236: {  	v22 =	vpop (erf)  }
0x237: {  	v46 =	vpop (erf)  }
0x238: {  	v20 =	vmul.f32 v20, v46;
	_ =	sdelay $0x1  }
0x239: {  	[tilespmem:s30+$0x0] =	vst.msk $0xff, v20;
	v47, v23, _ =	vpop (xrf1)  }
0x23a: {  	[tilespmem:s31+$0x0] =	vst.msk $0xff, v53;
	v48, v24, _ =	vpop (xrf1)  }
0x23b: {  	s5 =	sor.u32 $0x50, s1;
	v49 =	vld [tilespmem:s23+$0x40]  }
0x23c: {  	v50 =	vld [tilespmem:s5+$0x0]  }
0x23d: {  	v51 =	vld.idx.msk [tilespmem:v23+s9+$0x0], $0xffff  }
0x23e: {  	v52 =	vld.idx.msk [tilespmem:v24+s9+$0x0], $0xffff;
	_ =	sdelay $0x1  }
0x23f: {  	s11 =	sor.u32 $0x60, s1  }
0x240: {  	s21 =	sor.u32 $0x70, s1;
	v53 =	vld [tilespmem:s11+$0x0]  }
0x241: {  	v30 =	vld [tilespmem:s21+$0x0];
	v25 =	vadd.f32 v49, v8;
	v20 =	vsub.f32 v47, v51  }
0x242: {  	v26 =	vadd.f32 v50, v5;
	v21 =	vsub.f32 v48, v52  }
0x243: {  	(xrf1) =	vsort.dscd.msk.f32 $0xffff, v25, v0;
	v20 =	vand.u32 $0x7FFFFFFF, v20  }
0x244: {  	(xrf1) =	vsort.ascd.msk.f32 $0xffff, v26, v1;
	v20 =	vnsel vm0, $0x0, v20;
	v21 =	vand.u32 $0x7FFFFFFF, v21  }
0x245: {  	v54 =	vadd.f32 v53, v6;
	(xrf2) =	vadd.scan.msk.f32 $0xffff, v20;
	v21 =	vnsel vm0, $0x0, v21  }
0x246: {  	v55 =	vadd.f32 v30, v7;
	(xrf2) =	vadd.scan.msk.f32 $0xffff, v21  }
0x247: {  	(xrf1) =	vsort.dscd.msk.f32 $0xffff, v54, v2  }
0x248: {  	(xrf1) =	vsort.ascd.msk.f32 $0xffff, v55, v3;
	_ =	sdelay $0x6  }
0x249: {  	v56, _, _ =	vpop (xrf2)  }
0x24a: {  	v25 =	vperm.xlane v56, v4;
	v57, _, _ =	vpop (xrf2)  }
0x24b: {  	v26 =	vperm.xlane v57, v4  }
0x24c: {  	v25 =	vmax.f32 v25, $9.999999960e-13  }
0x24d: {  	v58, v59, _ =	vpop (xrf1);
	(erf) = vrcp.f32 v25;
	v60 =	vmax.f32 v26, $9.999999960e-13  }
0x24e: {  	v62, v61, _ =	vpop (xrf1);
	(erf) = vrcp.f32 v60  }
0x24f: {  	v33, v63, _ =	vpop (xrf1)  }
0x250: {  	v34 =	vsel vm0, v59, v61;
	v28, v29, _ =	vpop (xrf1);
	v26 =	vsel vm0, v58, v62  }
0x251: {  	v35 =	vsel vm0, v63, v29;
	v25 =	vsel vm0, v33, v28;
	(xrf1) =	vsort.dscd.msk.f32 $0xffff, v26, v34  }
0x252: {  	(xrf1) =	vsort.ascd.msk.f32 $0xffff, v25, v35;
	_ =	sdelay $0x3  }
0x253: {  	v36 =	vpop (erf)  }
0x254: {  	v37 =	vpop (erf)  }
0x255: {  	v21 =	vmul.f32 v21, v37;
	_ =	sdelay $0x1  }
0x256: {  	[tilespmem:s24+$0x0] =	vst.msk $0xff, v21  }
0x257: {  	[tilespmem:s2+$0x0] =	vst.msk $0xff, v24  }
0x258: {  	s22 =	sor.u32 $0x50, s10;
	v21 =	vld [tilespmem:s25+$0x40]  }
0x259: {  	s23 =	sor.u32 $0x60, s10;
	v24 =	vld [tilespmem:s22+$0x0]  }
0x25a: {  	v38 =	vld [tilespmem:s23+$0x0];
	s25 =	sor.u32 $0x70, s10  }
0x25b: {  	v40, v41, _ =	vpop (xrf1);
	v39 =	vld [tilespmem:s25+$0x0]  }
0x25c: {  	v42, v31, _ =	vpop (xrf1)  }
0x25d: {  	v28 =	vsel vm0, v40, v42;
	v29 =	vsel vm0, v41, v31;
	v43 =	vadd.f32 v21, v8  }
0x25e: {  	(xrf1) =	vsort.dscd.msk.f32 $0xffff, v28, v29;
	v5 =	vadd.f32 v24, v5  }
0x25f: {  	v6 =	vadd.f32 v38, v6;
	(xrf1) =	vsort.dscd.msk.f32 $0xffff, v43, v0  }
0x260: {  	v7 =	vadd.f32 v39, v7;
	(xrf1) =	vsort.ascd.msk.f32 $0xffff, v5, v1  }
0x261: {  	(xrf1) =	vsort.dscd.msk.f32 $0xffff, v6, v2  }
0x262: {  	(xrf1) =	vsort.ascd.msk.f32 $0xffff, v7, v3;
	_ =	sdelay $0x9  }
0x263: {  	v5, v6, _ =	vpop (xrf1)  }
0x264: {  	v7, v8, _ =	vpop (xrf1)  }
0x265: {  	v44, v45, _ =	vpop (xrf1)  }
0x266: {  	v46, v47, _ =	vpop (xrf1)  }
0x267: {  	v7 =	vsel vm0, v7, v44;
	v8 =	vsel vm0, v8, v45;
	v48, v49, _ =	vpop (xrf1)  }
0x268: {  	(xrf1) =	vsort.dscd.msk.f32 $0xffff, v7, v8;
	v7 =	vsel vm0, v46, v48;
	v50 =	vsel vm0, v47, v49  }
0x269: {  	(xrf1) =	vsort.ascd.msk.f32 $0xffff, v7, v50;
	_ =	sdelay $0xc  }
0x26a: {  	v7, v8, _ =	vpop (xrf1)  }
0x26b: {  	v51, v52, _ =	vpop (xrf1)  }
0x26c: {  	v7 =	vsel vm0, v7, v51;
	v8 =	vsel vm0, v8, v52  }
0x26d: {  	(xrf1) =	vsort.dscd.msk.f32 $0xffff, v7, v8;
	_ =	sdelay $0xd  }
0x26e: {  	v7, v8, _ =	vpop (xrf1);
	_ =	sdelay $0x1  }
0x26f: {  	v53 =	vld.idx.msk [tilespmem:v6+s9+$0x0], $0xffff;
	_ =	sdelay $0x1  }
0x270: {  	v54 =	vld.idx.msk [tilespmem:v8+s9+$0x0], $0xffff;
	_ =	sdelay $0x2  }
0x271: {  	v5 =	vsub.f32 v5, v53;
	_ =	sdelay $0x1  }
0x272: {  	v5 =	vand.u32 $0x7FFFFFFF, v5;
	v7 =	vsub.f32 v7, v54  }
0x273: {  	v5 =	vnsel vm0, $0x0, v5  }
0x274: {  	(xrf2) =	vadd.scan.msk.f32 $0xffff, v5;
	v7 =	vand.u32 $0x7FFFFFFF, v7  }
0x275: {  	v7 =	vnsel vm0, $0x0, v7  }
0x276: {  	(xrf2) =	vadd.scan.msk.f32 $0xffff, v7;
	_ =	sdelay $0x7  }
0x277: {  	v55, _, _ =	vpop (xrf2)  }
0x278: {  	v21 =	vperm.xlane v55, v4  }
0x279: {  	v56, _, _ =	vpop (xrf2)  }
0x27a: {  	v21 =	vmax.f32 v21, $9.999999960e-13;
	v24 =	vperm.xlane v56, v4  }
0x27b: {  	v10 =	vmul.f32 v10, v11;
	(erf) = vrcp.f32 v21  }
0x27c: {  	v57 =	vmax.f32 v24, $9.999999960e-13  }
0x27d: {  	[tilespmem:s13+$0x8] =	vst.msk $0xff, v10;
	v59 =	vmul.f32 v16, v17;
	(erf) = vrcp.f32 v57  }
0x27e: {  	[tilespmem:s14+$0x8] =	vst.msk $0xff, v9  }
0x27f: {  	[tilespmem:s17+$0x8] =	vst.msk $0xff, v59;
	v58 =	vmul.f32 v13, v14  }
0x280: {  	[tilespmem:s18+$0x8] =	vst.msk $0xff, v15  }
0x281: {  	v60 =	vmul.f32 v19, v22;
	[tilespmem:s15+$0x8] =	vst.msk $0xff, v58  }
0x282: {  	[tilespmem:s16+$0x8] =	vst.msk $0xff, v12  }
0x283: {  	[tilespmem:s20+$0x8] =	vst.msk $0xff, v60;
	v61 =	vmul.f32 v20, v36  }
0x284: {  	[tilespmem:s19+$0x8] =	vst.msk $0xff, v18;
	v62 =	vpop (erf)  }
0x285: {  	[tilespmem:s26+$0x8] =	vst.msk $0xff, v61;
	v5 =	vmul.f32 v5, v62  }
0x286: {  	[tilespmem:s28+$0x8] =	vst.msk $0xff, v23;
	v63 =	vpop (erf)  }
0x287: {  	[tilespmem:s30+$0x8] =	vst.msk $0xff, v5;
	v5 =	vmul.f32 v7, v63  }
0x288: {  	[tilespmem:s31+$0x8] =	vst.msk $0xff, v6  }
0x289: {  	[tilespmem:s24+$0x8] =	vst.msk $0xff, v5  }
0x28a: {  	[tilespmem:s2+$0x8] =	vst.msk $0xff, v8  }
0x28b: {  	s30 =	simm.s32 $0x4080;
	s29 =	rddreg [dreg:$0x4]  }
0x28c: {  	[hbm4b:s29+s3] =	stream.linear.scatter [tilespmem:s30], [sflag:$0x1], $0x800, $0x38;
	[tilespmem:$0x5180] =	vst v63  }
0x28d: {  	s12 =	sadd.s32 $0x1, s12;
	_ =	swait.ge [sflag:s8], $0x800  }
0x28e: {  	p0 =	sne.s32 s12, s7;
	[sflag:s8] =	ssyncset.done $0x0  }
.Ltmp1:
0x28f: {  	s31 =	simm.s32 $0x4900;
	[sflag:s8] =	ssyncadd.s32 $0xFFFFF800;
	(pc) =	sbr.rel @p0 .LBB2_1-.Ltmp1, $4  }
0x290: {  	[hbm4b:s6+s3] =	stream.linear.scatter [tilespmem:s31], [sflag:$0x1], $0x800, $0x38;
	[tilespmem:$0x5180] =	vst v63  }
0x291: {  	_ =	swait.ge [sflag:s8], $0x800  }
0x292: {  	[sflag:s8] =	ssyncset.done $0x0  }
0x293: {  	[sflag:s8] =	ssyncadd.s32 $0xFFFFF800  }
0x294: {  	_ =	sfence.sel $0x180000  }
0x295: {  	[bflag:$0x0] =	sbarrier.arrive $0xFFFF  }
0x296: {  	_ =	strace $0x90000047  }
0x297: {  	s0 =	stileid.u32;
	[bflag:$0x2] =	sbarrier.arrive $0xFFFF  }
0x298: {  	p0 =	sne.s32 s0, $0x0;
	s0 =	rddreg [dreg:$0x2]  }
0x299: {  	s0 =	sadd.s32 @!p0 $0x100000, s0  }
0x29a: {  	[sflag:s0] =	ssyncadd.tile.s32 @!p0 $0x1;
	_ =	shalt  }
.Lfunc_end2:
_tile_overlayer_lowered:
.L_overlay_start_2:
0x29b: {  	(tag) =	ssettag $0x2  }
0x29c: {  	s0 =	rddreg [dreg:$0x0];
	s2 =	stileid.u32  }
0x29d: {  	s1 =	rddreg [dreg:$0x1];
	p0 =	sne.s32 s2, $0x0  }
0x29e: {  	s3 =	rddreg [dreg:$0x2];
	[bflag:$0x3] =	sbarrier.arrive $0xFFFF;
	s2 =	simm.s32 @!p0 $0x1C01  }
0x29f: {  	[timem:s3], [sflag:s2] =	dma.local @!p0 [hbm:s0], s1  }
0x2a0: {  	s0 =	simm.s32 @!p0 $0x1  }
0x2a1: {  	_ =	swait.ge @!p0 [sflag:s0], s1  }
0x2a2: {  	s1 =	ssub.s32 @!p0 $0x0, s1;
	[sflag:s0] =	ssyncset.done @!p0 $0x0  }
0x2a3: {  	[sflag:s0] =	ssyncadd.s32 @!p0 s1  }
0x2a4: {  	[bflag:$0x3] =	sbarrier.arrive $0xFFFF  }
0x2a5: {  	_ =	shalt  }

// kernel: kernel.9.cloned.1.call-start
scs
__scs_entry_jumppad:
0x0: {  	(pc) =	sbr.rel $0x88, $3  }
0x1: {  	(tag) =	ssettag $0x0;
	lr =	simm.s32 $0x1  }
0x2: {  	[smem:$0x3F9E] =	sst lr;
	_ =	strace $0xD0000000  }
0x3: {  	_ = 	snop  }
0x4: {  	_ = 	snop  }
0x5: {  	_ = 	snop  }
0x6: {  	_ = 	snop  }
0x7: {  	_ = 	snop  }
__scs_overlays_trampoline_lowered:
0x8: {  	[smem:$0x3FAD] =	sst s0  }
0x9: {  	[smem:$0x3FAE] =	sst s1  }
0xa: {  	[smem:$0x3FAF] =	sst s2  }
0xb: {  	[smem:$0x3FB0] =	sst s3  }
0xc: {  	[smem:$0x3FB1] =	sst s4  }
0xd: {  	[smem:$0x3FB2] =	sst s5  }
0xe: {  	[smem:$0x3FB3] =	sst s6  }
0xf: {  	[smem:$0x3FB4] =	sst s7  }
0x10: {  	[smem:$0x3FB5] =	sst s8  }
0x11: {  	[smem:$0x3FB6] =	sst s9;
	s0 =	simm.s32 @!p0 $0x0  }
0x12: {  	s1 =	sld [smem:$0x3F9C];
	s0 =	simm.s32 @p0 $0x1  }
0x13: {  	[smem:$0x3FB7] =	sst s0;
	s0 =	simm.s32 @!p1 $0x0  }
0x14: {  	s2 =	sld [smem:$0x3F9B];
	s0 =	simm.s32 @p1 $0x1  }
0x15: {  	[smem:$0x3FB8] =	sst s0;
	s0 =	simm.s32 @!p2 $0x0  }
0x16: {  	s3 =	sld [smem:$0x3FDB];
	s0 =	simm.s32 @p2 $0x1  }
0x17: {  	s4 =	simm.s32 $0x1BF5;
	[smem:$0x3FBA] =	sst s0  }
0x18: {  	s0 =	sld [smem:$0x3F9D];
	_ =	swait.ge [sflag:s4], $0x0  }
0x19: {  	s7 =	sld [smem:$0x3F9E]  }
0x1a: {  	s8 =	sadd.s32 $0xFFFFE003, lr  }
0x1b: {  	s9 =	sadd.s32 $0xFFFFFEF7, lr;
	s5 =	simm.s32 $0xFFFFFFFF;
	p2 =	slt.u32 s8, $0xFFFFF086  }
0x1c: {  	p1 =	slt.u32 s9, $0xF7A;
	s5 =	simm.s32 @!p2 $0x0  }
0x1d: {  	s5 =	simm.s32 @p1 $0x1;
	p0 =	seq.s32 s7, s2  }
0x1e: {  	s7 =	smul.u32 @!p0 $0xF7A, s2;
	p2 =	seq.s32 @!p0 s5, $0x0  }
0x1f: {  	s9 =	smul.u32 $0xF7A, s1;
	s8 =	simm.s32 @!p0 $0x1BF5;
	p2 =	por !p2, p0  }
0x20: {  	[sflag:s8] =	ssyncset.s32 @!p0 $0xFFFFF086;
	s6 =	sadd.s32 @!p0 s3, s7;
	s7 =	simm.s32 @!p0 $0x108  }
0x21: {  	s3 =	sadd.s32 s3, s9;
	s6 =	sadd.s32 @!p0 $0x88, s6;
	s7 =	simm.s32 @p2 $0x1082  }
0x22: {  	[simem:s7], [sflag:s8] =	dma.local @!p0 [hbm:s6], $0xF7A  }
0x23: {  	s9 =	sor.u32 $0xD0000000, s2;
	s6 =	simm.s32 $0x108;
	_ =	swait.ge @!p0 [sflag:s8], $0x0  }
0x24: {  	s3 =	sadd.s32 $0x88, s3;
	s6 =	simm.s32 @!p1 $0x1082;
	[sflag:s4] =	ssyncset.s32 $0xFFFFF086  }
0x25: {  	[simem:s6], [sflag:s4] =	dma.local [hbm:s3], $0xF7A  }
0x26: {  	[smem:$0x3F9E] =	sst s1;
	(tag) =	ssettag s2;
	_ =	strace s9  }
0x27: {  	s1 =	sld [smem:$0x3FAE]  }
0x28: {  	s2 =	sld [smem:$0x3FAF]  }
0x29: {  	s4 =	sld [smem:$0x3FB1]  }
0x2a: {  	p0 =	seq.s32 s5, $0x0;
	s5 =	sld [smem:$0x3FB2]  }
0x2b: {  	s6 =	sld [smem:$0x3FB3]  }
0x2c: {  	s7 =	sld [smem:$0x3FB4]  }
0x2d: {  	s3 =	simm.s32 $0x108;
	s8 =	sld [smem:$0x3FB5]  }
0x2e: {  	s3 =	simm.s32 @!p0 $0x1082;
	s9 =	sld [smem:$0x3FB6]  }
0x2f: {  	lr =	sadd.s32 s0, s3;
	s0 =	sld [smem:$0x3FAD]  }
0x30: {  	s3 =	sld [smem:$0x3FB0]  }
0x31: {  	[smem:$0x3FB9] =	sst s10  }
0x32: {  	s10 =	sld [smem:$0x3FB7];
	_ =	sdelay $0x3  }
0x33: {  	p0 =	seq.s32 s10, $0x1;
	s10 =	sld [smem:$0x3FB9];
	_ =	sdelay $0x3  }
0x34: {  	[smem:$0x3FB9] =	sst s10  }
0x35: {  	s10 =	sld [smem:$0x3FB8];
	_ =	sdelay $0x3  }
0x36: {  	p1 =	seq.s32 s10, $0x1;
	s10 =	sld [smem:$0x3FB9];
	_ =	sdelay $0x3  }
0x37: {  	[smem:$0x3FB9] =	sst s10  }
0x38: {  	s10 =	sld [smem:$0x3FBA]  }
0x39: {  	_ = 	snop;
	(pc) =	sbr.ind lr, $3  }
0x3a: {  	_ = 	snop  }
0x3b: {  	_ = 	snop  }
0x3c: {  	p2 =	seq.s32 s10, $0x1;
	s10 =	sld [smem:$0x3FB9]  }
0x3d: {  	_ =	shalt  }
0x3e: {  	_ =	shalt  }
0x3f: {  	_ =	shalt  }
0x40: {  	_ =	shalt  }
0x41: {  	_ =	shalt  }
0x42: {  	_ =	shalt  }
0x43: {  	_ =	shalt  }
0x44: {  	_ =	shalt  }
0x45: {  	_ =	shalt  }
0x46: {  	_ =	shalt  }
0x47: {  	_ =	shalt  }
0x48: {  	_ =	shalt  }
0x49: {  	_ =	shalt  }
0x4a: {  	_ =	shalt  }
0x4b: {  	_ =	shalt  }
0x4c: {  	_ =	shalt  }
0x4d: {  	_ =	shalt  }
0x4e: {  	_ =	shalt  }
0x4f: {  	_ =	shalt  }
0x50: {  	_ =	shalt  }
0x51: {  	_ =	shalt  }
0x52: {  	_ =	shalt  }
0x53: {  	_ =	shalt  }
0x54: {  	_ =	shalt  }
0x55: {  	_ =	shalt  }
0x56: {  	_ =	shalt  }
0x57: {  	_ =	shalt  }
0x58: {  	_ =	shalt  }
0x59: {  	_ =	shalt  }
0x5a: {  	_ =	shalt  }
0x5b: {  	_ =	shalt  }
0x5c: {  	_ =	shalt  }
0x5d: {  	_ =	shalt  }
0x5e: {  	_ =	shalt  }
0x5f: {  	_ =	shalt  }
0x60: {  	_ =	shalt  }
0x61: {  	_ =	shalt  }
0x62: {  	_ =	shalt  }
0x63: {  	_ =	shalt  }
0x64: {  	_ =	shalt  }
0x65: {  	_ =	shalt  }
0x66: {  	_ =	shalt  }
0x67: {  	_ =	shalt  }
0x68: {  	_ =	shalt  }
0x69: {  	_ =	shalt  }
0x6a: {  	_ =	shalt  }
0x6b: {  	_ =	shalt  }
0x6c: {  	_ =	shalt  }
0x6d: {  	_ =	shalt  }
0x6e: {  	_ =	shalt  }
0x6f: {  	_ =	shalt  }
0x70: {  	_ =	shalt  }
0x71: {  	_ =	shalt  }
0x72: {  	_ =	shalt  }
0x73: {  	_ =	shalt  }
0x74: {  	_ =	shalt  }
0x75: {  	_ =	shalt  }
0x76: {  	_ =	shalt  }
0x77: {  	_ =	shalt  }
0x78: {  	_ =	shalt  }
0x79: {  	_ =	shalt  }
0x7a: {  	_ =	shalt  }
0x7b: {  	_ =	shalt  }
0x7c: {  	_ =	shalt  }
0x7d: {  	_ =	shalt  }
0x7e: {  	_ =	shalt  }
0x7f: {  	_ =	shalt  }
0x80: {  	_ =	shalt  }
0x81: {  	_ =	shalt  }
0x82: {  	_ =	shalt  }
0x83: {  	_ =	shalt  }
0x84: {  	_ =	shalt  }
0x85: {  	_ =	shalt  }
0x86: {  	_ =	shalt  }
0x87: {  	_ =	shalt  }
.Lfunc_end0:
.L_simem_size_0:
called_computation.1_lowered:
.L_overlay_start_0:
0x88: {  	s2 =	sld [smem:$0x3FD9]  }
0x89: {  	s3 =	sld [smem:$0x3FFE];
	_ =	sdelay $0x1  }
0x8a: {  	s1 =	srdreg.scid  }
0x8b: {  	s0 =	sand.u32 $0x1, s1  }
0x8c: {  	s15 =	sshll.u32 s0, $0xA;
	s2 =	sadd.s32 s3, s2  }
0x8d: {  	s2 =	sadd.s32 s2, s15  }
0x8e: {  	[smem:$0x3FC5] =	sst s2  }
0x8f: {  	_ = 	snop  }
0x90: {  	s16 =	sld [smem:$0x3FD0];
	_ =	sdelay $0x2  }
0x91: {  	s5 =	simm.s32 $0xB;
	s4 =	simm.s32 $0x10;
	s2 =	sld [smem:$0x3FC7]  }
0x92: {  	[smem:s4], [sflag:s5] =	dma.local [hbm:s16], $0x1  }
0x93: {  	_ =	swait.eq [sflag:s5], $0x1  }
0x94: {  	[sflag:s5] =	ssyncset.done $0x0  }
0x95: {  	s17 =	sld [smem:$0x10];
	[sflag:s5] =	ssyncadd.s32 $0xFFFFFFFF  }
0x96: {  	s18 =	sld [smem:$0x11];
	(tm) =	ssettm $0x1  }
0x97: {  	s19 =	sld [smem:$0x3FFB];
	_ =	sdelay $0x3  }
0x98: {  	_ =	strace s19  }
0x99: {  	s3 =	sld [smem:$0x3FFC];
	_ =	sdelay $0x3  }
0x9a: {  	_ =	strace s3  }
0x9b: {  	s3 =	sld [smem:$0x3FFD];
	_ =	sdelay $0x3  }
0x9c: {  	_ =	strace s3  }
0x9d: {  	_ =	strace $0x8FFFFFFF  }
0x9e: {  	s20 =	sld [smem:$0x3FDB];
	_ =	sdelay $0x1  }
0x9f: {  	s6 =	simm.s32 $_scs_section_size  }
0xa0: {  	s7 =	simm.s32 $_size__tile_overlayer_lowered;
	s8 =	simm.s32 $_tile_overlayer_lowered  }
0xa1: {  	s9 =	simm.s32 $0x1BFF;
	s21 =	sshll.u32 s8, $0x1;
	s6 =	sadd.s32 s6, s20  }
0xa2: {  	s22 =	simm.s32 $0x0;
	s7 =	sshll.u32 s7, $0x1;
	s8 =	sadd.s32 s21, s6  }
0xa3: {  	[timem:s22], [sflag:s9] =	dma.local [hbm:s8], s7  }
0xa4: {  	_ =	swait.ge [sflag:s9], s7  }
0xa5: {  	s7 =	ssub.s32 $0x0, s7;
	[sflag:s9] =	ssyncset.done $0x0  }
0xa6: {  	[sflag:s9] =	ssyncadd.s32 s7;
	_ =	sdelay $0x1  }
0xa7: {  	s23 =	simm.s32 $0x1B8B  }
0xa8: {  	_ =	swait.ge [sflag:s23], $0x1  }
0xa9: {  	[sflag:s23] =	ssyncset.done $0x0  }
0xaa: {  	[sflag:s23] =	ssyncadd.s32 $0xFFFFFFFF  }
0xab: {  	s7 =	sld [smem:$0x0]  }
0xac: {  	s8 =	sand.u32 $0xFFFFFFFE, s1  }
0xad: {  	p0 =	sne.s32 s1, s8  }
0xae: {  	s8 =	sshll.u32 @p0 s8, $0xE  }
0xaf: {  	s8 =	sadd.s32 @p0 $0x11B8D, s8;
	s9 =	sshll.u32 @p0 s7, $0x11  }
0xb0: {  	s8 =	sor.u32 @p0 s9, s8  }
0xb1: {  	[sflag:s8] =	ssyncadd.remote.s32 @p0 $0x1;
	_ =	sdelay $0x1  }
0xb2: {  	s8 =	simm.s32 @p0 $0x1B8D  }
0xb3: {  	_ =	swait.eq @p0 [sflag:s8], $0x1  }
0xb4: {  	[sflag:s8] =	ssyncadd.s32 @p0 $0xFFFFFFFF  }
0xb5: {  	s9 =	sshll.u32 @!p0 s1, $0xE  }
0xb6: {  	s9 =	sor.u32 @!p0 $0x4000, s9;
	s8 =	simm.s32 @!p0 $0x1B8D  }
0xb7: {  	s7 =	sshll.u32 @!p0 s7, $0x11;
	s9 =	sadd.s32 @!p0 $0x11B8D, s9;
	_ =	swait.eq @!p0 [sflag:s8], $0x1  }
0xb8: {  	s7 =	sor.u32 @!p0 s7, s9;
	[sflag:s8] =	ssyncadd.s32 @!p0 $0xFFFFFFFF  }
0xb9: {  	s25 =	simm.s32 $0x1B8E;
	s24 =	sld [smem:$0x3FFE];
	[sflag:s7] =	ssyncadd.remote.s32 @!p0 $0x1  }
0xba: {  	s26 =	simm.s32 $execute0_lowered;
	[smem:$0x3FD2] =	sst s25  }
0xbb: {  	s8 =	sshll.u32 s26, $0x1;
	_ =	strace $0x80000049;
	[dreg:$0x1] =	wrdreg $0xFFFFFFFF  }
0xbc: {  	s28 =	simm.s32 $_size_execute0_lowered;
	s6 =	sadd.s32 s6, s8;
	[dreg:$0x0] =	wrdreg $0x0  }
0xbd: {  	s8 =	sshll.u32 s28, $0x1;
	[dreg:$0x2] =	wrdreg s6  }
0xbe: {  	[dreg:$0x3] =	wrdreg s8  }
0xbf: {  	[dreg:$0x4] =	wrdreg $0xC0  }
0xc0: {  	_ =	task [dreg:s22], $0x5FFFF  }
0xc1: {  	[dreg:$0x1] =	wrdreg $0xFFFFFFFF  }
0xc2: {  	[dreg:$0x0] =	wrdreg $0x60  }
0xc3: {  	[dreg:$0x2] =	wrdreg s24  }
0xc4: {  	[dreg:$0x3] =	wrdreg s2  }
0xc5: {  	[dreg:$0x4] =	wrdreg s18  }
0xc6: {  	[dreg:$0x5] =	wrdreg s17  }
0xc7: {  	[dreg:$0x6] =	wrdreg $0xA  }
0xc8: {  	_ =	task.clear_ibuf [dreg:s22], $0x7FFFF;
	_ =	strace $0x90000049  }
0xc9: {  	s29 =	simm.s32 $0xA;
	_ =	strace $0x8000004B  }
0xca: {  	_ =	swait.ge [sflag:s29], $0x1  }
0xcb: {  	[sflag:s29] =	ssyncadd.s32 $0xFFFFFFFF  }
0xcc: {  	_ =	strace $0x9000004B  }
0xcd: {  	_ =	sfence  }
0xce: {  	s30 =	sld [smem:$0x0];
	_ =	sdelay $0x2  }
0xcf: {  	s31 =	sshll.u32 s1, $0xD;
	s1 =	sshrl.u32 s1, $0x2  }
0xd0: {  	s4 =	sand.u32 $0x4000, s31;
	s1 =	sadd.s32 s1, s30  }
0xd1: {  	s0 =	sor.u32 s4, s0;
	s1 =	sshll.u32 s1, $0x11  }
0xd2: {  	s0 =	sor.u32 s1, s0  }
0xd3: {  	s0 =	sadd.s32 $0x8F2B, s0  }
0xd4: {  	[sflag:s0] =	ssyncadd.remote.s32 $0x1  }
0xd5: {  	_ =	sfence.sel $0xFFFF  }
0xd6: {  	[dreg:$0x0] =	wrdreg $0xFFFFFFFF;
	(pc) =	sbr.abs _section_cstart, $3  }
0xd7: {  	[dreg:$0x1] =	wrdreg $0xFFFFFFFF  }
0xd8: {  	_ =	task.clear_ibuf [dreg:s22], $0x2FFFF;
	_ =	strace $0x9FFFFFFF  }
0xd9: {  	(tm) =	ssettm $0x7FFFFFFF  }
tec
execute0_lowered:
.L_overlay_start_1:
0x0: {  	(tag) =	ssettag $0x1  }
0x1: {  	s0 =	rddreg [dreg:$0x0]  }
0x2: {  	s1 =	rddreg [dreg:$0x2]  }
0x3: {  	s2 =	rddreg [dreg:$0x3]  }
0x4: {  	s4 =	srdreg.scid;
	s5 =	stileid.u32  }
0x5: {  	s3 =	simm.s32 $0x0;
	s8 =	simm.s32 $0x1;
	s9 =	simm.s32 $0x4000  }
0x6: {  	s12 =	simm.s32 $0x0;
	s4 =	sand.u32 $0x1, s4;
	s5 =	sshll.u32 s5, $0x1  }
0x7: {  	[smem:$0x7FF] =	sst s3;
	s5 =	sor.u32 s4, s5;
	s4 =	ssub.s32 $0x2, s4  }
0x8: {  	v0 =	vlaneseq.u32;
	_ =	strace $0x8000004A;
	s6 =	sshll.u32 s5, $0xB;
	s30 =	sshll.u32 s5, $0x8  }
0x9: {  	v4 =	vmul.u32 $0xFFFFFFFF, v0;
	s7 =	sshrl.u32 s4, $0x1;
	s0 =	sadd.s32 s6, s0;
	s31 =	sadd.s32 s1, s30  }
0xa: {  	vm0 =	vmmov $0xff;
	v1 =	vor.u32 $0x10, v0;
	s7 =	ssub.s32 s4, s7;
	s0 =	sadd.s32 $0x15400, s0;
	[dreg:$0x6] =	wrdreg s31  }
0xb: {  	v2 =	vor.u32 $0x20, v0;
	v3 =	vor.u32 $0x30, v0;
	v4 =	vadd.s32 $0xF, v4;
	s6 =	sadd.s32 s2, s30;
	s7 =	smax.u32 s7, $0x1;
	[dreg:$0x5] =	wrdreg s0  }
.LBB2_1:
0xc: {  	s0 =	rddreg [dreg:$0x5]  }
0xd: {  	[tilespmem:s3], [sflag:$0x1] =	stream.linear.gather [hbm4b:s0+s3], $0x4000, $0x38;
	[tilespmem:$0x5180] =	vst v63  }
0xe: {  	_ =	swait.ge [sflag:s8], $0x4000  }
0xf: {  	[sflag:s8] =	ssyncset.done $0x0  }
0x10: {  	[sflag:s8] =	ssyncadd.s32 $0xFFFFC000  }
0x11: {  	s17 =	rddreg [dreg:$0x1]  }
0x12: {  	[tilespmem:s9], [sflag:$0x1] =	stream.linear.gather [hbm4b:s17+s3], $0x80, $0x38;
	[tilespmem:$0x5180] =	vst v63  }
0x13: {  	_ =	swait.ge [sflag:s8], $0x80  }
0x14: {  	[sflag:s8] =	ssyncset.done $0x0  }
0x15: {  	[sflag:s8] =	ssyncadd.s32 $0xFFFFFF80  }
0x16: {  	v8 =	vld [tilespmem:$0x4000]  }
0x17: {  	v5 =	vld [tilespmem:$0x4010]  }
0x18: {  	v6 =	vld [tilespmem:$0x4020]  }
0x19: {  	s0 =	simm.s32 $0x80;
	v7 =	vld [tilespmem:$0x4030]  }
0x1a: {  	v9 =	vld [tilespmem:s0+$0xFFFFFF80]  }
0x1b: {  	v10 =	vld [tilespmem:s0+$0xFFFFFF90]  }
0x1c: {  	v11 =	vld [tilespmem:s0+$0xFFFFFFA0]  }
0x1d: {  	v12 =	vld [tilespmem:s0+$0xFFFFFFB0];
	_ =	sdelay $0x1  }
0x1e: {  	v9 =	vadd.f32 v9, v8  }
0x1f: {  	v10 =	vadd.f32 v10, v5  }
0x20: {  	(xrf1) =	vsort.dscd.msk.f32 $0xffff, v9, v0;
	v9 =	vadd.f32 v11, v6  }
0x21: {  	v11 =	vadd.f32 v12, v7;
	(xrf1) =	vsort.ascd.msk.f32 $0xffff, v10, v1  }
0x22: {  	(xrf1) =	vsort.dscd.msk.f32 $0xffff, v9, v2  }
0x23: {  	(xrf1) =	vsort.ascd.msk.f32 $0xffff, v11, v3;
	_ =	sdelay $0xa  }
0x24: {  	v9, v10, _ =	vpop (xrf1)  }
0x25: {  	v11, v12, _ =	vpop (xrf1)  }
0x26: {  	v13, v14, _ =	vpop (xrf1)  }
0x27: {  	v9 =	vsel vm0, v9, v11;
	v10 =	vsel vm0, v10, v12;
	v15, v16, _ =	vpop (xrf1)  }
0x28: {  	(xrf1) =	vsort.dscd.msk.f32 $0xffff, v9, v10;
	v11 =	vsel vm0, v13, v15;
	v12 =	vsel vm0, v14, v16  }
0x29: {  	(xrf1) =	vsort.ascd.msk.f32 $0xffff, v11, v12;
	_ =	sdelay $0xc  }
0x2a: {  	v9, v10, _ =	vpop (xrf1)  }
0x2b: {  	v11, v12, _ =	vpop (xrf1)  }
0x2c: {  	v9 =	vsel vm0, v9, v11;
	v10 =	vsel vm0, v10, v12  }
0x2d: {  	(xrf1) =	vsort.dscd.msk.f32 $0xffff, v9, v10;
	_ =	sdelay $0x6  }
0x2e: {  	s26 =	simm.s32 $0x180  }
0x2f: {  	v9 =	vld [tilespmem:s26+$0xFFFFFF80]  }
0x30: {  	v10 =	vld [tilespmem:s26+$0xFFFFFF90]  }
0x31: {  	v11 =	vld [tilespmem:s26+$0xFFFFFFA0]  }
0x32: {  	v12 =	vld [tilespmem:s26+$0xFFFFFFB0];
	_ =	sdelay $0x1  }
0x33: {  	v9 =	vadd.f32 v9, v8  }
0x34: {  	v10 =	vadd.f32 v10, v5;
	v13, v14, _ =	vpop (xrf1)  }
0x35: {  	(xrf1) =	vsort.dscd.msk.f32 $0xffff, v9, v0;
	v9 =	vadd.f32 v11, v6  }
0x36: {  	v11 =	vadd.f32 v12, v7;
	(xrf1) =	vsort.ascd.msk.f32 $0xffff, v10, v1  }
0x37: {  	(xrf1) =	vsort.dscd.msk.f32 $0xffff, v9, v2  }
0x38: {  	(xrf1) =	vsort.ascd.msk.f32 $0xffff, v11, v3;
	v9 =	vld.idx.msk [tilespmem:v14+s9+$0x0], $0xffff;
	_ =	sdelay $0x4  }
0x39: {  	v9 =	vsub.f32 v13, v9;
	_ =	sdelay $0x1  }
0x3a: {  	v9 =	vand.u32 $0x7FFFFFFF, v9  }
0x3b: {  	v9 =	vnsel vm0, $0x0, v9  }
0x3c: {  	(xrf2) =	vadd.scan.msk.f32 $0xffff, v9;
	_ =	sdelay $0x1  }
0x3d: {  	v10, v11, _ =	vpop (xrf1)  }
0x3e: {  	v12, v13, _ =	vpop (xrf1)  }
0x3f: {  	v15, v16, _ =	vpop (xrf1)  }
0x40: {  	v10 =	vsel vm0, v10, v12;
	v11 =	vsel vm0, v11, v13;
	v17, v18, _ =	vpop (xrf1)  }
0x41: {  	(xrf1) =	vsort.dscd.msk.f32 $0xffff, v10, v11;
	v12 =	vsel vm0, v15, v17;
	v13 =	vsel vm0, v16, v18  }
0x42: {  	(xrf1) =	vsort.ascd.msk.f32 $0xffff, v12, v13;
	_ =	sdelay $0x2  }
0x43: {  	v10, _, _ =	vpop (xrf2)  }
0x44: {  	v10 =	vperm.xlane v10, v4;
	_ =	sdelay $0x1  }
0x45: {  	v10 =	vmax.f32 v10, $9.999999960e-13  }
0x46: {  	(erf) = vrcp.f32 v10;
	_ =	sdelay $0x5  }
0x47: {  	v10, v11, _ =	vpop (xrf1)  }
0x48: {  	v12, v13, _ =	vpop (xrf1)  }
0x49: {  	s24 =	simm.s32 $0x280;
	v10 =	vsel vm0, v10, v12;
	v11 =	vsel vm0, v11, v13  }
0x4a: {  	(xrf1) =	vsort.dscd.msk.f32 $0xffff, v10, v11;
	v10 =	vld [tilespmem:s24+$0xFFFFFF80];
	v12 =	vpop (erf)  }
0x4b: {  	v11 =	vld [tilespmem:s24+$0xFFFFFF90];
	v9 =	vmul.f32 v9, v12  }
0x4c: {  	s13 =	simm.s32 $0x4090;
	v12 =	vld [tilespmem:s24+$0xFFFFFFA0]  }
0x4d: {  	s14 =	simm.s32 $0x4910;
	[tilespmem:s13+$0xFFFFFFF0] =	vst.msk $0xff, v9;
	v9 =	vld [tilespmem:s24+$0xFFFFFFB0]  }
0x4e: {  	s1 =	simm.s32 $0x40;
	[tilespmem:s14+$0xFFFFFFF0] =	vst.msk $0xff, v14  }
0x4f: {  	s2 =	sor.u32 $0x50, s1;
	v10 =	vadd.f32 v10, v8;
	v13 =	vld [tilespmem:s0+$0xFFFFFFC0]  }
0x50: {  	s18 =	sor.u32 $0x60, s1;
	v11 =	vadd.f32 v11, v5;
	v14 =	vld [tilespmem:s2+$0x0]  }
0x51: {  	s1 =	sor.u32 $0x70, s1;
	(xrf1) =	vsort.dscd.msk.f32 $0xffff, v10, v0;
	v15 =	vld [tilespmem:s18+$0x0];
	v10 =	vadd.f32 v12, v6  }
0x52: {  	(xrf1) =	vsort.ascd.msk.f32 $0xffff, v11, v1;
	v12 =	vld [tilespmem:s1+$0x0];
	v9 =	vadd.f32 v9, v7  }
0x53: {  	(xrf1) =	vsort.dscd.msk.f32 $0xffff, v10, v2  }
0x54: {  	v10 =	vadd.f32 v13, v8;
	(xrf1) =	vsort.ascd.msk.f32 $0xffff, v9, v3  }
0x55: {  	v9 =	vadd.f32 v14, v5  }
0x56: {  	(xrf1) =	vsort.dscd.msk.f32 $0xffff, v10, v0;
	v10 =	vadd.f32 v15, v6  }
0x57: {  	(xrf1) =	vsort.ascd.msk.f32 $0xffff, v9, v1;
	v9 =	vadd.f32 v12, v7  }
0x58: {  	v11, v12, _ =	vpop (xrf1);
	(xrf1) =	vsort.dscd.msk.f32 $0xffff, v10, v2  }
0x59: {  	(xrf1) =	vsort.ascd.msk.f32 $0xffff, v9, v3;
	_ =	sdelay $0x2  }
0x5a: {  	v9 =	vld.idx.msk [tilespmem:v12+s9+$0x0], $0xffff;
	_ =	sdelay $0x2  }
0x5b: {  	v10, v13, _ =	vpop (xrf1)  }
0x5c: {  	v14, v15, _ =	vpop (xrf1)  }
0x5d: {  	v9 =	vsub.f32 v11, v9;
	v11, v16, _ =	vpop (xrf1)  }
0x5e: {  	v10 =	vsel vm0, v10, v14;
	v13 =	vsel vm0, v13, v15;
	v17, v18, _ =	vpop (xrf1)  }
0x5f: {  	(xrf1) =	vsort.dscd.msk.f32 $0xffff, v10, v13;
	v9 =	vand.u32 $0x7FFFFFFF, v9;
	v11 =	vsel vm0, v11, v17;
	v14 =	vsel vm0, v16, v18  }
0x60: {  	v9 =	vnsel vm0, $0x0, v9;
	v19, v20, _ =	vpop (xrf1);
	(xrf1) =	vsort.ascd.msk.f32 $0xffff, v11, v14  }
0x61: {  	(xrf2) =	vadd.scan.msk.f32 $0xffff, v9;
	v21, v22, _ =	vpop (xrf1)  }
0x62: {  	v10, v13, _ =	vpop (xrf1)  }
0x63: {  	v11 =	vsel vm0, v19, v21;
	v14 =	vsel vm0, v20, v22;
	v15, v16, _ =	vpop (xrf1)  }
0x64: {  	(xrf1) =	vsort.dscd.msk.f32 $0xffff, v11, v14;
	v10 =	vsel vm0, v10, v15;
	v13 =	vsel vm0, v13, v16  }
0x65: {  	(xrf1) =	vsort.ascd.msk.f32 $0xffff, v10, v13;
	_ =	sdelay $0x5  }
0x66: {  	v10, _, _ =	vpop (xrf2)  }
0x67: {  	v10 =	vperm.xlane v10, v4  }
0x68: {  	v11, v13, _ =	vpop (xrf1)  }
0x69: {  	v10 =	vmax.f32 v10, $9.999999960e-13;
	v14, v15, _ =	vpop (xrf1)  }
0x6a: {  	(erf) = vrcp.f32 v10;
	v10 =	vsel vm0, v11, v14;
	v11 =	vsel vm0, v13, v15;
	_ =	sdelay $0x2  }
0x6b: {  	v13, v14, _ =	vpop (xrf1)  }
0x6c: {  	(xrf1) =	vsort.dscd.msk.f32 $0xffff, v10, v11;
	v10, v11, _ =	vpop (xrf1)  }
0x6d: {  	v10 =	vsel vm0, v13, v10;
	v11 =	vsel vm0, v14, v11  }
0x6e: {  	(xrf1) =	vsort.dscd.msk.f32 $0xffff, v10, v11;
	_ =	sdelay $0x5  }
0x6f: {  	s22 =	simm.s32 $0x380;
	v10 =	vpop (erf)  }
0x70: {  	v11 =	vld [tilespmem:s22+$0xFFFFFF80];
	v9 =	vmul.f32 v9, v10  }
0x71: {  	s15 =	simm.s32 $0x40B0;
	v10 =	vld [tilespmem:s22+$0xFFFFFF90]  }
0x72: {  	s16 =	simm.s32 $0x4930;
	v13 =	vld [tilespmem:s22+$0xFFFFFFA0];
	[tilespmem:s15+$0xFFFFFFF0] =	vst.msk $0xff, v9  }
0x73: {  	s19 =	simm.s32 $0x140;
	v9 =	vld [tilespmem:s22+$0xFFFFFFB0];
	[tilespmem:s16+$0xFFFFFFF0] =	vst.msk $0xff, v12  }
0x74: {  	s20 =	sor.u32 $0x50, s19;
	v12 =	vld [tilespmem:s26+$0xFFFFFFC0]  }
0x75: {  	s21 =	sor.u32 $0x60, s19;
	v11 =	vadd.f32 v11, v8;
	v14 =	vld [tilespmem:s20+$0x0];
	v15, v16, _ =	vpop (xrf1)  }
0x76: {  	v17 =	vld [tilespmem:s21+$0x0];
	v10 =	vadd.f32 v10, v5  }
0x77: {  	s1 =	sor.u32 $0x70, s19;
	(xrf1) =	vsort.dscd.msk.f32 $0xffff, v11, v0;
	v11 =	vadd.f32 v13, v6;
	v13, v18, _ =	vpop (xrf1)  }
0x78: {  	v9 =	vadd.f32 v9, v7;
	(xrf1) =	vsort.ascd.msk.f32 $0xffff, v10, v1;
	v10 =	vld [tilespmem:s1+$0x0]  }
0x79: {  	(xrf1) =	vsort.dscd.msk.f32 $0xffff, v11, v2;
	v11 =	vadd.f32 v12, v8;
	v12 =	vld.idx.msk [tilespmem:v16+s9+$0x0], $0xffff  }
0x7a: {  	(xrf1) =	vsort.ascd.msk.f32 $0xffff, v9, v3;
	v9 =	vadd.f32 v14, v5  }
0x7b: {  	(xrf1) =	vsort.dscd.msk.f32 $0xffff, v11, v0;
	v11 =	vadd.f32 v17, v6;
	v14 =	vld.idx.msk [tilespmem:v18+s9+$0x0], $0xffff  }
0x7c: {  	(xrf1) =	vsort.ascd.msk.f32 $0xffff, v9, v1  }
0x7d: {  	v9 =	vadd.f32 v10, v7;
	(xrf1) =	vsort.dscd.msk.f32 $0xffff, v11, v2  }
0x7e: {  	v10 =	vsub.f32 v15, v12  }
0x7f: {  	(xrf1) =	vsort.ascd.msk.f32 $0xffff, v9, v3  }
0x80: {  	v9 =	vand.u32 $0x7FFFFFFF, v10;
	v10 =	vsub.f32 v13, v14  }
0x81: {  	v9 =	vnsel vm0, $0x0, v9  }
0x82: {  	(xrf2) =	vadd.scan.msk.f32 $0xffff, v9;
	v10 =	vand.u32 $0x7FFFFFFF, v10  }
0x83: {  	v10 =	vnsel vm0, $0x0, v10  }
0x84: {  	(xrf2) =	vadd.scan.msk.f32 $0xffff, v10  }
0x85: {  	v11, v12, _ =	vpop (xrf1)  }
0x86: {  	v13, v14, _ =	vpop (xrf1)  }
0x87: {  	v15, v17, _ =	vpop (xrf1)  }
0x88: {  	v11 =	vsel vm0, v11, v13;
	v12 =	vsel vm0, v12, v14;
	v19, v20, _ =	vpop (xrf1)  }
0x89: {  	v21, v22, _ =	vpop (xrf1);
	(xrf1) =	vsort.dscd.msk.f32 $0xffff, v11, v12;
	v11 =	vsel vm0, v15, v19;
	v12 =	vsel vm0, v17, v20  }
0x8a: {  	v13, v14, _ =	vpop (xrf1);
	(xrf1) =	vsort.ascd.msk.f32 $0xffff, v11, v12  }
0x8b: {  	v15, v17, _ =	vpop (xrf1)  }
0x8c: {  	v11, _, _ =	vpop (xrf2)  }
0x8d: {  	v13 =	vsel vm0, v21, v13;
	v14 =	vsel vm0, v22, v14;
	v12, v19, _ =	vpop (xrf1);
	v11 =	vperm.xlane v11, v4  }
0x8e: {  	(xrf1) =	vsort.dscd.msk.f32 $0xffff, v13, v14;
	v12 =	vsel vm0, v15, v12;
	v17 =	vsel vm0, v17, v19;
	v15, _, _ =	vpop (xrf2)  }
0x8f: {  	(xrf1) =	vsort.ascd.msk.f32 $0xffff, v12, v17;
	v11 =	vmax.f32 v11, $9.999999960e-13;
	v13 =	vperm.xlane v15, v4  }
0x90: {  	(erf) = vrcp.f32 v11  }
0x91: {  	v11 =	vmax.f32 v13, $9.999999960e-13  }
0x92: {  	(erf) = vrcp.f32 v11;
	_ =	sdelay $0x4  }
0x93: {  	v11, v12, _ =	vpop (xrf1)  }
0x94: {  	v14, v15, _ =	vpop (xrf1)  }
0x95: {  	s21 =	simm.s32 $0x480;
	v13 =	vpop (erf)  }
0x96: {  	v12 =	vsel vm0, v12, v15;
	v9 =	vmul.f32 v9, v13;
	v13 =	vld [tilespmem:s21+$0xFFFFFF80]  }
0x97: {  	s17 =	simm.s32 $0x40D0;
	v11 =	vsel vm0, v11, v14;
	v14 =	vld [tilespmem:s21+$0xFFFFFF90];
	v17 =	vpop (erf)  }
0x98: {  	s18 =	simm.s32 $0x4950;
	[tilespmem:s17+$0xFFFFFFF0] =	vst.msk $0xff, v9;
	v9 =	vmul.f32 v10, v17;
	v10, v15, _ =	vpop (xrf1)  }
0x99: {  	(xrf1) =	vsort.dscd.msk.f32 $0xffff, v11, v12;
	v11 =	vld [tilespmem:s21+$0xFFFFFFA0];
	[tilespmem:s18+$0xFFFFFFF0] =	vst.msk $0xff, v16;
	v12, v16, _ =	vpop (xrf1)  }
0x9a: {  	v17 =	vld [tilespmem:s21+$0xFFFFFFB0];
	[tilespmem:s13+$0xFFFFFFF8] =	vst.msk $0xff, v9;
	v9 =	vsel vm0, v10, v12;
	v10 =	vsel vm0, v15, v16  }
0x9b: {  	v12 =	vld [tilespmem:s24+$0xFFFFFFC0];
	[tilespmem:s14+$0xFFFFFFF8] =	vst.msk $0xff, v18;
	(xrf1) =	vsort.dscd.msk.f32 $0xffff, v9, v10;
	v9 =	vadd.f32 v13, v8  }
0x9c: {  	v13 =	vadd.f32 v14, v5;
	v10 =	vld [tilespmem:s0+$0x0]  }
0x9d: {  	(xrf1) =	vsort.dscd.msk.f32 $0xffff, v9, v0  }
0x9e: {  	v9 =	vadd.f32 v11, v6;
	(xrf1) =	vsort.ascd.msk.f32 $0xffff, v13, v1;
	v13 =	vld [tilespmem:s0+$0x30]  }
0x9f: {  	v14 =	vld [tilespmem:s0+$0x10];
	v15 =	vadd.f32 v17, v7  }
0xa0: {  	v11 =	vld [tilespmem:s0+$0x20];
	(xrf1) =	vsort.dscd.msk.f32 $0xffff, v9, v2;
	v9 =	vadd.f32 v12, v8  }
0xa1: {  	(xrf1) =	vsort.ascd.msk.f32 $0xffff, v15, v3;
	v10 =	vadd.f32 v10, v8  }
0xa2: {  	(xrf1) =	vsort.dscd.msk.f32 $0xffff, v9, v0  }
0xa3: {  	(xrf1) =	vsort.dscd.msk.f32 $0xffff, v10, v0;
	v10 =	vadd.f32 v13, v7  }
0xa4: {  	v9 =	vadd.f32 v14, v5  }
0xa5: {  	v11 =	vadd.f32 v11, v6  }
0xa6: {  	s23 =	simm.s32 $0x240;
	(xrf1) =	vsort.ascd.msk.f32 $0xffff, v9, v1  }
0xa7: {  	s25 =	sor.u32 $0x50, s23;
	(xrf1) =	vsort.dscd.msk.f32 $0xffff, v11, v2  }
0xa8: {  	s4 =	sor.u32 $0x60, s23;
	v11 =	vld [tilespmem:s25+$0x0];
	(xrf1) =	vsort.ascd.msk.f32 $0xffff, v10, v3;
	v9, v10, _ =	vpop (xrf1)  }
0xa9: {  	v12 =	vld [tilespmem:s4+$0x0]  }
0xaa: {  	s1 =	sor.u32 $0x70, s23;
	v13, v14, _ =	vpop (xrf1)  }
0xab: {  	v15 =	vld [tilespmem:s1+$0x0]  }
0xac: {  	v16 =	vld.idx.msk [tilespmem:v10+s9+$0x0], $0xffff  }
0xad: {  	v11 =	vadd.f32 v11, v5  }
0xae: {  	v12 =	vadd.f32 v12, v6;
	v17, v18, _ =	vpop (xrf1);
	v23 =	vld.idx.msk [tilespmem:v14+s9+$0x0], $0xffff  }
0xaf: {  	v19, v20, _ =	vpop (xrf1);
	(xrf1) =	vsort.ascd.msk.f32 $0xffff, v11, v1  }
0xb0: {  	v15 =	vadd.f32 v15, v7;
	v21, v22, _ =	vpop (xrf1);
	(xrf1) =	vsort.dscd.msk.f32 $0xffff, v12, v2  }
0xb1: {  	v11, v24, _ =	vpop (xrf1);
	v9 =	vsub.f32 v9, v16  }
0xb2: {  	(xrf1) =	vsort.ascd.msk.f32 $0xffff, v15, v3;
	v12, v16, _ =	vpop (xrf1)  }
0xb3: {  	v25, v26, _ =	vpop (xrf1);
	v13 =	vsub.f32 v13, v23;
	v9 =	vand.u32 $0x7FFFFFFF, v9  }
0xb4: {  	v15, v27, _ =	vpop (xrf1);
	v9 =	vnsel vm0, $0x0, v9  }
0xb5: {  	v23, v28, _ =	vpop (xrf1);
	v15 =	vsel vm0, v25, v15;
	v35 =	vsel vm0, v26, v27;
	v13 =	vand.u32 $0x7FFFFFFF, v13;
	(xrf2) =	vadd.scan.msk.f32 $0xffff, v9  }
0xb6: {  	v26, v27, _ =	vpop (xrf1);
	(xrf1) =	vsort.dscd.msk.f32 $0xffff, v15, v35;
	v13 =	vnsel vm0, $0x0, v13  }
0xb7: {  	v15 =	vsel vm0, v23, v26;
	v23 =	vsel vm0, v28, v27;
	(xrf2) =	vadd.scan.msk.f32 $0xffff, v13  }
0xb8: {  	(xrf1) =	vsort.ascd.msk.f32 $0xffff, v15, v23;
	_ =	sdelay $0x2  }
0xb9: {  	v15 =	vsel vm0, v17, v19;
	v17 =	vsel vm0, v18, v20  }
0xba: {  	v11 =	vsel vm0, v21, v11  }
0xbb: {  	(xrf1) =	vsort.dscd.msk.f32 $0xffff, v15, v17;
	v15 =	vsel vm0, v22, v24;
	v18, v19, _ =	vpop (xrf1)  }
0xbc: {  	v17, v20, _ =	vpop (xrf1)  }
0xbd: {  	(xrf1) =	vsort.ascd.msk.f32 $0xffff, v11, v15;
	v11, _, _ =	vpop (xrf2)  }
0xbe: {  	v15, v21, _ =	vpop (xrf1);
	v11 =	vperm.xlane v11, v4  }
0xbf: {  	v15 =	vsel vm0, v17, v15  }
0xc0: {  	v12 =	vsel vm0, v12, v18;
	v16 =	vsel vm0, v16, v19;
	v17, _, _ =	vpop (xrf2);
	v11 =	vmax.f32 v11, $9.999999960e-13  }
0xc1: {  	(xrf1) =	vsort.dscd.msk.f32 $0xffff, v12, v16;
	v18 =	vsel vm0, v20, v21;
	v12 =	vperm.xlane v17, v4;
	(erf) = vrcp.f32 v11  }
0xc2: {  	(xrf1) =	vsort.ascd.msk.f32 $0xffff, v15, v18  }
0xc3: {  	v12 =	vmax.f32 v12, $9.999999960e-13;
	v11, v15, _ =	vpop (xrf1)  }
0xc4: {  	(erf) = vrcp.f32 v12;
	v16, v17, _ =	vpop (xrf1)  }
0xc5: {  	v12 =	vsel vm0, v15, v17  }
0xc6: {  	v11 =	vsel vm0, v11, v16  }
0xc7: {  	(xrf1) =	vsort.dscd.msk.f32 $0xffff, v11, v12;
	_ =	sdelay $0x1  }
0xc8: {  	v11, v12, _ =	vpop (xrf1)  }
0xc9: {  	v15 =	vpop (erf)  }
0xca: {  	v16, v17, _ =	vpop (xrf1)  }
0xcb: {  	s23 =	simm.s32 $0x580;
	v9 =	vmul.f32 v9, v15;
	v12 =	vsel vm0, v12, v17  }
0xcc: {  	s20 =	simm.s32 $0x40F0;
	v15 =	vld [tilespmem:s23+$0xFFFFFF80];
	v18 =	vpop (erf)  }
0xcd: {  	s19 =	simm.s32 $0x4970;
	v11 =	vsel vm0, v11, v16;
	v16 =	vld [tilespmem:s23+$0xFFFFFF90];
	[tilespmem:s20+$0xFFFFFFF0] =	vst.msk $0xff, v9;
	v9 =	vmul.f32 v13, v18  }
0xce: {  	(xrf1) =	vsort.dscd.msk.f32 $0xffff, v11, v12;
	v11 =	vld [tilespmem:s23+$0xFFFFFFA0];
	v13, v17, _ =	vpop (xrf1);
	[tilespmem:s19+$0xFFFFFFF0] =	vst.msk $0xff, v10  }
0xcf: {  	v18 =	vld [tilespmem:s23+$0xFFFFFFB0];
	v10, v12, _ =	vpop (xrf1);
	[tilespmem:s15+$0xFFFFFFF8] =	vst.msk $0xff, v9  }
0xd0: {  	v9 =	vsel vm0, v13, v10;
	v10 =	vsel vm0, v17, v12;
	v12 =	vld [tilespmem:s22+$0xFFFFFFC0];
	[tilespmem:s16+$0xFFFFFFF8] =	vst.msk $0xff, v14  }
0xd1: {  	(xrf1) =	vsort.dscd.msk.f32 $0xffff, v9, v10;
	v9 =	vadd.f32 v15, v8;
	v10 =	vld [tilespmem:s26+$0x0]  }
0xd2: {  	v13 =	vadd.f32 v16, v5;
	v14 =	vld [tilespmem:s26+$0x10]  }
0xd3: {  	v16 =	vld [tilespmem:s26+$0x20];
	(xrf1) =	vsort.dscd.msk.f32 $0xffff, v9, v0;
	v9 =	vadd.f32 v11, v6  }
0xd4: {  	v17 =	vadd.f32 v18, v7;
	v11, v15, _ =	vpop (xrf1);
	(xrf1) =	vsort.ascd.msk.f32 $0xffff, v13, v1;
	v13 =	vld [tilespmem:s26+$0x30]  }
0xd5: {  	(xrf1) =	vsort.dscd.msk.f32 $0xffff, v9, v2;
	v9 =	vadd.f32 v12, v8  }
0xd6: {  	(xrf1) =	vsort.ascd.msk.f32 $0xffff, v17, v3;
	v10 =	vadd.f32 v10, v8  }
0xd7: {  	s5 =	simm.s32 $0x340;
	(xrf1) =	vsort.dscd.msk.f32 $0xffff, v9, v0;
	v9 =	vadd.f32 v14, v5  }
0xd8: {  	s10 =	sor.u32 $0x50, s5;
	v16 =	vadd.f32 v16, v6;
	v12 =	vld.idx.msk [tilespmem:v15+s9+$0x0], $0xffff;
	(xrf1) =	vsort.dscd.msk.f32 $0xffff, v10, v0  }
0xd9: {  	s11 =	sor.u32 $0x60, s5;
	v14 =	vld [tilespmem:s10+$0x0];
	v10 =	vadd.f32 v13, v7;
	(xrf1) =	vsort.ascd.msk.f32 $0xffff, v9, v1  }
0xda: {  	s1 =	sor.u32 $0x70, s5;
	v9 =	vld [tilespmem:s11+$0x0];
	(xrf1) =	vsort.dscd.msk.f32 $0xffff, v16, v2  }
0xdb: {  	(xrf1) =	vsort.ascd.msk.f32 $0xffff, v10, v3;
	v10 =	vld [tilespmem:s1+$0x0];
	_ =	sdelay $0x1  }
0xdc: {  	v13, v16, _ =	vpop (xrf1);
	v11 =	vsub.f32 v11, v12  }
0xdd: {  	v12 =	vadd.f32 v14, v5  }
0xde: {  	v9 =	vadd.f32 v9, v6;
	v11 =	vand.u32 $0x7FFFFFFF, v11  }
0xdf: {  	v14, v17, _ =	vpop (xrf1);
	(xrf1) =	vsort.ascd.msk.f32 $0xffff, v12, v1;
	v11 =	vnsel vm0, $0x0, v11;
	v10 =	vadd.f32 v10, v7  }
0xe0: {  	v12 =	vld.idx.msk [tilespmem:v16+s9+$0x0], $0xffff;
	(xrf2) =	vadd.scan.msk.f32 $0xffff, v11  }
0xe1: {  	v18, v19, _ =	vpop (xrf1)  }
0xe2: {  	(xrf1) =	vsort.dscd.msk.f32 $0xffff, v9, v2;
	v9, v20, _ =	vpop (xrf1)  }
0xe3: {  	(xrf1) =	vsort.ascd.msk.f32 $0xffff, v10, v3;
	v22 =	vld.idx.msk [tilespmem:v17+s9+$0x0], $0xffff;
	v10, v21, _ =	vpop (xrf1)  }
0xe4: {  	v23, v36, _ =	vpop (xrf1)  }
0xe5: {  	v12 =	vsub.f32 v13, v12;
	v13, v37, _ =	vpop (xrf1)  }
0xe6: {  	v38, v39, _ =	vpop (xrf1)  }
0xe7: {  	v12 =	vand.u32 $0x7FFFFFFF, v12;
	v40, v29, _ =	vpop (xrf1)  }
0xe8: {  	v12 =	vnsel vm0, $0x0, v12;
	v14 =	vsub.f32 v14, v22;
	v22, v30, _ =	vpop (xrf1)  }
0xe9: {  	(xrf2) =	vadd.scan.msk.f32 $0xffff, v12;
	v26 =	vsel vm0, v38, v40;
	v27 =	vsel vm0, v39, v29;
	v41, v42, _ =	vpop (xrf1)  }
0xea: {  	(xrf1) =	vsort.dscd.msk.f32 $0xffff, v26, v27;
	v14 =	vand.u32 $0x7FFFFFFF, v14;
	v22 =	vsel vm0, v22, v41;
	v43 =	vsel vm0, v30, v42;
	v44, _, _ =	vpop (xrf2)  }
0xeb: {  	v14 =	vnsel vm0, $0x0, v14;
	(xrf1) =	vsort.ascd.msk.f32 $0xffff, v22, v43;
	v22 =	vperm.xlane v44, v4  }
0xec: {  	v9 =	vsel vm0, v18, v9;
	v18 =	vsel vm0, v19, v20;
	(xrf2) =	vadd.scan.msk.f32 $0xffff, v14  }
0xed: {  	v22 =	vmax.f32 v22, $9.999999960e-13  }
0xee: {  	v19 =	vsel vm0, v21, v36;
	(erf) = vrcp.f32 v22  }
0xef: {  	v45, v46, _ =	vpop (xrf1)  }
0xf0: {  	v10 =	vsel vm0, v10, v23;
	(xrf1) =	vsort.dscd.msk.f32 $0xffff, v9, v18;
	v9, v18, _ =	vpop (xrf1)  }
0xf1: {  	(xrf1) =	vsort.ascd.msk.f32 $0xffff, v10, v19;
	v19, v20, _ =	vpop (xrf1)  }
0xf2: {  	v9 =	vsel vm0, v9, v19  }
0xf3: {  	v10 =	vsel vm0, v13, v45;
	v13 =	vsel vm0, v37, v46  }
0xf4: {  	(xrf1) =	vsort.dscd.msk.f32 $0xffff, v10, v13;
	v18 =	vsel vm0, v18, v20  }
0xf5: {  	(xrf1) =	vsort.ascd.msk.f32 $0xffff, v9, v18;
	v9, _, _ =	vpop (xrf2)  }
0xf6: {  	v9 =	vperm.xlane v9, v4;
	v10, _, _ =	vpop (xrf2)  }
0xf7: {  	v13 =	vpop (erf)  }
0xf8: {  	v9 =	vmax.f32 v9, $9.999999960e-13;
	v10 =	vperm.xlane v10, v4  }
0xf9: {  	(erf) = vrcp.f32 v9;
	v9 =	vmul.f32 v11, v13;
	v11, v13, _ =	vpop (xrf1)  }
0xfa: {  	v10 =	vmax.f32 v10, $9.999999960e-13;
	v18, v19, _ =	vpop (xrf1)  }
0xfb: {  	(erf) = vrcp.f32 v10;
	v10 =	vsel vm0, v13, v19;
	_ =	sdelay $0x1  }
0xfc: {  	[tilespmem:s13+$0x0] =	vst.msk $0xff, v9;
	v9 =	vsel vm0, v11, v18  }
0xfd: {  	(xrf1) =	vsort.dscd.msk.f32 $0xffff, v9, v10;
	v10, v11, _ =	vpop (xrf1)  }
0xfe: {  	[tilespmem:s14+$0x0] =	vst.msk $0xff, v15;
	v15, v18, _ =	vpop (xrf1)  }
0xff: {  	s25 =	simm.s32 $0xC0;
	v11 =	vsel vm0, v11, v18  }
0x100: {  	s2 =	sor.u32 $0x50, s25;
	v9 =	vld [tilespmem:s0+$0x40];
	v10 =	vsel vm0, v10, v15  }
0x101: {  	v13 =	vld [tilespmem:s2+$0x0]  }
0x102: {  	s4 =	sor.u32 $0x60, s25;
	v15, v18, _ =	vpop (xrf1)  }
0x103: {  	s5 =	sor.u32 $0x70, s25;
	v19 =	vld [tilespmem:s4+$0x0];
	(xrf1) =	vsort.dscd.msk.f32 $0xffff, v10, v11;
	v10, v11, _ =	vpop (xrf1)  }
0x104: {  	s25 =	simm.s32 $0x680;
	v20 =	vld [tilespmem:s5+$0x0];
	v21 =	vpop (erf);
	v10 =	vsel vm0, v15, v10;
	v11 =	vsel vm0, v18, v11  }
0x105: {  	v9 =	vadd.f32 v9, v8;
	v12 =	vmul.f32 v12, v21;
	(xrf1) =	vsort.dscd.msk.f32 $0xffff, v10, v11;
	v11 =	vld [tilespmem:s25+$0xFFFFFF80]  }
0x106: {  	s2 =	simm.s32 $0x4110;
	v10 =	vadd.f32 v13, v5;
	v13 =	vpop (erf)  }
0x107: {  	s31 =	simm.s32 $0x4990;
	[tilespmem:s2+$0xFFFFFFF0] =	vst.msk $0xff, v12;
	(xrf1) =	vsort.dscd.msk.f32 $0xffff, v9, v0;
	v9 =	vld [tilespmem:s25+$0xFFFFFF90];
	v12 =	vmul.f32 v14, v13  }
0x108: {  	[tilespmem:s31+$0xFFFFFFF0] =	vst.msk $0xff, v16;
	v15 =	vadd.f32 v19, v6;
	(xrf1) =	vsort.ascd.msk.f32 $0xffff, v10, v1;
	v10 =	vld [tilespmem:s25+$0xFFFFFFA0]  }
0x109: {  	v13 =	vadd.f32 v20, v7;
	v14 =	vld [tilespmem:s25+$0xFFFFFFB0];
	[tilespmem:s17+$0xFFFFFFF8] =	vst.msk $0xff, v12  }
0x10a: {  	(xrf1) =	vsort.dscd.msk.f32 $0xffff, v15, v2;
	v12 =	vld [tilespmem:s21+$0xFFFFFFC0];
	[tilespmem:s18+$0xFFFFFFF8] =	vst.msk $0xff, v17;
	v11 =	vadd.f32 v11, v8  }
0x10b: {  	(xrf1) =	vsort.ascd.msk.f32 $0xffff, v13, v3;
	v13 =	vld [tilespmem:s24+$0x0]  }
0x10c: {  	v9 =	vadd.f32 v9, v5;
	(xrf1) =	vsort.dscd.msk.f32 $0xffff, v11, v0;
	v11 =	vld [tilespmem:s24+$0x20]  }
0x10d: {  	v15 =	vld [tilespmem:s24+$0x10];
	v10 =	vadd.f32 v10, v6  }
0x10e: {  	(xrf1) =	vsort.ascd.msk.f32 $0xffff, v9, v1;
	v9 =	vld [tilespmem:s24+$0x30]  }
0x10f: {  	v16, v17, _ =	vpop (xrf1);
	(xrf1) =	vsort.dscd.msk.f32 $0xffff, v10, v2;
	v10 =	vadd.f32 v12, v8  }
0x110: {  	s10 =	simm.s32 $0x440;
	v14 =	vadd.f32 v14, v7  }
0x111: {  	s11 =	sor.u32 $0x50, s10;
	v13 =	vadd.f32 v13, v8;
	v19 =	vadd.f32 v11, v6  }
0x112: {  	v12 =	vld [tilespmem:s11+$0x0];
	(xrf1) =	vsort.ascd.msk.f32 $0xffff, v14, v3;
	v14 =	vadd.f32 v15, v5  }
0x113: {  	v15 =	vld.idx.msk [tilespmem:v17+s9+$0x0], $0xffff;
	(xrf1) =	vsort.dscd.msk.f32 $0xffff, v10, v0;
	v9 =	vadd.f32 v9, v7  }
0x114: {  	(xrf1) =	vsort.dscd.msk.f32 $0xffff, v13, v0;
	v18, v10, _ =	vpop (xrf1)  }
0x115: {  	(xrf1) =	vsort.ascd.msk.f32 $0xffff, v14, v1;
	v13, v11, _ =	vpop (xrf1)  }
0x116: {  	(xrf1) =	vsort.dscd.msk.f32 $0xffff, v19, v2;
	v14, v19, _ =	vpop (xrf1)  }
0x117: {  	v12 =	vadd.f32 v12, v5;
	(xrf1) =	vsort.ascd.msk.f32 $0xffff, v9, v3;
	v9, v20, _ =	vpop (xrf1)  }
0x118: {  	v15 =	vsub.f32 v16, v15;
	v16, v21, _ =	vpop (xrf1)  }
0x119: {  	s4 =	sor.u32 $0x60, s10;
	(xrf1) =	vsort.ascd.msk.f32 $0xffff, v12, v1;
	v9 =	vsel vm0, v14, v9;
	v12 =	vsel vm0, v19, v20;
	v14 =	vld.idx.msk [tilespmem:v10+s9+$0x0], $0xffff;
	v19, v20, _ =	vpop (xrf1)  }
0x11a: {  	(xrf1) =	vsort.dscd.msk.f32 $0xffff, v9, v12;
	v12 =	vsel vm0, v16, v19;
	v16 =	vld [tilespmem:s4+$0x0]  }
0x11b: {  	v9 =	vand.u32 $0x7FFFFFFF, v15;
	v15 =	vsel vm0, v21, v20  }
0x11c: {  	v9 =	vnsel vm0, $0x0, v9  }
0x11d: {  	s0 =	sor.u32 $0x70, s10;
	(xrf2) =	vadd.scan.msk.f32 $0xffff, v9  }
0x11e: {  	(xrf1) =	vsort.ascd.msk.f32 $0xffff, v12, v15;
	v12 =	vld [tilespmem:s0+$0x0];
	v15, v19, _ =	vpop (xrf1)  }
0x11f: {  	v14 =	vsub.f32 v18, v14;
	v20, v21, _ =	vpop (xrf1);
	v16 =	vadd.f32 v16, v6  }
0x120: {  	v22, v23, _ =	vpop (xrf1)  }
0x121: {  	v47 =	vld.idx.msk [tilespmem:v11+s9+$0x0], $0xffff;
	v14 =	vand.u32 $0x7FFFFFFF, v14;
	v18, v48, _ =	vpop (xrf1)  }
0x122: {  	v49, v50, _ =	vpop (xrf1)  }
0x123: {  	v51 =	vadd.f32 v12, v7;
	v12 =	vnsel vm0, $0x0, v14;
	(xrf1) =	vsort.dscd.msk.f32 $0xffff, v16, v2;
	v16, v52, _ =	vpop (xrf1)  }
0x124: {  	(xrf2) =	vadd.scan.msk.f32 $0xffff, v12;
	v14, v53, _ =	vpop (xrf1)  }
0x125: {  	(xrf1) =	vsort.ascd.msk.f32 $0xffff, v51, v3;
	v55, v54, _ =	vpop (xrf1)  }
0x126: {  	v13 =	vsub.f32 v13, v47;
	v14 =	vsel vm0, v16, v14;
	v16 =	vsel vm0, v52, v53;
	v29, v30, _ =	vpop (xrf1)  }
0x127: {  	v56, _, _ =	vpop (xrf2);
	(xrf1) =	vsort.dscd.msk.f32 $0xffff, v14, v16;
	v14 =	vsel vm0, v55, v29;
	v16 =	vsel vm0, v54, v30  }
0x128: {  	v19 =	vsel vm0, v19, v21;
	(xrf1) =	vsort.ascd.msk.f32 $0xffff, v14, v16;
	v14 =	vperm.xlane v56, v4  }
0x129: {  	v13 =	vand.u32 $0x7FFFFFFF, v13;
	v15 =	vsel vm0, v15, v20  }
0x12a: {  	v13 =	vnsel vm0, $0x0, v13;
	v58, v57, _ =	vpop (xrf1);
	v14 =	vmax.f32 v14, $9.999999960e-13  }
0x12b: {  	(xrf2) =	vadd.scan.msk.f32 $0xffff, v13;
	v16, v59, _ =	vpop (xrf1);
	(erf) = vrcp.f32 v14  }
0x12c: {  	v18 =	vsel vm0, v22, v18;
	v20 =	vsel vm0, v23, v48;
	(xrf1) =	vsort.dscd.msk.f32 $0xffff, v15, v19;
	v15, v19, _ =	vpop (xrf1)  }
0x12d: {  	(xrf1) =	vsort.ascd.msk.f32 $0xffff, v18, v20;
	v14 =	vsel vm0, v16, v15;
	v15 =	vsel vm0, v59, v19  }
0x12e: {  	v16, _, _ =	vpop (xrf2);
	(xrf1) =	vsort.dscd.msk.f32 $0xffff, v14, v15;
	v14 =	vsel vm0, v49, v58;
	v15 =	vsel vm0, v50, v57  }
0x12f: {  	(xrf1) =	vsort.dscd.msk.f32 $0xffff, v14, v15;
	v14 =	vperm.xlane v16, v4;
	_ =	sdelay $0x1  }
0x130: {  	v14 =	vmax.f32 v14, $9.999999960e-13  }
0x131: {  	v15, v16, _ =	vpop (xrf1)  }
0x132: {  	v18, v19, _ =	vpop (xrf1)  }
0x133: {  	(erf) = vrcp.f32 v14;
	v18 =	vsel vm0, v15, v18;
	v19 =	vsel vm0, v16, v19;
	v14 =	vpop (erf)  }
0x134: {  	v21, v22, _ =	vpop (xrf1);
	(xrf1) =	vsort.ascd.msk.f32 $0xffff, v18, v19  }
0x135: {  	v9 =	vmul.f32 v9, v14;
	_ =	sdelay $0x1  }
0x136: {  	v20, _, _ =	vpop (xrf2);
	[tilespmem:s15+$0x0] =	vst.msk $0xff, v9  }
0x137: {  	[tilespmem:s16+$0x0] =	vst.msk $0xff, v17;
	v17 =	vperm.xlane v20, v4;
	_ =	sdelay $0x1  }
0x138: {  	v23, v60, _ =	vpop (xrf1);
	v18 =	vmax.f32 v17, $9.999999960e-13  }
0x139: {  	v21 =	vsel vm0, v21, v23;
	v22 =	vsel vm0, v22, v60;
	(erf) = vrcp.f32 v18  }
0x13a: {  	(xrf1) =	vsort.dscd.msk.f32 $0xffff, v21, v22  }
0x13b: {  	s11 =	simm.s32 $0x1C0;
	v61, v62, _ =	vpop (xrf1)  }
0x13c: {  	s30 =	simm.s32 $0x18;
	s5 =	sor.u32 $0x50, s11;
	v20, v63, _ =	vpop (xrf1);
	v14 =	vld [tilespmem:s26+$0x40]  }
0x13d: {  	s28 =	simm.s32 $0x4990;
	s29 =	simm.s32 $0x4C0;
	s4 =	sor.u32 $0x60, s11;
	v16 =	vld [tilespmem:s5+$0x0];
	v19 =	vpop (erf)  }
0x13e: {  	s1 =	simm.s32 $0x2C0;
	s10 =	simm.s32 $0x4C0;
	s5 =	sor.u32 $0x70, s11;
	v17 =	vld [tilespmem:s4+$0x0];
	v15, v9, _ =	vpop (xrf1)  }
0x13f: {  	s0 =	simm.s32 $0x3C0;
	s11 =	simm.s32 $0x780;
	v22 =	vsel vm0, v61, v20;
	v23 =	vsel vm0, v62, v63;
	s26 =	simm.s32 $0x4110;
	v18 =	vld [tilespmem:s5+$0x0];
	v21, v20, _ =	vpop (xrf1)  }
.LBB2_2:
0x140: {  	v24 =	vld [tilespmem:s11+$0xFFFFFF80];
	(xrf1) =	vsort.dscd.msk.f32 $0xffff, v22, v23;
	v12 =	vmul.f32 v12, v19;
	v19, v22, _ =	vpop (xrf1)  }
0x141: {  	v23 =	vld [tilespmem:s11+$0xFFFFFF90];
	v21 =	vsel vm0, v21, v19;
	v20 =	vsel vm0, v20, v22;
	v14 =	vadd.f32 v14, v8  }
0x142: {  	s2 =	sadd.s32 $0x20, s2;
	(xrf1) =	vsort.dscd.msk.f32 $0xffff, v21, v20;
	v19 =	vpop (erf);
	v16 =	vadd.f32 v16, v5;
	v20 =	vld.idx.msk [tilespmem:v9+s9+$0x0], $0xffff  }
0x143: {  	s31 =	sadd.s32 $0x20, s31;
	v21 =	vld [tilespmem:s11+$0xFFFFFFA0];
	[tilespmem:s2+$0xFFFFFFF0] =	vst.msk $0xff, v12;
	v12 =	vmul.f32 v13, v19;
	v13 =	vadd.f32 v17, v6;
	(xrf1) =	vsort.dscd.msk.f32 $0xffff, v14, v0  }
0x144: {  	v17 =	vld [tilespmem:s11+$0xFFFFFFB0];
	[tilespmem:s31+$0xFFFFFFF0] =	vst.msk $0xff, v10;
	v10 =	vadd.f32 v18, v7;
	(xrf1) =	vsort.ascd.msk.f32 $0xffff, v16, v1  }
0x145: {  	v19 =	vadd.f32 v24, v8;
	[tilespmem:s20+$0xFFFFFFF8] =	vst.msk $0xff, v12;
	(xrf1) =	vsort.dscd.msk.f32 $0xffff, v13, v2  }
0x146: {  	v12 =	vld [tilespmem:s23+$0xFFFFFFC0];
	[tilespmem:s19+$0xFFFFFFF8] =	vst.msk $0xff, v11;
	(xrf1) =	vsort.ascd.msk.f32 $0xffff, v10, v3  }
0x147: {  	v10 =	vadd.f32 v23, v5;
	(xrf1) =	vsort.dscd.msk.f32 $0xffff, v19, v0;
	v11 =	vld [tilespmem:s22+$0x0]  }
0x148: {  	s10 =	sadd.s32 $0x100, s10;
	v15 =	vsub.f32 v15, v20;
	v13 =	vadd.f32 v21, v6;
	v16 =	vld [tilespmem:s22+$0x10];
	v18, v14, _ =	vpop (xrf1)  }
0x149: {  	s4 =	sadd.s32 $0xFFFFFF80, s10;
	v17 =	vadd.f32 v17, v7;
	(xrf1) =	vsort.ascd.msk.f32 $0xffff, v10, v1;
	v19 =	vld [tilespmem:s22+$0x20]  }
0x14a: {  	s5 =	sor.u32 $0x50, s4;
	v10 =	vand.u32 $0x7FFFFFFF, v15;
	(xrf1) =	vsort.dscd.msk.f32 $0xffff, v13, v2;
	v13 =	vld [tilespmem:s22+$0x30]  }
0x14b: {  	(xrf1) =	vsort.ascd.msk.f32 $0xffff, v17, v3;
	v12 =	vadd.f32 v12, v8;
	v15 =	vld [tilespmem:s5+$0x0];
	v17 =	vnsel vm0, $0x0, v10  }
0x14c: {  	v21 =	vadd.f32 v11, v8;
	(xrf2) =	vadd.scan.msk.f32 $0xffff, v17  }
0x14d: {  	(xrf1) =	vsort.dscd.msk.f32 $0xffff, v12, v0;
	v12 =	vadd.f32 v16, v5;
	v16 =	vld.idx.msk [tilespmem:v14+s9+$0x0], $0xffff  }
0x14e: {  	v20, v10, _ =	vpop (xrf1);
	v19 =	vadd.f32 v19, v6;
	(xrf1) =	vsort.dscd.msk.f32 $0xffff, v21, v0  }
0x14f: {  	v22 =	vadd.f32 v13, v7;
	(xrf1) =	vsort.ascd.msk.f32 $0xffff, v12, v1  }
0x150: {  	s5 =	sor.u32 $0x60, s4;
	v24 =	vadd.f32 v15, v5;
	v15, v11, _ =	vpop (xrf1);
	(xrf1) =	vsort.dscd.msk.f32 $0xffff, v19, v2  }
0x151: {  	s4 =	sor.u32 $0x70, s4;
	v19 =	vld [tilespmem:s5+$0x0];
	(xrf1) =	vsort.ascd.msk.f32 $0xffff, v22, v3;
	v13, v21, _ =	vpop (xrf1)  }
0x152: {  	v22 =	vld [tilespmem:s4+$0x0];
	(xrf1) =	vsort.ascd.msk.f32 $0xffff, v24, v1;
	v12, v23, _ =	vpop (xrf1)  }
0x153: {  	v16 =	vsub.f32 v18, v16;
	v12 =	vsel vm0, v13, v12;
	v13 =	vsel vm0, v21, v23;
	v18, v21, _ =	vpop (xrf1)  }
0x154: {  	v24, v25, _ =	vpop (xrf1)  }
0x155: {  	v23 =	vld.idx.msk [tilespmem:v10+s9+$0x0], $0xffff;
	(xrf1) =	vsort.dscd.msk.f32 $0xffff, v12, v13;
	v13 =	vsel vm0, v18, v24;
	v24 =	vsel vm0, v21, v25  }
0x156: {  	v28 =	vand.u32 $0x7FFFFFFF, v16;
	v26, v27, _ =	vpop (xrf1)  }
0x157: {  	v18 =	vadd.f32 v19, v6;
	v19 =	vnsel vm0, $0x0, v28;
	(xrf1) =	vsort.ascd.msk.f32 $0xffff, v13, v24;
	v12, _, _ =	vpop (xrf2)  }
0x158: {  	v16, v21, _ =	vpop (xrf1);
	v13 =	vadd.f32 v22, v7;
	(xrf2) =	vadd.scan.msk.f32 $0xffff, v19;
	v12 =	vperm.xlane v12, v4  }
0x159: {  	v22, v24, _ =	vpop (xrf1);
	(xrf1) =	vsort.dscd.msk.f32 $0xffff, v18, v2;
	v18 =	vld.idx.msk [tilespmem:v11+s9+$0x0], $0xffff  }
0x15a: {  	v12 =	vmax.f32 v12, $9.999999960e-13;
	v25, v28, _ =	vpop (xrf1);
	(xrf1) =	vsort.ascd.msk.f32 $0xffff, v13, v3  }
0x15b: {  	v33 =	vsub.f32 v20, v23;
	(erf) = vrcp.f32 v12  }
0x15c: {  	v20, v23, _ =	vpop (xrf1)  }
0x15d: {  	v12 =	vand.u32 $0x7FFFFFFF, v33;
	v13, v29, _ =	vpop (xrf1)  }
0x15e: {  	v32, v31, _ =	vpop (xrf1)  }
0x15f: {  	v12 =	vnsel vm0, $0x0, v12;
	v34 =	vsub.f32 v15, v18;
	v18 =	vsel vm0, v29, v31  }
0x160: {  	(xrf2) =	vadd.scan.msk.f32 $0xffff, v12;
	v13 =	vsel vm0, v13, v32;
	v29, v30, _ =	vpop (xrf1)  }
0x161: {  	v31, v32, _ =	vpop (xrf1);
	(xrf1) =	vsort.dscd.msk.f32 $0xffff, v13, v18  }
0x162: {  	v13 =	vand.u32 $0x7FFFFFFF, v34;
	v31 =	vsel vm0, v29, v31;
	v32 =	vsel vm0, v30, v32;
	v18, v33, _ =	vpop (xrf1)  }
0x163: {  	v13 =	vnsel vm0, $0x0, v13;
	(xrf1) =	vsort.ascd.msk.f32 $0xffff, v31, v32;
	v15, _, _ =	vpop (xrf2)  }
0x164: {  	(xrf2) =	vadd.scan.msk.f32 $0xffff, v13;
	v15 =	vperm.xlane v15, v4;
	v29, v30, _ =	vpop (xrf1)  }
0x165: {  	v31 =	vsel vm0, v26, v16;
	v26 =	vsel vm0, v27, v21;
	v27 =	vsel vm0, v22, v25;
	v25 =	vpop (erf)  }
0x166: {  	v24 =	vsel vm0, v24, v28;
	(xrf1) =	vsort.dscd.msk.f32 $0xffff, v31, v26;
	v15 =	vmax.f32 v15, $9.999999960e-13;
	v16, v21, _ =	vpop (xrf1);
	v25 =	vmul.f32 v17, v25  }
0x167: {  	(xrf1) =	vsort.ascd.msk.f32 $0xffff, v27, v24;
	(erf) = vrcp.f32 v15;
	v15 =	vsel vm0, v29, v16;
	v16 =	vsel vm0, v30, v21  }
0x168: {  	v21, v22, _ =	vpop (xrf1);
	(xrf1) =	vsort.dscd.msk.f32 $0xffff, v15, v16;
	[tilespmem:s13+$0x8] =	vst.msk $0xff, v25;
	s13 =	smov.u32 s15;
	s15 =	smov.u32 s17;
	s17 =	smov.u32 s20  }
0x169: {  	v15 =	vsel vm0, v20, v18;
	v16 =	vsel vm0, v23, v33;
	s20 =	smov.u32 s26;
	s26 =	smov.u32 s2;
	v17, v18, _ =	vpop (xrf1);
	[tilespmem:s14+$0x8] =	vst.msk $0xff, v9;
	s14 =	smov.u32 s16  }
0x16a: {  	s16 =	smov.u32 s18;
	s18 =	smov.u32 s19;
	s19 =	smov.u32 s28;
	v9, _, _ =	vpop (xrf2);
	v17 =	vsel vm0, v21, v17;
	v18 =	vsel vm0, v22, v18;
	(xrf1) =	vsort.dscd.msk.f32 $0xffff, v15, v16  }
0x16b: {  	s28 =	smov.u32 s31;
	v20 =	vperm.xlane v9, v4;
	(xrf1) =	vsort.ascd.msk.f32 $0xffff, v17, v18;
	_ =	sdelay $0x1  }
0x16c: {  	v17 =	vmax.f32 v20, $9.999999960e-13  }
0x16d: {  	(erf) = vrcp.f32 v17;
	v9, _, _ =	vpop (xrf2)  }
0x16e: {  	s30 =	sadd.s32 $0x4, s30;
	v9 =	vperm.xlane v9, v4;
	v15, v16, _ =	vpop (xrf1)  }
0x16f: {  	p0 =	slt.u32 s30, $0xFC;
	v17 =	vpop (erf)  }
0x170: {  	v9 =	vmax.f32 v9, $9.999999960e-13;
	v18, v20, _ =	vpop (xrf1);
	v17 =	vmul.f32 v19, v17  }
0x171: {  	(erf) = vrcp.f32 v9;
	v9 =	vsel vm0, v15, v18;
	v15 =	vsel vm0, v16, v20  }
0x172: {  	(xrf1) =	vsort.dscd.msk.f32 $0xffff, v9, v15;
	[tilespmem:s15+$0x0] =	vst.msk $0xff, v17  }
.Ltmp0:
0x173: {  	v18, v20, _ =	vpop (xrf1);
	[tilespmem:s16+$0x0] =	vst.msk $0xff, v14;
	(pc) =	sbr.rel @p0 .LBB2_2-.Ltmp0, $4  }
0x174: {  	s4 =	sor.u32 $0x50, s1;
	v21, v23, _ =	vpop (xrf1);
	v14 =	vld [tilespmem:s24+$0x40];
	s24 =	smov.u32 s22;
	s22 =	smov.u32 s21  }
0x175: {  	s21 =	smov.u32 s23;
	s23 =	smov.u32 s25;
	v16 =	vld [tilespmem:s4+$0x0];
	s4 =	sor.u32 $0x60, s1;
	v15, v9, _ =	vpop (xrf1)  }
0x176: {  	v19 =	vpop (erf);
	v17 =	vld [tilespmem:s4+$0x0];
	s4 =	sor.u32 $0x70, s1;
	s1 =	smov.u32 s0;
	s0 =	smov.u32 s29  }
0x177: {  	s25 =	smov.u32 s11;
	s11 =	sadd.s32 $0x100, s11;
	v22 =	vsel vm0, v18, v21;
	v23 =	vsel vm0, v20, v23;
	s29 =	smov.u32 s10;
	v21, v20, _ =	vpop (xrf1);
	v18 =	vld [tilespmem:s4+$0x0]  }
0x178: {  	_ =	sdelay $0x1  }
0x179: {  	(xrf1) =	vsort.dscd.msk.f32 $0xffff, v22, v23;
	v22, v23, _ =	vpop (xrf1);
	v12 =	vmul.f32 v12, v19  }
0x17a: {  	v21 =	vsel vm0, v21, v22;
	v20 =	vsel vm0, v20, v23;
	v14 =	vadd.f32 v14, v8  }
0x17b: {  	s30 =	sadd.s32 $0x20, s2;
	v51 =	vld.idx.msk [tilespmem:v9+s9+$0x0], $0xffff;
	(xrf1) =	vsort.dscd.msk.f32 $0xffff, v21, v20;
	v50 =	vpop (erf)  }
0x17c: {  	s31 =	sadd.s32 $0x20, s31;
	v16 =	vadd.f32 v16, v5;
	[tilespmem:s30+$0xFFFFFFF0] =	vst.msk $0xff, v12;
	(xrf1) =	vsort.dscd.msk.f32 $0xffff, v14, v0;
	v52 =	vmul.f32 v13, v50  }
0x17d: {  	v17 =	vadd.f32 v17, v6;
	[tilespmem:s31+$0xFFFFFFF0] =	vst.msk $0xff, v10  }
0x17e: {  	v53 =	vadd.f32 v18, v7;
	(xrf1) =	vsort.ascd.msk.f32 $0xffff, v16, v1;
	[tilespmem:s20+$0xFFFFFFF8] =	vst.msk $0xff, v52  }
0x17f: {  	v10 =	vld [tilespmem:s23+$0xFFFFFFC0];
	(xrf1) =	vsort.dscd.msk.f32 $0xffff, v17, v2;
	[tilespmem:s19+$0xFFFFFFF8] =	vst.msk $0xff, v11  }
0x180: {  	(xrf1) =	vsort.ascd.msk.f32 $0xffff, v53, v3;
	v11 =	vld [tilespmem:s22+$0x0]  }
0x181: {  	v54 =	vsub.f32 v15, v51;
	v12 =	vld [tilespmem:s22+$0x10]  }
0x182: {  	s2 =	sadd.s32 $0x100, s10;
	v56 =	vld [tilespmem:s22+$0x20];
	v55, v15, _ =	vpop (xrf1)  }
0x183: {  	s4 =	sadd.s32 $0xFFFFFF80, s2;
	v57 =	vld [tilespmem:s22+$0x30];
	v13 =	vand.u32 $0x7FFFFFFF, v54  }
0x184: {  	s5 =	sor.u32 $0x50, s4;
	v58 =	vadd.f32 v10, v8;
	v10 =	vnsel vm0, $0x0, v13  }
0x185: {  	v59 =	vld [tilespmem:s5+$0x0];
	(xrf2) =	vadd.scan.msk.f32 $0xffff, v10;
	v11 =	vadd.f32 v11, v8  }
0x186: {  	(xrf1) =	vsort.dscd.msk.f32 $0xffff, v58, v0;
	v12 =	vadd.f32 v12, v5;
	v60 =	vld.idx.msk [tilespmem:v15+s9+$0x0], $0xffff  }
0x187: {  	v16 =	vadd.f32 v56, v6;
	v61, v20, _ =	vpop (xrf1);
	(xrf1) =	vsort.dscd.msk.f32 $0xffff, v11, v0  }
0x188: {  	s11 =	sor.u32 $0x60, s4;
	v62 =	vadd.f32 v57, v7;
	(xrf1) =	vsort.ascd.msk.f32 $0xffff, v12, v1  }
0x189: {  	v28 =	vld [tilespmem:s11+$0x0];
	v63, v17, _ =	vpop (xrf1);
	(xrf1) =	vsort.dscd.msk.f32 $0xffff, v16, v2  }
0x18a: {  	s4 =	sor.u32 $0x70, s4;
	v29, v22, _ =	vpop (xrf1);
	(xrf1) =	vsort.ascd.msk.f32 $0xffff, v62, v3  }
0x18b: {  	v30 =	vld [tilespmem:s4+$0x0];
	v13 =	vadd.f32 v59, v5;
	v14 =	vsub.f32 v55, v60  }
0x18c: {  	v31, v24, _ =	vpop (xrf1)  }
0x18d: {  	(xrf1) =	vsort.ascd.msk.f32 $0xffff, v13, v1;
	v32, v25, _ =	vpop (xrf1);
	v33 =	vsel vm0, v29, v31;
	v34 =	vsel vm0, v22, v24;
	v37 =	vand.u32 $0x7FFFFFFF, v14  }
0x18e: {  	v16 =	vadd.f32 v28, v6;
	v36, v35, _ =	vpop (xrf1);
	(xrf1) =	vsort.dscd.msk.f32 $0xffff, v33, v34;
	v13 =	vnsel vm0, $0x0, v37  }
0x18f: {  	v40 =	vld.idx.msk [tilespmem:v20+s9+$0x0], $0xffff;
	v38 =	vsel vm0, v32, v36;
	v39 =	vsel vm0, v25, v35;
	(xrf2) =	vadd.scan.msk.f32 $0xffff, v13  }
0x190: {  	v11 =	vadd.f32 v30, v7;
	(xrf1) =	vsort.ascd.msk.f32 $0xffff, v38, v39  }
0x191: {  	(xrf1) =	vsort.dscd.msk.f32 $0xffff, v16, v2  }
0x192: {  	v41 =	vld.idx.msk [tilespmem:v17+s9+$0x0], $0xffff;
	(xrf1) =	vsort.ascd.msk.f32 $0xffff, v11, v3  }
0x193: {  	v42, _, _ =	vpop (xrf2)  }
0x194: {  	v14 =	vsub.f32 v61, v40;
	v43, v44, _ =	vpop (xrf1)  }
0x195: {  	v45, v46, _ =	vpop (xrf1)  }
0x196: {  	v16 =	vperm.xlane v42, v4;
	v14 =	vand.u32 $0x7FFFFFFF, v14;
	v48, v47, _ =	vpop (xrf1)  }
0x197: {  	v11 =	vsub.f32 v63, v41;
	v14 =	vnsel vm0, $0x0, v14;
	v50, v49, _ =	vpop (xrf1)  }
0x198: {  	v16 =	vmax.f32 v16, $9.999999960e-13;
	(xrf2) =	vadd.scan.msk.f32 $0xffff, v14;
	v21 =	vsel vm0, v45, v48;
	v22 =	vsel vm0, v46, v47;
	v51, v52, _ =	vpop (xrf1)  }
0x199: {  	v11 =	vand.u32 $0x7FFFFFFF, v11;
	(xrf1) =	vsort.dscd.msk.f32 $0xffff, v21, v22;
	v54, _, _ =	vpop (xrf2);
	v12 =	vsel vm0, v50, v51;
	v53 =	vsel vm0, v49, v52  }
0x19a: {  	(erf) = vrcp.f32 v16;
	v55 =	vnsel vm0, $0x0, v11;
	v56 =	vperm.xlane v54, v4;
	(xrf1) =	vsort.ascd.msk.f32 $0xffff, v12, v53  }
0x19b: {  	(xrf2) =	vadd.scan.msk.f32 $0xffff, v55  }
0x19c: {  	v11 =	vmax.f32 v56, $9.999999960e-13;
	v12, v21, _ =	vpop (xrf1)  }
0x19d: {  	(erf) = vrcp.f32 v11;
	v58, v57, _ =	vpop (xrf1)  }
0x19e: {  	v24, v25, _ =	vpop (xrf1)  }
0x19f: {  	v59 =	vsel vm0, v58, v24;
	v60 =	vsel vm0, v57, v25;
	v62, v61, _ =	vpop (xrf1)  }
0x1a0: {  	v63 =	vsel vm0, v43, v12;
	v21 =	vsel vm0, v44, v21;
	(xrf1) =	vsort.dscd.msk.f32 $0xffff, v59, v60;
	v22, v25, _ =	vpop (xrf1)  }
0x1a1: {  	v18 =	vsel vm0, v62, v22;
	v19 =	vsel vm0, v61, v25;
	(xrf1) =	vsort.dscd.msk.f32 $0xffff, v63, v21  }
0x1a2: {  	(xrf1) =	vsort.ascd.msk.f32 $0xffff, v18, v19  }
0x1a3: {  	v11 =	vpop (erf)  }
0x1a4: {  	v26, _, _ =	vpop (xrf2)  }
0x1a5: {  	v12 =	vperm.xlane v26, v4;
	v27, _, _ =	vpop (xrf2)  }
0x1a6: {  	v28 =	vpop (erf)  }
0x1a7: {  	v12 =	vmax.f32 v12, $9.999999960e-13;
	v18 =	vperm.xlane v27, v4;
	v30, v29, _ =	vpop (xrf1)  }
0x1a8: {  	(erf) = vrcp.f32 v12;
	v13 =	vmul.f32 v13, v28;
	v32, v31, _ =	vpop (xrf1)  }
0x1a9: {  	v18 =	vmax.f32 v18, $9.999999960e-13;
	v12 =	vsel vm0, v30, v32;
	v33 =	vsel vm0, v29, v31  }
0x1aa: {  	(erf) = vrcp.f32 v18;
	[tilespmem:s17+$0x0] =	vst.msk $0xff, v13;
	(xrf1) =	vsort.dscd.msk.f32 $0xffff, v12, v33  }
0x1ab: {  	[tilespmem:s18+$0x0] =	vst.msk $0xff, v15  }
0x1ac: {  	v34 =	vld [tilespmem:s24+$0x40];
	s24 =	sor.u32 $0x50, s1  }
0x1ad: {  	s5 =	sor.u32 $0x60, s1;
	v15 =	vld [tilespmem:s24+$0x0]  }
0x1ae: {  	s10 =	sor.u32 $0x70, s1;
	v36 =	vld [tilespmem:s5+$0x0];
	v35, v12, _ =	vpop (xrf1)  }
0x1af: {  	v39 =	vld [tilespmem:s10+$0x0];
	v37, v38, _ =	vpop (xrf1)  }
0x1b0: {  	v41, v40, _ =	vpop (xrf1)  }
0x1b1: {  	v42 =	vpop (erf);
	v13 =	vadd.f32 v34, v8;
	v21 =	vsel vm0, v37, v41;
	v22 =	vsel vm0, v38, v40  }
0x1b2: {  	v14 =	vmul.f32 v14, v42;
	v15 =	vadd.f32 v15, v5;
	(xrf1) =	vsort.dscd.msk.f32 $0xffff, v21, v22  }
0x1b3: {  	s24 =	sadd.s32 $0x20, s30;
	v19 =	vadd.f32 v36, v6;
	v43 =	vpop (erf);
	(xrf1) =	vsort.dscd.msk.f32 $0xffff, v13, v0  }
0x1b4: {  	s1 =	sadd.s32 $0x20, s31;
	s10 =	sadd.s32 $0x100, s2;
	v44 =	vadd.f32 v39, v7;
	[tilespmem:s24+$0xFFFFFFF0] =	vst.msk $0xff, v14;
	v13 =	vmul.f32 v55, v43;
	(xrf1) =	vsort.ascd.msk.f32 $0xffff, v15, v1  }
0x1b5: {  	s4 =	sadd.s32 $0xFFFFFF80, s10;
	v45 =	vld.idx.msk [tilespmem:v12+s9+$0x0], $0xffff;
	[tilespmem:s1+$0xFFFFFFF0] =	vst.msk $0xff, v20;
	(xrf1) =	vsort.dscd.msk.f32 $0xffff, v19, v2  }
0x1b6: {  	s11 =	sor.u32 $0x50, s4;
	v46 =	vld [tilespmem:s25+$0xFFFFFFC0];
	[tilespmem:s26+$0xFFFFFFF8] =	vst.msk $0xff, v13;
	(xrf1) =	vsort.ascd.msk.f32 $0xffff, v44, v3  }
0x1b7: {  	v53 =	vld [tilespmem:s11+$0x0];
	[tilespmem:s28+$0xFFFFFFF8] =	vst.msk $0xff, v17  }
0x1b8: {  	v47 =	vld [tilespmem:s21+$0x0];
	v49, v19, _ =	vpop (xrf1)  }
0x1b9: {  	v48 =	vld [tilespmem:s21+$0x10]  }
0x1ba: {  	v15 =	vsub.f32 v35, v45;
	v50 =	vld [tilespmem:s21+$0x20]  }
0x1bb: {  	v51 =	vld [tilespmem:s21+$0x30];
	v52 =	vadd.f32 v46, v8  }
0x1bc: {  	v15 =	vand.u32 $0x7FFFFFFF, v15;
	v54 =	vld.idx.msk [tilespmem:v19+s9+$0x0], $0xffff  }
0x1bd: {  	v13 =	vnsel vm0, $0x0, v15;
	(xrf1) =	vsort.dscd.msk.f32 $0xffff, v52, v0;
	v14 =	vadd.f32 v47, v8  }
0x1be: {  	(xrf2) =	vadd.scan.msk.f32 $0xffff, v13;
	v16 =	vadd.f32 v48, v5  }
0x1bf: {  	s11 =	sor.u32 $0x60, s4;
	v18 =	vadd.f32 v50, v6;
	(xrf1) =	vsort.dscd.msk.f32 $0xffff, v14, v0  }
0x1c0: {  	s4 =	sor.u32 $0x70, s4;
	v56 =	vld [tilespmem:s11+$0x0];
	v20 =	vadd.f32 v51, v7;
	(xrf1) =	vsort.ascd.msk.f32 $0xffff, v16, v1;
	v55, v21, _ =	vpop (xrf1)  }
0x1c1: {  	v59 =	vld [tilespmem:s4+$0x0];
	v22 =	vadd.f32 v53, v5;
	(xrf1) =	vsort.dscd.msk.f32 $0xffff, v18, v2;
	v58, v57, _ =	vpop (xrf1);
	v15 =	vsub.f32 v49, v54  }
0x1c2: {  	(xrf1) =	vsort.ascd.msk.f32 $0xffff, v20, v3;
	v60, v26, _ =	vpop (xrf1)  }
0x1c3: {  	(xrf1) =	vsort.ascd.msk.f32 $0xffff, v22, v1;
	v62, v61, _ =	vpop (xrf1);
	v16 =	vsel vm0, v58, v60;
	v63 =	vsel vm0, v57, v26;
	v15 =	vand.u32 $0x7FFFFFFF, v15  }
0x1c4: {  	v28, v29, _ =	vpop (xrf1);
	(xrf1) =	vsort.dscd.msk.f32 $0xffff, v16, v63;
	v20 =	vnsel vm0, $0x0, v15  }
0x1c5: {  	v32 =	vadd.f32 v56, v6;
	v30 =	vsel vm0, v62, v28;
	v31 =	vsel vm0, v61, v29;
	(xrf2) =	vadd.scan.msk.f32 $0xffff, v20  }
0x1c6: {  	v33 =	vadd.f32 v59, v7;
	(xrf1) =	vsort.ascd.msk.f32 $0xffff, v30, v31  }
0x1c7: {  	(xrf1) =	vsort.dscd.msk.f32 $0xffff, v32, v2  }
0x1c8: {  	(xrf1) =	vsort.ascd.msk.f32 $0xffff, v33, v3;
	_ =	sdelay $0x1  }
0x1c9: {  	v35 =	vld.idx.msk [tilespmem:v21+s9+$0x0], $0xffff  }
0x1ca: {  	v34, _, _ =	vpop (xrf2)  }
0x1cb: {  	v36, v37, _ =	vpop (xrf1)  }
0x1cc: {  	v38, v39, _ =	vpop (xrf1)  }
0x1cd: {  	v40, v41, _ =	vpop (xrf1)  }
0x1ce: {  	v14 =	vsub.f32 v55, v35;
	v42, v27, _ =	vpop (xrf1)  }
0x1cf: {  	v43, v28, _ =	vpop (xrf1)  }
0x1d0: {  	v14 =	vand.u32 $0x7FFFFFFF, v14;
	v22 =	vsel vm0, v38, v40;
	v23 =	vsel vm0, v39, v41;
	v47, _, _ =	vpop (xrf2)  }
0x1d1: {  	v48 =	vnsel vm0, $0x0, v14;
	(xrf1) =	vsort.dscd.msk.f32 $0xffff, v22, v23;
	v44, v45, _ =	vpop (xrf1)  }
0x1d2: {  	(xrf2) =	vadd.scan.msk.f32 $0xffff, v48;
	v16 =	vsel vm0, v42, v43;
	v46 =	vsel vm0, v27, v28;
	v49, v50, _ =	vpop (xrf1)  }
0x1d3: {  	v15 =	vperm.xlane v34, v4;
	(xrf1) =	vsort.ascd.msk.f32 $0xffff, v16, v46;
	v51, v27, _ =	vpop (xrf1)  }
0x1d4: {  	v23 =	vperm.xlane v47, v4;
	v14 =	vsel vm0, v49, v51;
	v16 =	vsel vm0, v50, v27;
	v52, v53, _ =	vpop (xrf1)  }
0x1d5: {  	v15 =	vmax.f32 v15, $9.999999960e-13;
	v54 =	vsel vm0, v36, v44;
	v55 =	vsel vm0, v37, v45;
	(xrf1) =	vsort.dscd.msk.f32 $0xffff, v14, v16;
	v56, v57, _ =	vpop (xrf1)  }
0x1d6: {  	(erf) = vrcp.f32 v15;
	v58 =	vsel vm0, v52, v56;
	v59 =	vsel vm0, v53, v57;
	(xrf1) =	vsort.dscd.msk.f32 $0xffff, v54, v55  }
0x1d7: {  	(xrf1) =	vsort.ascd.msk.f32 $0xffff, v58, v59  }
0x1d8: {  	v60 =	vmax.f32 v23, $9.999999960e-13  }
0x1d9: {  	(erf) = vrcp.f32 v60;
	_ =	sdelay $0x2  }
0x1da: {  	v61, _, _ =	vpop (xrf2)  }
0x1db: {  	v62 =	vperm.xlane v61, v4;
	_ =	sdelay $0x1  }
0x1dc: {  	v14 =	vpop (erf);
	v15 =	vmax.f32 v62, $9.999999960e-13  }
0x1dd: {  	v63, v24, _ =	vpop (xrf1)  }
0x1de: {  	(erf) = vrcp.f32 v15;
	v27, v25, _ =	vpop (xrf1)  }
0x1df: {  	v28 =	vpop (erf);
	v29 =	vsel vm0, v63, v27;
	v30 =	vsel vm0, v24, v25  }
0x1e0: {  	(xrf1) =	vsort.dscd.msk.f32 $0xffff, v29, v30;
	v16, v15, _ =	vpop (xrf1)  }
0x1e1: {  	v32, v31, _ =	vpop (xrf1)  }
0x1e2: {  	v20 =	vmul.f32 v20, v28;
	v33, v34, _ =	vpop (xrf1)  }
0x1e3: {  	v17 =	vsel vm0, v32, v33;
	v18 =	vsel vm0, v31, v34  }
0x1e4: {  	[tilespmem:s20+$0x0] =	vst.msk $0xff, v20;
	(xrf1) =	vsort.dscd.msk.f32 $0xffff, v17, v18  }
0x1e5: {  	[tilespmem:s19+$0x0] =	vst.msk $0xff, v19  }
0x1e6: {  	s5 =	sor.u32 $0x60, s0;
	v35 =	vld [tilespmem:s22+$0x40]  }
0x1e7: {  	s22 =	sor.u32 $0x50, s0;
	v20 =	vld [tilespmem:s5+$0x0];
	v37 =	vpop (erf)  }
0x1e8: {  	v36 =	vld [tilespmem:s22+$0x0];
	v19 =	vmul.f32 v48, v37  }
0x1e9: {  	s11 =	sor.u32 $0x70, s0;
	v38 =	vld.idx.msk [tilespmem:v15+s9+$0x0], $0xffff  }
0x1ea: {  	v39 =	vld [tilespmem:s11+$0x0];
	[tilespmem:s30+$0xFFFFFFF8] =	vst.msk $0xff, v19  }
0x1eb: {  	[tilespmem:s31+$0xFFFFFFF8] =	vst.msk $0xff, v21  }
0x1ec: {  	v17 =	vadd.f32 v35, v8;
	v19 =	vld [tilespmem:s23+$0x0]  }
0x1ed: {  	v18 =	vadd.f32 v36, v5;
	v21 =	vld [tilespmem:s23+$0x10]  }
0x1ee: {  	v20 =	vadd.f32 v20, v6;
	(xrf1) =	vsort.dscd.msk.f32 $0xffff, v17, v0;
	v41 =	vld [tilespmem:s23+$0x20];
	v16 =	vsub.f32 v16, v38;
	v40, v24, _ =	vpop (xrf1)  }
0x1ef: {  	v23 =	vadd.f32 v39, v7;
	(xrf1) =	vsort.ascd.msk.f32 $0xffff, v18, v1;
	v42 =	vld [tilespmem:s23+$0x30]  }
0x1f0: {  	(xrf1) =	vsort.dscd.msk.f32 $0xffff, v20, v2;
	v16 =	vand.u32 $0x7FFFFFFF, v16  }
0x1f1: {  	(xrf1) =	vsort.ascd.msk.f32 $0xffff, v23, v3;
	v16 =	vnsel vm0, $0x0, v16;
	v19 =	vadd.f32 v19, v8  }
0x1f2: {  	v43 =	vadd.f32 v21, v5;
	(xrf2) =	vadd.scan.msk.f32 $0xffff, v16;
	v44 =	vld.idx.msk [tilespmem:v24+s9+$0x0], $0xffff;
	v45, v25, _ =	vpop (xrf1)  }
0x1f3: {  	v22 =	vadd.f32 v41, v6;
	(xrf1) =	vsort.dscd.msk.f32 $0xffff, v19, v0  }
0x1f4: {  	v18 =	vadd.f32 v42, v7;
	(xrf1) =	vsort.ascd.msk.f32 $0xffff, v43, v1  }
0x1f5: {  	(xrf1) =	vsort.dscd.msk.f32 $0xffff, v22, v2  }
0x1f6: {  	(xrf1) =	vsort.ascd.msk.f32 $0xffff, v18, v3;
	v46 =	vld.idx.msk [tilespmem:v25+s9+$0x0], $0xffff  }
0x1f7: {  	v17 =	vsub.f32 v40, v44;
	_ =	sdelay $0x1  }
0x1f8: {  	v17 =	vand.u32 $0x7FFFFFFF, v17  }
0x1f9: {  	v47 =	vnsel vm0, $0x0, v17  }
0x1fa: {  	(xrf2) =	vadd.scan.msk.f32 $0xffff, v47;
	v48 =	vsub.f32 v45, v46  }
0x1fb: {  	v50, v49, _ =	vpop (xrf1)  }
0x1fc: {  	v52, v51, _ =	vpop (xrf1);
	v17 =	vand.u32 $0x7FFFFFFF, v48  }
0x1fd: {  	v54, v53, _ =	vpop (xrf1);
	v20 =	vsel vm0, v49, v51;
	v55 =	vnsel vm0, $0x0, v17  }
0x1fe: {  	v18 =	vsel vm0, v50, v52;
	v56, _, _ =	vpop (xrf2);
	(xrf2) =	vadd.scan.msk.f32 $0xffff, v55  }
0x1ff: {  	v57, v29, _ =	vpop (xrf1)  }
0x200: {  	(xrf1) =	vsort.dscd.msk.f32 $0xffff, v18, v20;
	v23 =	vsel vm0, v54, v57;
	v26 =	vsel vm0, v53, v29;
	v58, v59, _ =	vpop (xrf1)  }
0x201: {  	(xrf1) =	vsort.ascd.msk.f32 $0xffff, v23, v26;
	v18, v20, _ =	vpop (xrf1)  }
0x202: {  	v60, v61, _ =	vpop (xrf1)  }
0x203: {  	v18 =	vsel vm0, v58, v18;
	v20 =	vsel vm0, v59, v20;
	v62, v63, _ =	vpop (xrf1)  }
0x204: {  	v17 =	vperm.xlane v56, v4;
	(xrf1) =	vsort.dscd.msk.f32 $0xffff, v18, v20;
	v26, _, _ =	vpop (xrf2)  }
0x205: {  	v30 =	vsel vm0, v60, v62;
	v31 =	vsel vm0, v61, v63;
	v18 =	vperm.xlane v26, v4  }
0x206: {  	v17 =	vmax.f32 v17, $9.999999960e-13;
	(xrf1) =	vsort.ascd.msk.f32 $0xffff, v30, v31  }
0x207: {  	(erf) = vrcp.f32 v17;
	v32 =	vmax.f32 v18, $9.999999960e-13  }
0x208: {  	(erf) = vrcp.f32 v32;
	v33, _, _ =	vpop (xrf2)  }
0x209: {  	v17 =	vperm.xlane v33, v4;
	_ =	sdelay $0x1  }
0x20a: {  	v17 =	vmax.f32 v17, $9.999999960e-13  }
0x20b: {  	(erf) = vrcp.f32 v17;
	_ =	sdelay $0x1  }
0x20c: {  	v35, v34, _ =	vpop (xrf1)  }
0x20d: {  	v37, v23, _ =	vpop (xrf1)  }
0x20e: {  	v20 =	vsel vm0, v34, v23;
	v17 =	vpop (erf)  }
0x20f: {  	v18 =	vsel vm0, v35, v37;
	v36 =	vpop (erf)  }
0x210: {  	v19 =	vmul.f32 v47, v36  }
0x211: {  	v38, v39, _ =	vpop (xrf1)  }
0x212: {  	(xrf1) =	vsort.dscd.msk.f32 $0xffff, v18, v20;
	v18, v20, _ =	vpop (xrf1);
	[tilespmem:s26+$0x0] =	vst.msk $0xff, v19  }
0x213: {  	v18 =	vsel vm0, v38, v18;
	v20 =	vsel vm0, v39, v20;
	[tilespmem:s28+$0x0] =	vst.msk $0xff, v24;
	v40 =	vpop (erf)  }
0x214: {  	(xrf1) =	vsort.dscd.msk.f32 $0xffff, v18, v20;
	v41 =	vld [tilespmem:s21+$0x40];
	s21 =	sor.u32 $0x50, s29;
	v19 =	vmul.f32 v55, v40  }
0x215: {  	s22 =	sor.u32 $0x60, s29;
	v42 =	vld [tilespmem:s21+$0x0]  }
0x216: {  	s4 =	sor.u32 $0x70, s29;
	v43 =	vld [tilespmem:s22+$0x0];
	[tilespmem:s24+$0xFFFFFFF8] =	vst.msk $0xff, v19  }
0x217: {  	v44 =	vld [tilespmem:s4+$0x0];
	[tilespmem:s1+$0xFFFFFFF8] =	vst.msk $0xff, v25  }
0x218: {  	v45 =	vld [tilespmem:s25+$0x0]  }
0x219: {  	v21 =	vadd.f32 v41, v8;
	v46 =	vld [tilespmem:s25+$0x10]  }
0x21a: {  	v18 =	vadd.f32 v42, v5;
	v47 =	vld [tilespmem:s25+$0x20]  }
0x21b: {  	v20 =	vadd.f32 v43, v6;
	v48 =	vld [tilespmem:s25+$0x30];
	(xrf1) =	vsort.dscd.msk.f32 $0xffff, v21, v0  }
0x21c: {  	v19 =	vadd.f32 v44, v7;
	(xrf1) =	vsort.ascd.msk.f32 $0xffff, v18, v1  }
0x21d: {  	(xrf1) =	vsort.dscd.msk.f32 $0xffff, v20, v2;
	v49 =	vadd.f32 v45, v8  }
0x21e: {  	(xrf1) =	vsort.ascd.msk.f32 $0xffff, v19, v3;
	v50 =	vadd.f32 v46, v5  }
0x21f: {  	v51 =	vadd.f32 v47, v6;
	(xrf1) =	vsort.dscd.msk.f32 $0xffff, v49, v0  }
0x220: {  	v22, v18, _ =	vpop (xrf1);
	v21 =	vadd.f32 v48, v7;
	(xrf1) =	vsort.ascd.msk.f32 $0xffff, v50, v1  }
0x221: {  	(xrf1) =	vsort.dscd.msk.f32 $0xffff, v51, v2  }
0x222: {  	v52, v53, _ =	vpop (xrf1);
	(xrf1) =	vsort.ascd.msk.f32 $0xffff, v21, v3;
	_ =	sdelay $0x1  }
0x223: {  	v54 =	vld.idx.msk [tilespmem:v18+s9+$0x0], $0xffff;
	_ =	sdelay $0x1  }
0x224: {  	v55 =	vld.idx.msk [tilespmem:v53+s9+$0x0], $0xffff;
	_ =	sdelay $0x2  }
0x225: {  	v19 =	vsub.f32 v22, v54;
	v57, v56, _ =	vpop (xrf1)  }
0x226: {  	v59, v58, _ =	vpop (xrf1)  }
0x227: {  	v20 =	vsub.f32 v52, v55;
	v19 =	vand.u32 $0x7FFFFFFF, v19;
	v61, v60, _ =	vpop (xrf1)  }
0x228: {  	v19 =	vnsel vm0, $0x0, v19;
	v22 =	vsel vm0, v57, v59;
	v63, v62, _ =	vpop (xrf1)  }
0x229: {  	v24 =	vsel vm0, v56, v58;
	v20 =	vand.u32 $0x7FFFFFFF, v20;
	(xrf2) =	vadd.scan.msk.f32 $0xffff, v19;
	v30, v31, _ =	vpop (xrf1)  }
0x22a: {  	(xrf1) =	vsort.dscd.msk.f32 $0xffff, v22, v24;
	v20 =	vnsel vm0, $0x0, v20;
	v34, v35, _ =	vpop (xrf1)  }
0x22b: {  	v32 =	vsel vm0, v61, v63;
	v33 =	vsel vm0, v60, v62;
	(xrf2) =	vadd.scan.msk.f32 $0xffff, v20;
	v22, v23, _ =	vpop (xrf1)  }
0x22c: {  	(xrf1) =	vsort.ascd.msk.f32 $0xffff, v32, v33;
	v24 =	vsel vm0, v30, v34;
	v36 =	vsel vm0, v31, v35;
	v26, v27, _ =	vpop (xrf1)  }
0x22d: {  	(xrf1) =	vsort.dscd.msk.f32 $0xffff, v24, v36;
	v22 =	vsel vm0, v22, v26;
	v23 =	vsel vm0, v23, v27  }
0x22e: {  	(xrf1) =	vsort.ascd.msk.f32 $0xffff, v22, v23;
	_ =	sdelay $0x8  }
0x22f: {  	v37, _, _ =	vpop (xrf2)  }
0x230: {  	v38, _, _ =	vpop (xrf2)  }
0x231: {  	v24, v25, _ =	vpop (xrf1)  }
0x232: {  	v39, v40, _ =	vpop (xrf1)  }
0x233: {  	v22 =	vperm.xlane v37, v4;
	v28, v29, _ =	vpop (xrf1)  }
0x234: {  	v23 =	vperm.xlane v38, v4;
	v24 =	vsel vm0, v24, v39;
	v25 =	vsel vm0, v25, v40;
	v41, v42, _ =	vpop (xrf1)  }
0x235: {  	v22 =	vmax.f32 v22, $9.999999960e-13;
	(xrf1) =	vsort.dscd.msk.f32 $0xffff, v24, v25;
	v43 =	vsel vm0, v28, v41;
	v44 =	vsel vm0, v29, v42  }
0x236: {  	(erf) = vrcp.f32 v22;
	v45 =	vmax.f32 v23, $9.999999960e-13;
	(xrf1) =	vsort.dscd.msk.f32 $0xffff, v43, v44  }
0x237: {  	(erf) = vrcp.f32 v45;
	_ =	sdelay $0x7  }
0x238: {  	v22 =	vpop (erf)  }
0x239: {  	v46 =	vpop (erf)  }
0x23a: {  	v20 =	vmul.f32 v20, v46;
	_ =	sdelay $0x1  }
0x23b: {  	[tilespmem:s30+$0x0] =	vst.msk $0xff, v20;
	v47, v23, _ =	vpop (xrf1)  }
0x23c: {  	[tilespmem:s31+$0x0] =	vst.msk $0xff, v53;
	v48, v24, _ =	vpop (xrf1)  }
0x23d: {  	s5 =	sor.u32 $0x50, s2;
	v49 =	vld [tilespmem:s23+$0x40]  }
0x23e: {  	v50 =	vld [tilespmem:s5+$0x0]  }
0x23f: {  	v51 =	vld.idx.msk [tilespmem:v23+s9+$0x0], $0xffff  }
0x240: {  	v52 =	vld.idx.msk [tilespmem:v24+s9+$0x0], $0xffff;
	_ =	sdelay $0x1  }
0x241: {  	s11 =	sor.u32 $0x60, s2  }
0x242: {  	s21 =	sor.u32 $0x70, s2;
	v53 =	vld [tilespmem:s11+$0x0]  }
0x243: {  	v30 =	vld [tilespmem:s21+$0x0];
	v25 =	vadd.f32 v49, v8;
	v20 =	vsub.f32 v47, v51  }
0x244: {  	v26 =	vadd.f32 v50, v5;
	v21 =	vsub.f32 v48, v52  }
0x245: {  	(xrf1) =	vsort.dscd.msk.f32 $0xffff, v25, v0;
	v20 =	vand.u32 $0x7FFFFFFF, v20  }
0x246: {  	(xrf1) =	vsort.ascd.msk.f32 $0xffff, v26, v1;
	v20 =	vnsel vm0, $0x0, v20;
	v21 =	vand.u32 $0x7FFFFFFF, v21  }
0x247: {  	v54 =	vadd.f32 v53, v6;
	(xrf2) =	vadd.scan.msk.f32 $0xffff, v20;
	v21 =	vnsel vm0, $0x0, v21  }
0x248: {  	v55 =	vadd.f32 v30, v7;
	(xrf2) =	vadd.scan.msk.f32 $0xffff, v21  }
0x249: {  	(xrf1) =	vsort.dscd.msk.f32 $0xffff, v54, v2  }
0x24a: {  	(xrf1) =	vsort.ascd.msk.f32 $0xffff, v55, v3;
	_ =	sdelay $0x6  }
0x24b: {  	v56, _, _ =	vpop (xrf2)  }
0x24c: {  	v25 =	vperm.xlane v56, v4;
	v57, _, _ =	vpop (xrf2)  }
0x24d: {  	v26 =	vperm.xlane v57, v4  }
0x24e: {  	v25 =	vmax.f32 v25, $9.999999960e-13  }
0x24f: {  	v58, v59, _ =	vpop (xrf1);
	(erf) = vrcp.f32 v25;
	v60 =	vmax.f32 v26, $9.999999960e-13  }
0x250: {  	v62, v61, _ =	vpop (xrf1);
	(erf) = vrcp.f32 v60  }
0x251: {  	v33, v63, _ =	vpop (xrf1)  }
0x252: {  	v34 =	vsel vm0, v59, v61;
	v28, v29, _ =	vpop (xrf1);
	v26 =	vsel vm0, v58, v62  }
0x253: {  	v35 =	vsel vm0, v63, v29;
	v25 =	vsel vm0, v33, v28;
	(xrf1) =	vsort.dscd.msk.f32 $0xffff, v26, v34  }
0x254: {  	(xrf1) =	vsort.ascd.msk.f32 $0xffff, v25, v35;
	_ =	sdelay $0x3  }
0x255: {  	v36 =	vpop (erf)  }
0x256: {  	v37 =	vpop (erf)  }
0x257: {  	v21 =	vmul.f32 v21, v37;
	_ =	sdelay $0x1  }
0x258: {  	[tilespmem:s24+$0x0] =	vst.msk $0xff, v21  }
0x259: {  	[tilespmem:s1+$0x0] =	vst.msk $0xff, v24  }
0x25a: {  	s22 =	sor.u32 $0x50, s10;
	v21 =	vld [tilespmem:s25+$0x40]  }
0x25b: {  	s23 =	sor.u32 $0x60, s10;
	v24 =	vld [tilespmem:s22+$0x0]  }
0x25c: {  	v38 =	vld [tilespmem:s23+$0x0];
	s25 =	sor.u32 $0x70, s10  }
0x25d: {  	v40, v41, _ =	vpop (xrf1);
	v39 =	vld [tilespmem:s25+$0x0]  }
0x25e: {  	v42, v31, _ =	vpop (xrf1)  }
0x25f: {  	v28 =	vsel vm0, v40, v42;
	v29 =	vsel vm0, v41, v31;
	v43 =	vadd.f32 v21, v8  }
0x260: {  	(xrf1) =	vsort.dscd.msk.f32 $0xffff, v28, v29;
	v5 =	vadd.f32 v24, v5  }
0x261: {  	v6 =	vadd.f32 v38, v6;
	(xrf1) =	vsort.dscd.msk.f32 $0xffff, v43, v0  }
0x262: {  	v7 =	vadd.f32 v39, v7;
	(xrf1) =	vsort.ascd.msk.f32 $0xffff, v5, v1  }
0x263: {  	(xrf1) =	vsort.dscd.msk.f32 $0xffff, v6, v2  }
0x264: {  	(xrf1) =	vsort.ascd.msk.f32 $0xffff, v7, v3;
	_ =	sdelay $0x9  }
0x265: {  	v5, v6, _ =	vpop (xrf1)  }
0x266: {  	v7, v8, _ =	vpop (xrf1)  }
0x267: {  	v44, v45, _ =	vpop (xrf1)  }
0x268: {  	v46, v47, _ =	vpop (xrf1)  }
0x269: {  	v7 =	vsel vm0, v7, v44;
	v8 =	vsel vm0, v8, v45;
	v48, v49, _ =	vpop (xrf1)  }
0x26a: {  	(xrf1) =	vsort.dscd.msk.f32 $0xffff, v7, v8;
	v7 =	vsel vm0, v46, v48;
	v50 =	vsel vm0, v47, v49  }
0x26b: {  	(xrf1) =	vsort.ascd.msk.f32 $0xffff, v7, v50;
	_ =	sdelay $0xc  }
0x26c: {  	v7, v8, _ =	vpop (xrf1)  }
0x26d: {  	v51, v52, _ =	vpop (xrf1)  }
0x26e: {  	v7 =	vsel vm0, v7, v51;
	v8 =	vsel vm0, v8, v52  }
0x26f: {  	(xrf1) =	vsort.dscd.msk.f32 $0xffff, v7, v8;
	_ =	sdelay $0xd  }
0x270: {  	v7, v8, _ =	vpop (xrf1);
	_ =	sdelay $0x1  }
0x271: {  	v53 =	vld.idx.msk [tilespmem:v6+s9+$0x0], $0xffff;
	_ =	sdelay $0x1  }
0x272: {  	v54 =	vld.idx.msk [tilespmem:v8+s9+$0x0], $0xffff;
	_ =	sdelay $0x2  }
0x273: {  	v5 =	vsub.f32 v5, v53;
	_ =	sdelay $0x1  }
0x274: {  	v5 =	vand.u32 $0x7FFFFFFF, v5;
	v7 =	vsub.f32 v7, v54  }
0x275: {  	v5 =	vnsel vm0, $0x0, v5  }
0x276: {  	(xrf2) =	vadd.scan.msk.f32 $0xffff, v5;
	v7 =	vand.u32 $0x7FFFFFFF, v7  }
0x277: {  	v7 =	vnsel vm0, $0x0, v7  }
0x278: {  	(xrf2) =	vadd.scan.msk.f32 $0xffff, v7;
	_ =	sdelay $0x7  }
0x279: {  	v55, _, _ =	vpop (xrf2)  }
0x27a: {  	v21 =	vperm.xlane v55, v4  }
0x27b: {  	v56, _, _ =	vpop (xrf2)  }
0x27c: {  	v21 =	vmax.f32 v21, $9.999999960e-13;
	v24 =	vperm.xlane v56, v4  }
0x27d: {  	v10 =	vmul.f32 v10, v11;
	(erf) = vrcp.f32 v21  }
0x27e: {  	v57 =	vmax.f32 v24, $9.999999960e-13  }
0x27f: {  	[tilespmem:s13+$0x8] =	vst.msk $0xff, v10;
	v59 =	vmul.f32 v16, v17;
	(erf) = vrcp.f32 v57  }
0x280: {  	[tilespmem:s14+$0x8] =	vst.msk $0xff, v9  }
0x281: {  	[tilespmem:s17+$0x8] =	vst.msk $0xff, v59;
	v58 =	vmul.f32 v13, v14  }
0x282: {  	[tilespmem:s18+$0x8] =	vst.msk $0xff, v15  }
0x283: {  	v60 =	vmul.f32 v19, v22;
	[tilespmem:s15+$0x8] =	vst.msk $0xff, v58  }
0x284: {  	[tilespmem:s16+$0x8] =	vst.msk $0xff, v12  }
0x285: {  	[tilespmem:s20+$0x8] =	vst.msk $0xff, v60;
	v61 =	vmul.f32 v20, v36  }
0x286: {  	[tilespmem:s19+$0x8] =	vst.msk $0xff, v18;
	v62 =	vpop (erf)  }
0x287: {  	[tilespmem:s26+$0x8] =	vst.msk $0xff, v61;
	v5 =	vmul.f32 v5, v62  }
0x288: {  	[tilespmem:s28+$0x8] =	vst.msk $0xff, v23;
	v63 =	vpop (erf)  }
0x289: {  	[tilespmem:s30+$0x8] =	vst.msk $0xff, v5;
	v5 =	vmul.f32 v7, v63  }
0x28a: {  	[tilespmem:s31+$0x8] =	vst.msk $0xff, v6  }
0x28b: {  	[tilespmem:s24+$0x8] =	vst.msk $0xff, v5  }
0x28c: {  	[tilespmem:s1+$0x8] =	vst.msk $0xff, v8  }
0x28d: {  	s30 =	simm.s32 $0x4080;
	s29 =	rddreg [dreg:$0x6]  }
0x28e: {  	[hbm4b:s29+s3] =	stream.linear.scatter [tilespmem:s30], [sflag:$0x1], $0x800, $0x38;
	[tilespmem:$0x5180] =	vst v63  }
0x28f: {  	s12 =	sadd.s32 $0x1, s12;
	_ =	swait.ge [sflag:s8], $0x800  }
0x290: {  	p0 =	sne.s32 s12, s7;
	[sflag:s8] =	ssyncset.done $0x0  }
.Ltmp1:
0x291: {  	s31 =	simm.s32 $0x4900;
	[sflag:s8] =	ssyncadd.s32 $0xFFFFF800;
	(pc) =	sbr.rel @p0 .LBB2_1-.Ltmp1, $4  }
0x292: {  	[hbm4b:s6+s3] =	stream.linear.scatter [tilespmem:s31], [sflag:$0x1], $0x800, $0x38;
	[tilespmem:$0x5180] =	vst v63  }
0x293: {  	_ =	swait.ge [sflag:s8], $0x800  }
0x294: {  	[sflag:s8] =	ssyncset.done $0x0  }
0x295: {  	[sflag:s8] =	ssyncadd.s32 $0xFFFFF800  }
0x296: {  	_ =	sfence.sel $0x180000  }
0x297: {  	[bflag:$0x0] =	sbarrier.arrive $0xFFFF  }
0x298: {  	_ =	strace $0x9000004A  }
0x299: {  	s0 =	stileid.u32;
	[bflag:$0x2] =	sbarrier.arrive $0xFFFF  }
0x29a: {  	p0 =	sne.s32 s0, $0x0;
	s0 =	rddreg [dreg:$0x4]  }
0x29b: {  	s0 =	sadd.s32 @!p0 $0x100000, s0  }
0x29c: {  	[sflag:s0] =	ssyncadd.tile.s32 @!p0 $0x1;
	_ =	shalt  }
.Lfunc_end2:
_tile_overlayer_lowered:
.L_overlay_start_2:
0x29d: {  	(tag) =	ssettag $0x2  }
0x29e: {  	s0 =	rddreg [dreg:$0x0];
	s2 =	stileid.u32  }
0x29f: {  	s1 =	rddreg [dreg:$0x1];
	p0 =	sne.s32 s2, $0x0  }
0x2a0: {  	s3 =	rddreg [dreg:$0x2];
	[bflag:$0x3] =	sbarrier.arrive $0xFFFF;
	s2 =	simm.s32 @!p0 $0x1C01  }
0x2a1: {  	[timem:s3], [sflag:s2] =	dma.local @!p0 [hbm:s0], s1  }
0x2a2: {  	s0 =	simm.s32 @!p0 $0x1  }
0x2a3: {  	_ =	swait.ge @!p0 [sflag:s0], s1  }
0x2a4: {  	s1 =	ssub.s32 @!p0 $0x0, s1;
	[sflag:s0] =	ssyncset.done @!p0 $0x0  }
0x2a5: {  	[sflag:s0] =	ssyncadd.s32 @!p0 s1  }
0x2a6: {  	[bflag:$0x3] =	sbarrier.arrive $0xFFFF  }
0x2a7: {  	_ =	shalt  }

</sc_bundles>
